<compile_context>
chip_gen: v7x
topology: tpu7x:2x2x1
jax: 0.10.2.dev20260603
libtpu: 0.0.44.dev20260713+nightly
codegen_flags: <defaults>
</compile_context>

<pallas_src>
import jax
import jax.numpy as jnp
from jax import lax
from jax.experimental import pallas as pl
from jax.experimental.pallas import tpu as pltpu
from jax.experimental.pallas import tpu_sc as plsc

NCORES = 2
NSUB = 16
LANES = 16
NPIX = 512 * 512
CHUNK = NPIX // NSUB
NCH = 24
NBINS = 256
ROWS = 512 // NSUB


def _floorf(x):
    return x.astype(jnp.int32).astype(jnp.float32)


def _equalize_body(img, out, pix_a, pix_b, out_a, out_b, hist24, part,
                   histred, cum, lutall, lut_a, lut_b, hist_sh, lut_sh,
                   sem_ia, sem_ib, sem_oa, sem_ob, sem_la, sem_lb):
    c = lax.axis_index("c")
    s = lax.axis_index("s")
    iota = lax.iota(jnp.int32, LANES)
    ones = jnp.ones((LANES,), jnp.float32)
    zeros = jnp.zeros((LANES,), jnp.float32)

    def in_slice(ch):
        return img.at[c * NCH + ch, pl.ds(s * ROWS, ROWS)]

    def out_slice(ch):
        return out.at[c * NCH + ch, pl.ds(s * ROWS, ROWS)]

    @plsc.parallel_loop(0, NCH * NBINS // LANES, 1, unroll=4)
    def _(j):
        r = j >> 4
        col = (j & 15) * LANES
        hist24[r, pl.ds(col, LANES)] = zeros

    def scatter_chunk(pix, ch):
        chv = jnp.full((LANES,), ch, jnp.int32)

        @plsc.parallel_loop(0, CHUNK // LANES, 1, unroll=16)
        def _(i):
            v = pix[i >> 5, pl.ds((i & 31) * LANES, LANES)]
            plsc.addupdate_scatter(hist24, [chv, v], ones)

    pltpu.async_copy(in_slice(0), pix_a, sem_ia)

    def p1_body(j, _):
        ch_a = 2 * j
        ch_b = 2 * j + 1
        pltpu.async_copy(in_slice(ch_b), pix_b, sem_ib)
        pltpu.make_async_copy(in_slice(ch_a), pix_a, sem_ia).wait()
        scatter_chunk(pix_a, ch_a)

        @pl.when(ch_a + 2 < NCH)
        def _():
            pltpu.async_copy(in_slice(ch_a + 2), pix_a, sem_ia)
        pltpu.make_async_copy(in_slice(ch_b), pix_b, sem_ib).wait()
        scatter_chunk(pix_b, ch_b)
        return 0
    lax.fori_loop(0, NCH // 2, p1_body, 0)

    pltpu.sync_copy(hist24, hist_sh.at[s])
    plsc.subcore_barrier()

    def make_lut(chv):
        pltpu.sync_copy(hist_sh.at[:, chv], part)

        @plsc.parallel_loop(0, NBINS // LANES, 1, unroll=2)
        def _(j):
            acc = part[0, pl.ds(j * LANES, LANES)]
            for r in range(1, NSUB):
                acc = acc + part[r, pl.ds(j * LANES, LANES)]
            histred[pl.ds(j * LANES, LANES)] = acc

        def cbody(j, carry):
            cacc, li = carry
            x = histred[pl.ds(j * LANES, LANES)]
            cs = plsc.cumsum(x) + cacc
            cum[pl.ds(j * LANES, LANES)] = cs
            gidx = iota + j * LANES
            ljm = jnp.max(jnp.where(x > 0.0, gidx, -1))
            return (jnp.max(cs), jnp.maximum(li, ljm))
        total, li = lax.fori_loop(
            0, NBINS // LANES, cbody, (jnp.float32(0.0), jnp.int32(-1)))

        def hbody(j, acc):
            x = histred[pl.ds(j * LANES, LANES)]
            gidx = iota + j * LANES
            return acc + jnp.sum(jnp.where(gidx == li, x, 0.0))
        hist_last = lax.fori_loop(0, NBINS // LANES, hbody, jnp.float32(0.0))

        num_v = jnp.full((LANES,), total - hist_last, jnp.float32)
        step = _floorf(num_v / 255.0)
        half = _floorf(step * 0.5)
        div = jnp.maximum(step, 1.0)
        ident = step <= 0.0
        chs = jnp.full((LANES,), chv, jnp.int32)

        def lbody(j, _):
            cs = cum[pl.ds(j * LANES, LANES)]
            val = jnp.clip(_floorf((cs + half) / div), 0.0, 255.0)
            gidx = iota + j * LANES
            val = jnp.where(ident, (gidx + 1).astype(jnp.float32), val)
            plsc.store_scatter(
                lutall, [chs, gidx + 1], val, mask=gidx < NBINS - 1)
            return 0
        lax.fori_loop(0, NBINS // LANES, lbody, 0)
        v0 = lutall[chv, pl.ds(0, LANES)]
        lutall[chv, pl.ds(0, LANES)] = jnp.where(iota == 0, 0.0, v0)

        def ibody(j, _):
            x = lutall[chv, pl.ds(j * LANES, LANES)]
            for k in range(LANES):
                val = jnp.full((LANES,), x[k], jnp.float32)
                lut_a[2 * j + k // 8, pl.ds((k & 7) * LANES, LANES)] = val
            return 0
        lax.fori_loop(0, NBINS // LANES, ibody, 0)
        pltpu.sync_copy(lut_a, lut_sh.at[chv])

    for rep in range(2):
        chx = s + NSUB * rep

        @pl.when(chx < NCH)
        def _(chx=chx):
            make_lut(chx)

    plsc.subcore_barrier()

    def gather_chunk(pix, lutrep, outb):
        @plsc.parallel_loop(0, CHUNK // LANES, 1, unroll=16)
        def _(i):
            r = i >> 5
            sl = pl.ds((i & 31) * LANES, LANES)
            flat = (pix[r, sl] << 4) + iota
            outb[r, sl] = plsc.load_gather(
                lutrep, [flat >> 7, flat & 127])

    pltpu.async_copy(in_slice(0), pix_a, sem_ia)
    pltpu.async_copy(lut_sh.at[0], lut_a, sem_la)

    def p2_body(j, _):
        ch_a = 2 * j
        ch_b = 2 * j + 1
        pltpu.async_copy(in_slice(ch_b), pix_b, sem_ib)
        pltpu.async_copy(lut_sh.at[ch_b], lut_b, sem_lb)
        pltpu.make_async_copy(in_slice(ch_a), pix_a, sem_ia).wait()
        pltpu.make_async_copy(lut_sh.at[ch_a], lut_a, sem_la).wait()

        @pl.when(j > 0)
        def _():
            pltpu.make_async_copy(out_a, out_slice(ch_a - 2), sem_oa).wait()
        gather_chunk(pix_a, lut_a, out_a)
        pltpu.async_copy(out_a, out_slice(ch_a), sem_oa)

        @pl.when(ch_a + 2 < NCH)
        def _():
            pltpu.async_copy(in_slice(ch_a + 2), pix_a, sem_ia)
            pltpu.async_copy(lut_sh.at[ch_a + 2], lut_a, sem_la)
        pltpu.make_async_copy(in_slice(ch_b), pix_b, sem_ib).wait()
        pltpu.make_async_copy(lut_sh.at[ch_b], lut_b, sem_lb).wait()

        @pl.when(j > 0)
        def _():
            pltpu.make_async_copy(out_b, out_slice(ch_b - 2), sem_ob).wait()
        gather_chunk(pix_b, lut_b, out_b)
        pltpu.async_copy(out_b, out_slice(ch_b), sem_ob)
        return 0
    lax.fori_loop(0, NCH // 2, p2_body, 0)

    pltpu.make_async_copy(out_a, out_slice(NCH - 2), sem_oa).wait()
    pltpu.make_async_copy(out_b, out_slice(NCH - 1), sem_ob).wait()


@jax.jit
def kernel(image):
    B, C, H, W = image.shape
    flat = image.reshape(B * C, H, W)

    mesh = plsc.VectorSubcoreMesh(
        core_axis_name="c", subcore_axis_name="s",
        num_cores=NCORES, num_subcores=NSUB)
    eq = pl.kernel(
        _equalize_body,
        out_type=jax.ShapeDtypeStruct((B * C, H, W), jnp.float32),
        mesh=mesh,
        compiler_params=pltpu.CompilerParams(
            use_tc_tiling_on_sc=True, needs_layout_passes=False),
        scratch_types=[
            pltpu.VMEM((ROWS, 512), jnp.int32),
            pltpu.VMEM((ROWS, 512), jnp.int32),
            pltpu.VMEM((ROWS, 512), jnp.float32),
            pltpu.VMEM((ROWS, 512), jnp.float32),
            pltpu.VMEM((NCH, NBINS), jnp.float32),
            pltpu.VMEM((NSUB, NBINS), jnp.float32),
            pltpu.VMEM((NBINS,), jnp.float32),
            pltpu.VMEM((NBINS,), jnp.float32),
            pltpu.VMEM((NCH, NBINS), jnp.float32),
            pltpu.VMEM((NBINS // 8, 128), jnp.float32),
            pltpu.VMEM((NBINS // 8, 128), jnp.float32),
            pltpu.VMEM_SHARED((NSUB, NCH, NBINS), jnp.float32),
            pltpu.VMEM_SHARED((NCH, NBINS // 8, 128), jnp.float32),
            pltpu.SemaphoreType.DMA,
            pltpu.SemaphoreType.DMA,
            pltpu.SemaphoreType.DMA,
            pltpu.SemaphoreType.DMA,
            pltpu.SemaphoreType.DMA,
            pltpu.SemaphoreType.DMA,
        ],
    )
    return eq(flat).reshape(B, C, H, W)

# --- scband reference (transcript-rebuilt; emitter-appended) ---
"""Pipeline reference for scband-equalize-49082886259136 (READ-ONLY COPY).

The authoritative reference and input builder live on the scoring server;
editing this copy changes nothing except your own understanding.
"""

import jax, jax.numpy as jnp
import numpy as np


def _equalize_channel(chan_flat):
    # chan_flat: int32 [H*W], values in [0, 255]
    hist = jnp.bincount(chan_flat, length=256).astype(jnp.float32)
    idxs = jnp.arange(256)
    # index of the last nonzero histogram bin
    last_idx = jnp.max(jnp.where(hist > 0, idxs, -1))
    total = jnp.sum(hist)
    # torchvision: step = nonzero_hist[:-1].sum() // 255  == (total - count_of_last_nonzero_bin) // 255
    step = jnp.floor((total - hist[last_idx]) / 255.0)
    cum = jnp.cumsum(hist)
    lut = jnp.floor((cum + jnp.floor(step / 2.0)) / jnp.maximum(step, 1.0))
    # pad left with 0, drop last, clamp to [0, 255]
    lut = jnp.clip(jnp.concatenate([jnp.zeros((1,), jnp.float32), lut[:-1]]), 0.0, 255.0)
    eq = lut[chan_flat]
    # if step == 0 the image channel is returned unchanged
    return jnp.where(step <= 0, chan_flat.astype(jnp.float32), eq)


def setup_inputs(seed: int = 0) -> dict:
    key = jax.random.key(seed)
    image = jax.random.randint(key, (16, 3, 512, 512), 0, 256, dtype=jnp.int32)
    return {"image": image}


def reference(image):
    # image: int32 [B, C, H, W] with values in [0, 255] (stands in for uint8)
    B, C, H, W = image.shape
    flat = image.reshape(B * C, H * W)
    out = jax.vmap(_equalize_channel)(flat)
    return out.reshape(B, C, H, W)

if __name__ == "__main__":
    import jax
    _d = setup_inputs()
    print(jax.jit(kernel)(*tuple(_d.values())))

</pallas_src>

<mosaic_0001>
#map = affine_map<(d0, d1) -> (0, 0, 0)>
module attributes {stable_mosaic.version = 14 : i64} {
  func.func @_equalize_body(%arg0: i32, %arg1: i32, %arg2: memref<48x512x512xi32, #tpu.memory_space<hbm>>, %arg3: memref<48x512x512xf32, #tpu.memory_space<hbm>>, %arg4: memref<32x512xi32, #tpu.memory_space<vmem>>, %arg5: memref<32x512xi32, #tpu.memory_space<vmem>>, %arg6: memref<32x512xf32, #tpu.memory_space<vmem>>, %arg7: memref<32x512xf32, #tpu.memory_space<vmem>>, %arg8: memref<24x256xf32, #tpu.memory_space<vmem>>, %arg9: memref<16x256xf32, #tpu.memory_space<vmem>>, %arg10: memref<256xf32, #tpu.memory_space<vmem>>, %arg11: memref<256xf32, #tpu.memory_space<vmem>>, %arg12: memref<24x256xf32, #tpu.memory_space<vmem>>, %arg13: memref<32x128xf32, #tpu.memory_space<vmem>>, %arg14: memref<32x128xf32, #tpu.memory_space<vmem>>, %arg15: memref<16x24x256xf32, #tpu.memory_space<vmem_shared>>, %arg16: memref<24x32x128xf32, #tpu.memory_space<vmem_shared>>, %arg17: memref<!tpu.dma_semaphore, #tpu.memory_space<semaphore_mem>>, %arg18: memref<!tpu.dma_semaphore, #tpu.memory_space<semaphore_mem>>, %arg19: memref<!tpu.dma_semaphore, #tpu.memory_space<semaphore_mem>>, %arg20: memref<!tpu.dma_semaphore, #tpu.memory_space<semaphore_mem>>, %arg21: memref<!tpu.dma_semaphore, #tpu.memory_space<semaphore_mem>>, %arg22: memref<!tpu.dma_semaphore, #tpu.memory_space<semaphore_mem>>) attributes {dimension_semantics = [#tpu.dimension_semantics<core_parallel>, #tpu.dimension_semantics<subcore_parallel>], iteration_bounds = array<i64: 2, 16>, scalar_prefetch = 0 : i64, scratch_operands = 19 : i64, tpu.core_type = #tpu.core_type<sc_vector_subcore>, window_params = [{transform_indices = #map}, {transform_indices = #map}]} {
    %iota3A = tpu.iota {dimensions = array<i32: 0>} : vector<16xi32>
    %broadcast_in_dim3A = arith.constant 1.000000e+00 : f32
    %broadcast_in_dim3A_0 = vector.broadcast %broadcast_in_dim3A : f32 to vector<16xf32>
    %broadcast_in_dim3A_1 = arith.constant 0.000000e+00 : f32
    %broadcast_in_dim3A_2 = vector.broadcast %broadcast_in_dim3A_1 : f32 to vector<16xf32>
    %parallel_loop3A = arith.constant 0 : i32
    %parallel_loop3A_3 = arith.constant 384 : i32
    %parallel_loop3A_4 = arith.constant 1 : i32
    scf.for %parallel_loop3A_83 = %parallel_loop3A to %parallel_loop3A_3 step %parallel_loop3A_4  : i32 {
      %parallel_loop3A_84 = arith.constant 4 : i32
      %parallel_loop3A_85 = arith.shrsi %parallel_loop3A_83, %parallel_loop3A_84 : i32
      %parallel_loop3A_86 = arith.constant 15 : i32
      %parallel_loop3A_87 = arith.andi %parallel_loop3A_83, %parallel_loop3A_86 : i32
      %parallel_loop3A_88 = arith.constant 16 : i32
      %parallel_loop3A_89 = arith.muli %parallel_loop3A_87, %parallel_loop3A_88 : i32
      %parallel_loop3A_90 = arith.index_cast %parallel_loop3A_85 : i32 to index
      %parallel_loop3A_91 = arith.index_cast %parallel_loop3A_89 : i32 to index
      %parallel_loop3A_92 = tpu.vector_load %arg8[%parallel_loop3A_90, %parallel_loop3A_91] {strides = array<i32>} : memref<24x256xf32, #tpu.memory_space<vmem>>, vector<16xf32>,
      tpu.vector_store %arg8[%parallel_loop3A_90, %parallel_loop3A_91], %broadcast_in_dim3A_2 {strides = array<i32>} : memref<24x256xf32, #tpu.memory_space<vmem>>, vector<16xf32>,
    } {sc.loop_unroll_factor = 4 : i64, sc.parallel_access}
    %mul3A = arith.constant 24 : i32
    %mul3A_5 = arith.muli %arg0, %mul3A : i32
    %add3A = arith.constant 0 : i32
    %add3A_6 = arith.addi %mul3A_5, %add3A : i32
    %mul3A_7 = arith.constant 32 : i32
    %mul3A_8 = arith.muli %arg1, %mul3A_7 : i32
    %dma_start3A = arith.constant 0 : i32
    %dma_start3A_9 = tpu.memref_slice %arg2[%add3A_6, %mul3A_8, %dma_start3A] : memref<48x512x512xi32, #tpu.memory_space<hbm>> -> memref<1x32x512xi32, #tpu.memory_space<hbm>>
    %dma_start3A_10 = tpu.memref_squeeze %dma_start3A_9 : memref<1x32x512xi32, #tpu.memory_space<hbm>> -> memref<32x512xi32, #tpu.memory_space<hbm>>
    %dma_start3A_11 = arith.constant 0 : i32
    %dma_start3A_12 = tpu.memref_slice %arg2[%add3A_6, %mul3A_8, %dma_start3A_11] : memref<48x512x512xi32, #tpu.memory_space<hbm>> -> memref<1x32x512xi32, #tpu.memory_space<hbm>>
    %dma_start3A_13 = tpu.memref_squeeze %dma_start3A_12 : memref<1x32x512xi32, #tpu.memory_space<hbm>> -> memref<32x512xi32, #tpu.memory_space<hbm>>
    tpu.enqueue_dma source(%dma_start3A_13 : memref<32x512xi32, #tpu.memory_space<hbm>>) target(%arg4 : memref<32x512xi32, #tpu.memory_space<vmem>>) target_semaphore(%arg17 : memref<!tpu.dma_semaphore, #tpu.memory_space<semaphore_mem>>)
    %scan3A = arith.constant 0 : i32
    %scan3A_14 = arith.constant 0 : i32
    %scan3A_15 = arith.constant 12 : i32
    %scan3A_16 = arith.addi %scan3A_14, %scan3A_15 : i32
    %scan3A_17 = arith.constant 1 : i32
    %scan3A_18 = scf.for %scan3A_83 = %scan3A_14 to %scan3A_16 step %scan3A_17 iter_args(%scan3A_84 = %scan3A) -> (i32)  : i32 {
      %mul3A_85 = arith.constant 2 : i32
      %mul3A_86 = arith.muli %mul3A_85, %scan3A_83 : i32
      %mul3A_87 = arith.constant 2 : i32
      %mul3A_88 = arith.muli %mul3A_87, %scan3A_83 : i32
      %add3A_89 = arith.constant 1 : i32
      %add3A_90 = arith.addi %mul3A_88, %add3A_89 : i32
      %mul3A_91 = arith.constant 24 : i32
      %mul3A_92 = arith.muli %arg0, %mul3A_91 : i32
      %add3A_93 = arith.addi %mul3A_92, %add3A_90 : i32
      %mul3A_94 = arith.constant 32 : i32
      %mul3A_95 = arith.muli %arg1, %mul3A_94 : i32
      %dma_start3A_96 = arith.constant 0 : i32
      %dma_start3A_97 = tpu.memref_slice %arg2[%add3A_93, %mul3A_95, %dma_start3A_96] : memref<48x512x512xi32, #tpu.memory_space<hbm>> -> memref<1x32x512xi32, #tpu.memory_space<hbm>>
      %dma_start3A_98 = tpu.memref_squeeze %dma_start3A_97 : memref<1x32x512xi32, #tpu.memory_space<hbm>> -> memref<32x512xi32, #tpu.memory_space<hbm>>
      %dma_start3A_99 = arith.constant 0 : i32
      %dma_start3A_100 = tpu.memref_slice %arg2[%add3A_93, %mul3A_95, %dma_start3A_99] : memref<48x512x512xi32, #tpu.memory_space<hbm>> -> memref<1x32x512xi32, #tpu.memory_space<hbm>>
      %dma_start3A_101 = tpu.memref_squeeze %dma_start3A_100 : memref<1x32x512xi32, #tpu.memory_space<hbm>> -> memref<32x512xi32, #tpu.memory_space<hbm>>
      tpu.enqueue_dma source(%dma_start3A_101 : memref<32x512xi32, #tpu.memory_space<hbm>>) target(%arg5 : memref<32x512xi32, #tpu.memory_space<vmem>>) target_semaphore(%arg18 : memref<!tpu.dma_semaphore, #tpu.memory_space<semaphore_mem>>)
      %mul3A_102 = arith.constant 24 : i32
      %mul3A_103 = arith.muli %arg0, %mul3A_102 : i32
      %add3A_104 = arith.addi %mul3A_103, %mul3A_86 : i32
      %mul3A_105 = arith.constant 32 : i32
      %mul3A_106 = arith.muli %arg1, %mul3A_105 : i32
      %dma_wait3A_107 = arith.constant 0 : i32
      %dma_wait3A_108 = tpu.memref_slice %arg2[%add3A_104, %mul3A_106, %dma_wait3A_107] : memref<48x512x512xi32, #tpu.memory_space<hbm>> -> memref<1x32x512xi32, #tpu.memory_space<hbm>>
      %dma_wait3A_109 = tpu.memref_squeeze %dma_wait3A_108 : memref<1x32x512xi32, #tpu.memory_space<hbm>> -> memref<32x512xi32, #tpu.memory_space<hbm>>
      %dma_wait3A_110 = arith.constant 0 : i32
      %dma_wait3A_111 = tpu.memref_slice %arg2[%add3A_104, %mul3A_106, %dma_wait3A_110] : memref<48x512x512xi32, #tpu.memory_space<hbm>> -> memref<1x32x512xi32, #tpu.memory_space<hbm>>
      %dma_wait3A_112 = tpu.memref_squeeze %dma_wait3A_111 : memref<1x32x512xi32, #tpu.memory_space<hbm>> -> memref<32x512xi32, #tpu.memory_space<hbm>>
      tpu.wait_dma2 semaphore(%arg17 : memref<!tpu.dma_semaphore, #tpu.memory_space<semaphore_mem>>) src(%dma_wait3A_112 : memref<32x512xi32, #tpu.memory_space<hbm>>) dst(%arg4 : memref<32x512xi32, #tpu.memory_space<vmem>>)
      %broadcast_in_dim3A_113 = vector.broadcast %mul3A_86 : i32 to vector<16xi32>
      %parallel_loop3A_114 = arith.constant 0 : i32
      %parallel_loop3A_115 = arith.constant 1024 : i32
      %parallel_loop3A_116 = arith.constant 1 : i32
      scf.for %parallel_loop3A_140 = %parallel_loop3A_114 to %parallel_loop3A_115 step %parallel_loop3A_116  : i32 {
        %parallel_loop3A_141 = arith.constant 5 : i32
        %parallel_loop3A_142 = arith.shrsi %parallel_loop3A_140, %parallel_loop3A_141 : i32
        %parallel_loop3A_143 = arith.constant 31 : i32
        %parallel_loop3A_144 = arith.andi %parallel_loop3A_140, %parallel_loop3A_143 : i32
        %parallel_loop3A_145 = arith.constant 16 : i32
        %parallel_loop3A_146 = arith.muli %parallel_loop3A_144, %parallel_loop3A_145 : i32
        %parallel_loop3A_147 = arith.index_cast %parallel_loop3A_142 : i32 to index
        %parallel_loop3A_148 = arith.index_cast %parallel_loop3A_146 : i32 to index
        %parallel_loop3A_149 = tpu.vector_load %arg4[%parallel_loop3A_147, %parallel_loop3A_148] {strides = array<i32>} : memref<32x512xi32, #tpu.memory_space<vmem>>, vector<16xi32>,
        tpu.vector_store_idx %arg8[%broadcast_in_dim3A_113, %parallel_loop3A_149], %broadcast_in_dim3A_0 {add = true} : memref<24x256xf32, #tpu.memory_space<vmem>>[vector<16xi32>, vector<16xi32>], vector<16xf32>,
      } {sc.loop_unroll_factor = 16 : i64, sc.parallel_access}
      %add3A_117 = arith.constant 2 : i32
      %add3A_118 = arith.addi %mul3A_86, %add3A_117 : i32
      %lt3A_119 = arith.constant 24 : i32
      %lt3A_120 = arith.cmpi slt, %add3A_118, %lt3A_119 : i32
      %convert_element_type3A_121 = arith.extui %lt3A_120 : i1 to i32
      %cond3A_122 = arith.constant 0 : i32
      %cond3A_123 = arith.cmpi ne, %convert_element_type3A_121, %cond3A_122 : i32
      scf.if %cond3A_123 {
        %add3A_140 = arith.constant 2 : i32
        %add3A_141 = arith.addi %mul3A_86, %add3A_140 : i32
        %mul3A_142 = arith.constant 24 : i32
        %mul3A_143 = arith.muli %arg0, %mul3A_142 : i32
        %add3A_144 = arith.addi %mul3A_143, %add3A_141 : i32
        %mul3A_145 = arith.constant 32 : i32
        %mul3A_146 = arith.muli %arg1, %mul3A_145 : i32
        %dma_start3A_147 = arith.constant 0 : i32
        %dma_start3A_148 = tpu.memref_slice %arg2[%add3A_144, %mul3A_146, %dma_start3A_147] : memref<48x512x512xi32, #tpu.memory_space<hbm>> -> memref<1x32x512xi32, #tpu.memory_space<hbm>>
        %dma_start3A_149 = tpu.memref_squeeze %dma_start3A_148 : memref<1x32x512xi32, #tpu.memory_space<hbm>> -> memref<32x512xi32, #tpu.memory_space<hbm>>
        %dma_start3A_150 = arith.constant 0 : i32
        %dma_start3A_151 = tpu.memref_slice %arg2[%add3A_144, %mul3A_146, %dma_start3A_150] : memref<48x512x512xi32, #tpu.memory_space<hbm>> -> memref<1x32x512xi32, #tpu.memory_space<hbm>>
        %dma_start3A_152 = tpu.memref_squeeze %dma_start3A_151 : memref<1x32x512xi32, #tpu.memory_space<hbm>> -> memref<32x512xi32, #tpu.memory_space<hbm>>
        tpu.enqueue_dma source(%dma_start3A_152 : memref<32x512xi32, #tpu.memory_space<hbm>>) target(%arg4 : memref<32x512xi32, #tpu.memory_space<vmem>>) target_semaphore(%arg17 : memref<!tpu.dma_semaphore, #tpu.memory_space<semaphore_mem>>)
      } else {
      }
      %mul3A_124 = arith.constant 24 : i32
      %mul3A_125 = arith.muli %arg0, %mul3A_124 : i32
      %add3A_126 = arith.addi %mul3A_125, %add3A_90 : i32
      %mul3A_127 = arith.constant 32 : i32
      %mul3A_128 = arith.muli %arg1, %mul3A_127 : i32
      %dma_wait3A_129 = arith.constant 0 : i32
      %dma_wait3A_130 = tpu.memref_slice %arg2[%add3A_126, %mul3A_128, %dma_wait3A_129] : memref<48x512x512xi32, #tpu.memory_space<hbm>> -> memref<1x32x512xi32, #tpu.memory_space<hbm>>
      %dma_wait3A_131 = tpu.memref_squeeze %dma_wait3A_130 : memref<1x32x512xi32, #tpu.memory_space<hbm>> -> memref<32x512xi32, #tpu.memory_space<hbm>>
      %dma_wait3A_132 = arith.constant 0 : i32
      %dma_wait3A_133 = tpu.memref_slice %arg2[%add3A_126, %mul3A_128, %dma_wait3A_132] : memref<48x512x512xi32, #tpu.memory_space<hbm>> -> memref<1x32x512xi32, #tpu.memory_space<hbm>>
      %dma_wait3A_134 = tpu.memref_squeeze %dma_wait3A_133 : memref<1x32x512xi32, #tpu.memory_space<hbm>> -> memref<32x512xi32, #tpu.memory_space<hbm>>
      tpu.wait_dma2 semaphore(%arg18 : memref<!tpu.dma_semaphore, #tpu.memory_space<semaphore_mem>>) src(%dma_wait3A_134 : memref<32x512xi32, #tpu.memory_space<hbm>>) dst(%arg5 : memref<32x512xi32, #tpu.memory_space<vmem>>)
      %broadcast_in_dim3A_135 = vector.broadcast %add3A_90 : i32 to vector<16xi32>
      %parallel_loop3A_136 = arith.constant 0 : i32
      %parallel_loop3A_137 = arith.constant 1024 : i32
      %parallel_loop3A_138 = arith.constant 1 : i32
      scf.for %parallel_loop3A_140 = %parallel_loop3A_136 to %parallel_loop3A_137 step %parallel_loop3A_138  : i32 {
        %parallel_loop3A_141 = arith.constant 5 : i32
        %parallel_loop3A_142 = arith.shrsi %parallel_loop3A_140, %parallel_loop3A_141 : i32
        %parallel_loop3A_143 = arith.constant 31 : i32
        %parallel_loop3A_144 = arith.andi %parallel_loop3A_140, %parallel_loop3A_143 : i32
        %parallel_loop3A_145 = arith.constant 16 : i32
        %parallel_loop3A_146 = arith.muli %parallel_loop3A_144, %parallel_loop3A_145 : i32
        %parallel_loop3A_147 = arith.index_cast %parallel_loop3A_142 : i32 to index
        %parallel_loop3A_148 = arith.index_cast %parallel_loop3A_146 : i32 to index
        %parallel_loop3A_149 = tpu.vector_load %arg5[%parallel_loop3A_147, %parallel_loop3A_148] {strides = array<i32>} : memref<32x512xi32, #tpu.memory_space<vmem>>, vector<16xi32>,
        tpu.vector_store_idx %arg8[%broadcast_in_dim3A_135, %parallel_loop3A_149], %broadcast_in_dim3A_0 {add = true} : memref<24x256xf32, #tpu.memory_space<vmem>>[vector<16xi32>, vector<16xi32>], vector<16xf32>,
      } {sc.loop_unroll_factor = 16 : i64, sc.parallel_access}
      %scan3A_139 = arith.constant 0 : i32
      scf.yield %scan3A_139 : i32
    }
    %scan3A_19 = arith.constant 12 : i32
    "tpu.region"() ({
      %run_scoped3A = tpu.sem_alloc : memref<!tpu.dma_semaphore, #tpu.memory_space<semaphore_mem>>
      %dma_start3A_83 = arith.constant 0 : i32
      %dma_start3A_84 = arith.constant 0 : i32
      %dma_start3A_85 = tpu.memref_slice %arg15[%arg1, %dma_start3A_83, %dma_start3A_84] : memref<16x24x256xf32, #tpu.memory_space<vmem_shared>> -> memref<1x24x256xf32, #tpu.memory_space<vmem_shared>>
      %dma_start3A_86 = tpu.memref_squeeze %dma_start3A_85 : memref<1x24x256xf32, #tpu.memory_space<vmem_shared>> -> memref<24x256xf32, #tpu.memory_space<vmem_shared>>
      %dma_start3A_87 = arith.constant 0 : i32
      %dma_start3A_88 = arith.constant 0 : i32
      %dma_start3A_89 = tpu.memref_slice %arg15[%arg1, %dma_start3A_87, %dma_start3A_88] : memref<16x24x256xf32, #tpu.memory_space<vmem_shared>> -> memref<1x24x256xf32, #tpu.memory_space<vmem_shared>>
      %dma_start3A_90 = tpu.memref_squeeze %dma_start3A_89 : memref<1x24x256xf32, #tpu.memory_space<vmem_shared>> -> memref<24x256xf32, #tpu.memory_space<vmem_shared>>
      tpu.enqueue_dma source(%arg8 : memref<24x256xf32, #tpu.memory_space<vmem>>) target(%dma_start3A_90 : memref<24x256xf32, #tpu.memory_space<vmem_shared>>) target_semaphore(%run_scoped3A : memref<!tpu.dma_semaphore, #tpu.memory_space<semaphore_mem>>)
      %dma_wait3A_91 = arith.constant 0 : i32
      %dma_wait3A_92 = arith.constant 0 : i32
      %dma_wait3A_93 = tpu.memref_slice %arg15[%arg1, %dma_wait3A_91, %dma_wait3A_92] : memref<16x24x256xf32, #tpu.memory_space<vmem_shared>> -> memref<1x24x256xf32, #tpu.memory_space<vmem_shared>>
      %dma_wait3A_94 = tpu.memref_squeeze %dma_wait3A_93 : memref<1x24x256xf32, #tpu.memory_space<vmem_shared>> -> memref<24x256xf32, #tpu.memory_space<vmem_shared>>
      %dma_wait3A_95 = arith.constant 0 : i32
      %dma_wait3A_96 = arith.constant 0 : i32
      %dma_wait3A_97 = tpu.memref_slice %arg15[%arg1, %dma_wait3A_95, %dma_wait3A_96] : memref<16x24x256xf32, #tpu.memory_space<vmem_shared>> -> memref<1x24x256xf32, #tpu.memory_space<vmem_shared>>
      %dma_wait3A_98 = tpu.memref_squeeze %dma_wait3A_97 : memref<1x24x256xf32, #tpu.memory_space<vmem_shared>> -> memref<24x256xf32, #tpu.memory_space<vmem_shared>>
      tpu.wait_dma2 semaphore(%run_scoped3A : memref<!tpu.dma_semaphore, #tpu.memory_space<semaphore_mem>>) src(%arg8 : memref<24x256xf32, #tpu.memory_space<vmem>>) dst(%dma_wait3A_98 : memref<24x256xf32, #tpu.memory_space<vmem_shared>>)
      tpu.yield
    }) : () -> ()
    %barrier3A = arith.constant 0 : index
    tpu.barrier barrier_id(%barrier3A)
    %add3A_20 = arith.constant 0 : i32
    %add3A_21 = arith.addi %arg1, %add3A_20 : i32
    %lt3A = arith.constant 24 : i32
    %lt3A_22 = arith.cmpi slt, %add3A_21, %lt3A : i32
    %convert_element_type3A = arith.extui %lt3A_22 : i1 to i32
    %cond3A = arith.constant 0 : i32
    %cond3A_23 = arith.cmpi ne, %convert_element_type3A, %cond3A : i32
    scf.if %cond3A_23 {
      "tpu.region"() ({
        %run_scoped3A = tpu.sem_alloc : memref<!tpu.dma_semaphore, #tpu.memory_space<semaphore_mem>>
        %dma_start3A_137 = arith.constant 0 : i32
        %dma_start3A_138 = arith.constant 0 : i32
        %dma_start3A_139 = tpu.memref_slice %arg15[%dma_start3A_137, %add3A_21, %dma_start3A_138] : memref<16x24x256xf32, #tpu.memory_space<vmem_shared>> -> memref<16x1x256xf32, #tpu.memory_space<vmem_shared>>
        %dma_start3A_140 = tpu.memref_squeeze %dma_start3A_139 : memref<16x1x256xf32, #tpu.memory_space<vmem_shared>> -> memref<16x256xf32, #tpu.memory_space<vmem_shared>>
        %dma_start3A_141 = arith.constant 0 : i32
        %dma_start3A_142 = arith.constant 0 : i32
        %dma_start3A_143 = tpu.memref_slice %arg15[%dma_start3A_141, %add3A_21, %dma_start3A_142] : memref<16x24x256xf32, #tpu.memory_space<vmem_shared>> -> memref<16x1x256xf32, #tpu.memory_space<vmem_shared>>
        %dma_start3A_144 = tpu.memref_squeeze %dma_start3A_143 : memref<16x1x256xf32, #tpu.memory_space<vmem_shared>> -> memref<16x256xf32, #tpu.memory_space<vmem_shared>>
        tpu.enqueue_dma source(%dma_start3A_144 : memref<16x256xf32, #tpu.memory_space<vmem_shared>>) target(%arg9 : memref<16x256xf32, #tpu.memory_space<vmem>>) target_semaphore(%run_scoped3A : memref<!tpu.dma_semaphore, #tpu.memory_space<semaphore_mem>>)
        %dma_wait3A_145 = arith.constant 0 : i32
        %dma_wait3A_146 = arith.constant 0 : i32
        %dma_wait3A_147 = tpu.memref_slice %arg15[%dma_wait3A_145, %add3A_21, %dma_wait3A_146] : memref<16x24x256xf32, #tpu.memory_space<vmem_shared>> -> memref<16x1x256xf32, #tpu.memory_space<vmem_shared>>
        %dma_wait3A_148 = tpu.memref_squeeze %dma_wait3A_147 : memref<16x1x256xf32, #tpu.memory_space<vmem_shared>> -> memref<16x256xf32, #tpu.memory_space<vmem_shared>>
        %dma_wait3A_149 = arith.constant 0 : i32
        %dma_wait3A_150 = arith.constant 0 : i32
        %dma_wait3A_151 = tpu.memref_slice %arg15[%dma_wait3A_149, %add3A_21, %dma_wait3A_150] : memref<16x24x256xf32, #tpu.memory_space<vmem_shared>> -> memref<16x1x256xf32, #tpu.memory_space<vmem_shared>>
        %dma_wait3A_152 = tpu.memref_squeeze %dma_wait3A_151 : memref<16x1x256xf32, #tpu.memory_space<vmem_shared>> -> memref<16x256xf32, #tpu.memory_space<vmem_shared>>
        tpu.wait_dma2 semaphore(%run_scoped3A : memref<!tpu.dma_semaphore, #tpu.memory_space<semaphore_mem>>) src(%dma_wait3A_152 : memref<16x256xf32, #tpu.memory_space<vmem_shared>>) dst(%arg9 : memref<16x256xf32, #tpu.memory_space<vmem>>)
        tpu.yield
      }) : () -> ()
      %parallel_loop3A_83 = arith.constant 0 : i32
      %parallel_loop3A_84 = arith.constant 16 : i32
      %parallel_loop3A_85 = arith.constant 1 : i32
      scf.for %parallel_loop3A_137 = %parallel_loop3A_83 to %parallel_loop3A_84 step %parallel_loop3A_85  : i32 {
        %parallel_loop3A_138 = arith.constant 16 : i32
        %parallel_loop3A_139 = arith.muli %parallel_loop3A_137, %parallel_loop3A_138 : i32
        %parallel_loop3A_140 = arith.constant 0 : i32
        %parallel_loop3A_141 = arith.index_cast %parallel_loop3A_140 : i32 to index
        %parallel_loop3A_142 = arith.index_cast %parallel_loop3A_139 : i32 to index
        %parallel_loop3A_143 = tpu.vector_load %arg9[%parallel_loop3A_141, %parallel_loop3A_142] {strides = array<i32>} : memref<16x256xf32, #tpu.memory_space<vmem>>, vector<16xf32>,
        %parallel_loop3A_144 = arith.constant 16 : i32
        %parallel_loop3A_145 = arith.muli %parallel_loop3A_137, %parallel_loop3A_144 : i32
        %parallel_loop3A_146 = arith.constant 1 : i32
        %parallel_loop3A_147 = arith.index_cast %parallel_loop3A_146 : i32 to index
        %parallel_loop3A_148 = arith.index_cast %parallel_loop3A_145 : i32 to index
        %parallel_loop3A_149 = tpu.vector_load %arg9[%parallel_loop3A_147, %parallel_loop3A_148] {strides = array<i32>} : memref<16x256xf32, #tpu.memory_space<vmem>>, vector<16xf32>,
        %parallel_loop3A_150 = arith.addf %parallel_loop3A_143, %parallel_loop3A_149 : vector<16xf32>
        %parallel_loop3A_151 = arith.constant 16 : i32
        %parallel_loop3A_152 = arith.muli %parallel_loop3A_137, %parallel_loop3A_151 : i32
        %parallel_loop3A_153 = arith.constant 2 : i32
        %parallel_loop3A_154 = arith.index_cast %parallel_loop3A_153 : i32 to index
        %parallel_loop3A_155 = arith.index_cast %parallel_loop3A_152 : i32 to index
        %parallel_loop3A_156 = tpu.vector_load %arg9[%parallel_loop3A_154, %parallel_loop3A_155] {strides = array<i32>} : memref<16x256xf32, #tpu.memory_space<vmem>>, vector<16xf32>,
        %parallel_loop3A_157 = arith.addf %parallel_loop3A_150, %parallel_loop3A_156 : vector<16xf32>
        %parallel_loop3A_158 = arith.constant 16 : i32
        %parallel_loop3A_159 = arith.muli %parallel_loop3A_137, %parallel_loop3A_158 : i32
        %parallel_loop3A_160 = arith.constant 3 : i32
        %parallel_loop3A_161 = arith.index_cast %parallel_loop3A_160 : i32 to index
        %parallel_loop3A_162 = arith.index_cast %parallel_loop3A_159 : i32 to index
        %parallel_loop3A_163 = tpu.vector_load %arg9[%parallel_loop3A_161, %parallel_loop3A_162] {strides = array<i32>} : memref<16x256xf32, #tpu.memory_space<vmem>>, vector<16xf32>,
        %parallel_loop3A_164 = arith.addf %parallel_loop3A_157, %parallel_loop3A_163 : vector<16xf32>
        %parallel_loop3A_165 = arith.constant 16 : i32
        %parallel_loop3A_166 = arith.muli %parallel_loop3A_137, %parallel_loop3A_165 : i32
        %parallel_loop3A_167 = arith.constant 4 : i32
        %parallel_loop3A_168 = arith.index_cast %parallel_loop3A_167 : i32 to index
        %parallel_loop3A_169 = arith.index_cast %parallel_loop3A_166 : i32 to index
        %parallel_loop3A_170 = tpu.vector_load %arg9[%parallel_loop3A_168, %parallel_loop3A_169] {strides = array<i32>} : memref<16x256xf32, #tpu.memory_space<vmem>>, vector<16xf32>,
        %parallel_loop3A_171 = arith.addf %parallel_loop3A_164, %parallel_loop3A_170 : vector<16xf32>
        %parallel_loop3A_172 = arith.constant 16 : i32
        %parallel_loop3A_173 = arith.muli %parallel_loop3A_137, %parallel_loop3A_172 : i32
        %parallel_loop3A_174 = arith.constant 5 : i32
        %parallel_loop3A_175 = arith.index_cast %parallel_loop3A_174 : i32 to index
        %parallel_loop3A_176 = arith.index_cast %parallel_loop3A_173 : i32 to index
        %parallel_loop3A_177 = tpu.vector_load %arg9[%parallel_loop3A_175, %parallel_loop3A_176] {strides = array<i32>} : memref<16x256xf32, #tpu.memory_space<vmem>>, vector<16xf32>,
        %parallel_loop3A_178 = arith.addf %parallel_loop3A_171, %parallel_loop3A_177 : vector<16xf32>
        %parallel_loop3A_179 = arith.constant 16 : i32
        %parallel_loop3A_180 = arith.muli %parallel_loop3A_137, %parallel_loop3A_179 : i32
        %parallel_loop3A_181 = arith.constant 6 : i32
        %parallel_loop3A_182 = arith.index_cast %parallel_loop3A_181 : i32 to index
        %parallel_loop3A_183 = arith.index_cast %parallel_loop3A_180 : i32 to index
        %parallel_loop3A_184 = tpu.vector_load %arg9[%parallel_loop3A_182, %parallel_loop3A_183] {strides = array<i32>} : memref<16x256xf32, #tpu.memory_space<vmem>>, vector<16xf32>,
        %parallel_loop3A_185 = arith.addf %parallel_loop3A_178, %parallel_loop3A_184 : vector<16xf32>
        %parallel_loop3A_186 = arith.constant 16 : i32
        %parallel_loop3A_187 = arith.muli %parallel_loop3A_137, %parallel_loop3A_186 : i32
        %parallel_loop3A_188 = arith.constant 7 : i32
        %parallel_loop3A_189 = arith.index_cast %parallel_loop3A_188 : i32 to index
        %parallel_loop3A_190 = arith.index_cast %parallel_loop3A_187 : i32 to index
        %parallel_loop3A_191 = tpu.vector_load %arg9[%parallel_loop3A_189, %parallel_loop3A_190] {strides = array<i32>} : memref<16x256xf32, #tpu.memory_space<vmem>>, vector<16xf32>,
        %parallel_loop3A_192 = arith.addf %parallel_loop3A_185, %parallel_loop3A_191 : vector<16xf32>
        %parallel_loop3A_193 = arith.constant 16 : i32
        %parallel_loop3A_194 = arith.muli %parallel_loop3A_137, %parallel_loop3A_193 : i32
        %parallel_loop3A_195 = arith.constant 8 : i32
        %parallel_loop3A_196 = arith.index_cast %parallel_loop3A_195 : i32 to index
        %parallel_loop3A_197 = arith.index_cast %parallel_loop3A_194 : i32 to index
        %parallel_loop3A_198 = tpu.vector_load %arg9[%parallel_loop3A_196, %parallel_loop3A_197] {strides = array<i32>} : memref<16x256xf32, #tpu.memory_space<vmem>>, vector<16xf32>,
        %parallel_loop3A_199 = arith.addf %parallel_loop3A_192, %parallel_loop3A_198 : vector<16xf32>
        %parallel_loop3A_200 = arith.constant 16 : i32
        %parallel_loop3A_201 = arith.muli %parallel_loop3A_137, %parallel_loop3A_200 : i32
        %parallel_loop3A_202 = arith.constant 9 : i32
        %parallel_loop3A_203 = arith.index_cast %parallel_loop3A_202 : i32 to index
        %parallel_loop3A_204 = arith.index_cast %parallel_loop3A_201 : i32 to index
        %parallel_loop3A_205 = tpu.vector_load %arg9[%parallel_loop3A_203, %parallel_loop3A_204] {strides = array<i32>} : memref<16x256xf32, #tpu.memory_space<vmem>>, vector<16xf32>,
        %parallel_loop3A_206 = arith.addf %parallel_loop3A_199, %parallel_loop3A_205 : vector<16xf32>
        %parallel_loop3A_207 = arith.constant 16 : i32
        %parallel_loop3A_208 = arith.muli %parallel_loop3A_137, %parallel_loop3A_207 : i32
        %parallel_loop3A_209 = arith.constant 10 : i32
        %parallel_loop3A_210 = arith.index_cast %parallel_loop3A_209 : i32 to index
        %parallel_loop3A_211 = arith.index_cast %parallel_loop3A_208 : i32 to index
        %parallel_loop3A_212 = tpu.vector_load %arg9[%parallel_loop3A_210, %parallel_loop3A_211] {strides = array<i32>} : memref<16x256xf32, #tpu.memory_space<vmem>>, vector<16xf32>,
        %parallel_loop3A_213 = arith.addf %parallel_loop3A_206, %parallel_loop3A_212 : vector<16xf32>
        %parallel_loop3A_214 = arith.constant 16 : i32
        %parallel_loop3A_215 = arith.muli %parallel_loop3A_137, %parallel_loop3A_214 : i32
        %parallel_loop3A_216 = arith.constant 11 : i32
        %parallel_loop3A_217 = arith.index_cast %parallel_loop3A_216 : i32 to index
        %parallel_loop3A_218 = arith.index_cast %parallel_loop3A_215 : i32 to index
        %parallel_loop3A_219 = tpu.vector_load %arg9[%parallel_loop3A_217, %parallel_loop3A_218] {strides = array<i32>} : memref<16x256xf32, #tpu.memory_space<vmem>>, vector<16xf32>,
        %parallel_loop3A_220 = arith.addf %parallel_loop3A_213, %parallel_loop3A_219 : vector<16xf32>
        %parallel_loop3A_221 = arith.constant 16 : i32
        %parallel_loop3A_222 = arith.muli %parallel_loop3A_137, %parallel_loop3A_221 : i32
        %parallel_loop3A_223 = arith.constant 12 : i32
        %parallel_loop3A_224 = arith.index_cast %parallel_loop3A_223 : i32 to index
        %parallel_loop3A_225 = arith.index_cast %parallel_loop3A_222 : i32 to index
        %parallel_loop3A_226 = tpu.vector_load %arg9[%parallel_loop3A_224, %parallel_loop3A_225] {strides = array<i32>} : memref<16x256xf32, #tpu.memory_space<vmem>>, vector<16xf32>,
        %parallel_loop3A_227 = arith.addf %parallel_loop3A_220, %parallel_loop3A_226 : vector<16xf32>
        %parallel_loop3A_228 = arith.constant 16 : i32
        %parallel_loop3A_229 = arith.muli %parallel_loop3A_137, %parallel_loop3A_228 : i32
        %parallel_loop3A_230 = arith.constant 13 : i32
        %parallel_loop3A_231 = arith.index_cast %parallel_loop3A_230 : i32 to index
        %parallel_loop3A_232 = arith.index_cast %parallel_loop3A_229 : i32 to index
        %parallel_loop3A_233 = tpu.vector_load %arg9[%parallel_loop3A_231, %parallel_loop3A_232] {strides = array<i32>} : memref<16x256xf32, #tpu.memory_space<vmem>>, vector<16xf32>,
        %parallel_loop3A_234 = arith.addf %parallel_loop3A_227, %parallel_loop3A_233 : vector<16xf32>
        %parallel_loop3A_235 = arith.constant 16 : i32
        %parallel_loop3A_236 = arith.muli %parallel_loop3A_137, %parallel_loop3A_235 : i32
        %parallel_loop3A_237 = arith.constant 14 : i32
        %parallel_loop3A_238 = arith.index_cast %parallel_loop3A_237 : i32 to index
        %parallel_loop3A_239 = arith.index_cast %parallel_loop3A_236 : i32 to index
        %parallel_loop3A_240 = tpu.vector_load %arg9[%parallel_loop3A_238, %parallel_loop3A_239] {strides = array<i32>} : memref<16x256xf32, #tpu.memory_space<vmem>>, vector<16xf32>,
        %parallel_loop3A_241 = arith.addf %parallel_loop3A_234, %parallel_loop3A_240 : vector<16xf32>
        %parallel_loop3A_242 = arith.constant 16 : i32
        %parallel_loop3A_243 = arith.muli %parallel_loop3A_137, %parallel_loop3A_242 : i32
        %parallel_loop3A_244 = arith.constant 15 : i32
        %parallel_loop3A_245 = arith.index_cast %parallel_loop3A_244 : i32 to index
        %parallel_loop3A_246 = arith.index_cast %parallel_loop3A_243 : i32 to index
        %parallel_loop3A_247 = tpu.vector_load %arg9[%parallel_loop3A_245, %parallel_loop3A_246] {strides = array<i32>} : memref<16x256xf32, #tpu.memory_space<vmem>>, vector<16xf32>,
        %parallel_loop3A_248 = arith.addf %parallel_loop3A_241, %parallel_loop3A_247 : vector<16xf32>
        %parallel_loop3A_249 = arith.constant 16 : i32
        %parallel_loop3A_250 = arith.muli %parallel_loop3A_137, %parallel_loop3A_249 : i32
        %parallel_loop3A_251 = arith.index_cast %parallel_loop3A_250 : i32 to index
        %parallel_loop3A_252 = tpu.vector_load %arg10[%parallel_loop3A_251] {strides = array<i32>} : memref<256xf32, #tpu.memory_space<vmem>>, vector<16xf32>,
        tpu.vector_store %arg10[%parallel_loop3A_251], %parallel_loop3A_248 {strides = array<i32>} : memref<256xf32, #tpu.memory_space<vmem>>, vector<16xf32>,
      } {sc.loop_unroll_factor = 2 : i64, sc.parallel_access}
      %scan3A_86 = arith.constant 0.000000e+00 : f32
      %scan3A_87 = arith.constant -1 : i32
      %scan3A_88 = arith.constant 0 : i32
      %scan3A_89 = arith.constant 16 : i32
      %scan3A_90 = arith.addi %scan3A_88, %scan3A_89 : i32
      %scan3A_91 = arith.constant 1 : i32
      %scan3A_92:2 = scf.for %scan3A_137 = %scan3A_88 to %scan3A_90 step %scan3A_91 iter_args(%scan3A_138 = %scan3A_86, %scan3A_139 = %scan3A_87) -> (f32, i32)  : i32 {
        %mul3A_140 = arith.constant 16 : i32
        %mul3A_141 = arith.muli %scan3A_137, %mul3A_140 : i32
        %get3A_142 = arith.index_cast %mul3A_141 : i32 to index
        %get3A_143 = tpu.vector_load %arg10[%get3A_142] {strides = array<i32>} : memref<256xf32, #tpu.memory_space<vmem>>, vector<16xf32>,
        %broadcast_in_dim3A_144 = arith.constant true
        %broadcast_in_dim3A_145 = vector.broadcast %broadcast_in_dim3A_144 : i1 to vector<16xi1>
        %masked_cumsum3A = tpu.scan <sum>, %get3A_143 masked %broadcast_in_dim3A_145 : vector<16xf32>, vector<16xi1> -> vector<16xf32>
        %add3A_146 = vector.broadcast %scan3A_138 : f32 to vector<16xf32>
        %add3A_147 = arith.addf %masked_cumsum3A, %add3A_146 : vector<16xf32>
        %mul3A_148 = arith.constant 16 : i32
        %mul3A_149 = arith.muli %scan3A_137, %mul3A_148 : i32
        %swap3A_150 = arith.index_cast %mul3A_149 : i32 to index
        %swap3A_151 = tpu.vector_load %arg11[%swap3A_150] {strides = array<i32>} : memref<256xf32, #tpu.memory_space<vmem>>, vector<16xf32>,
        tpu.vector_store %arg11[%swap3A_150], %add3A_147 {strides = array<i32>} : memref<256xf32, #tpu.memory_space<vmem>>, vector<16xf32>,
        %mul3A_152 = arith.constant 16 : i32
        %mul3A_153 = arith.muli %scan3A_137, %mul3A_152 : i32
        %add3A_154 = vector.broadcast %mul3A_153 : i32 to vector<16xi32>
        %add3A_155 = arith.addi %iota3A, %add3A_154 : vector<16xi32>
        %gt3A = arith.constant 0.000000e+00 : f32
        %gt3A_156 = vector.broadcast %gt3A : f32 to vector<16xf32>
        %gt3A_157 = arith.cmpf ogt, %get3A_143, %gt3A_156 : vector<16xf32>
        %jit3A_158 = arith.constant -1 : i32
        %broadcast_in_dim3A_159 = vector.broadcast %jit3A_158 : i32 to vector<16xi32>
        %select_n3A_160 = arith.select %gt3A_157, %add3A_155, %broadcast_in_dim3A_159 : vector<16xi1>, vector<16xi32>
        %reduce_max3A = arith.constant true
        %reduce_max3A_161 = vector.broadcast %reduce_max3A : i1 to vector<16xi1>
        %reduce_max3A_162 = arith.constant -2147483648 : i32
        %reduce_max3A_163 = vector.broadcast %reduce_max3A_162 : i32 to vector<16xi32>
        %reduce_max3A_164 = arith.xori %select_n3A_160, %reduce_max3A_163 : vector<16xi32>
        %reduce_max3A_165 = tpu.scan <max>, %reduce_max3A_164 masked %reduce_max3A_161 : vector<16xi32>, vector<16xi1> -> vector<16xi32>
        %reduce_max3A_166 = arith.xori %reduce_max3A_165, %reduce_max3A_163 : vector<16xi32>
        %reduce_max3A_167 = vector.extract %reduce_max3A_166[15] : i32 from vector<16xi32>
        %reduce_max3A_168 = arith.constant true
        %reduce_max3A_169 = vector.broadcast %reduce_max3A_168 : i1 to vector<16xi1>
        %reduce_max3A_170 = tpu.scan <max>, %add3A_147 masked %reduce_max3A_169 : vector<16xf32>, vector<16xi1> -> vector<16xf32>
        %reduce_max3A_171 = vector.extract %reduce_max3A_170[15] : f32 from vector<16xf32>
        %max3A_172 = arith.maxsi %scan3A_139, %reduce_max3A_167 : i32
        scf.yield %reduce_max3A_171, %max3A_172 : f32, i32
      }
      %scan3A_93 = arith.constant 16 : i32
      %scan3A_94 = arith.constant 0.000000e+00 : f32
      %scan3A_95 = arith.constant 0 : i32
      %scan3A_96 = arith.constant 16 : i32
      %scan3A_97 = arith.addi %scan3A_95, %scan3A_96 : i32
      %scan3A_98 = arith.constant 1 : i32
      %scan3A_99 = scf.for %scan3A_137 = %scan3A_95 to %scan3A_97 step %scan3A_98 iter_args(%scan3A_138 = %scan3A_94) -> (f32)  : i32 {
        %mul3A_139 = arith.constant 16 : i32
        %mul3A_140 = arith.muli %scan3A_137, %mul3A_139 : i32
        %get3A_141 = arith.index_cast %mul3A_140 : i32 to index
        %get3A_142 = tpu.vector_load %arg10[%get3A_141] {strides = array<i32>} : memref<256xf32, #tpu.memory_space<vmem>>, vector<16xf32>,
        %mul3A_143 = arith.constant 16 : i32
        %mul3A_144 = arith.muli %scan3A_137, %mul3A_143 : i32
        %add3A_145 = vector.broadcast %mul3A_144 : i32 to vector<16xi32>
        %add3A_146 = arith.addi %iota3A, %add3A_145 : vector<16xi32>
        %eq3A_147 = vector.broadcast %scan3A_92#1 : i32 to vector<16xi32>
        %eq3A_148 = arith.cmpi eq, %add3A_146, %eq3A_147 : vector<16xi32>
        %jit3A_149 = arith.constant 0.000000e+00 : f32
        %broadcast_in_dim3A_150 = vector.broadcast %jit3A_149 : f32 to vector<16xf32>
        %select_n3A_151 = arith.select %eq3A_148, %get3A_142, %broadcast_in_dim3A_150 : vector<16xi1>, vector<16xf32>
        %reduce_sum3A = arith.constant true
        %reduce_sum3A_152 = vector.broadcast %reduce_sum3A : i1 to vector<16xi1>
        %reduce_sum3A_153 = tpu.scan <sum>, %select_n3A_151 masked %reduce_sum3A_152 : vector<16xf32>, vector<16xi1> -> vector<16xf32>
        %reduce_sum3A_154 = vector.extract %reduce_sum3A_153[15] : f32 from vector<16xf32>
        %add3A_155 = arith.addf %scan3A_138, %reduce_sum3A_154 : f32
        scf.yield %add3A_155 : f32
      }
      %scan3A_100 = arith.constant 16 : i32
      %sub3A = arith.subf %scan3A_92#0, %scan3A_99 : f32
      %broadcast_in_dim3A_101 = vector.broadcast %sub3A : f32 to vector<16xf32>
      %div3A = arith.constant 2.550000e+02 : f32
      %div3A_102 = vector.broadcast %div3A : f32 to vector<16xf32>
      %div3A_103 = arith.divf %broadcast_in_dim3A_101, %div3A_102 : vector<16xf32>
      %convert_element_type3A_104 = arith.fptosi %div3A_103 : vector<16xf32> to vector<16xi32>
      %convert_element_type3A_105 = arith.sitofp %convert_element_type3A_104 : vector<16xi32> to vector<16xf32>
      %mul3A_106 = arith.constant 5.000000e-01 : f32
      %mul3A_107 = vector.broadcast %mul3A_106 : f32 to vector<16xf32>
      %mul3A_108 = arith.mulf %convert_element_type3A_105, %mul3A_107 : vector<16xf32>
      %convert_element_type3A_109 = arith.fptosi %mul3A_108 : vector<16xf32> to vector<16xi32>
      %convert_element_type3A_110 = arith.sitofp %convert_element_type3A_109 : vector<16xi32> to vector<16xf32>
      %max3A = arith.constant 1.000000e+00 : f32
      %max3A_111 = vector.broadcast %max3A : f32 to vector<16xf32>
      %max3A_112 = arith.maximumf %convert_element_type3A_105, %max3A_111 : vector<16xf32>
      %le3A = arith.constant 0.000000e+00 : f32
      %le3A_113 = vector.broadcast %le3A : f32 to vector<16xf32>
      %le3A_114 = arith.cmpf ole, %convert_element_type3A_105, %le3A_113 : vector<16xf32>
      %broadcast_in_dim3A_115 = vector.broadcast %add3A_21 : i32 to vector<16xi32>
      %scan3A_116 = arith.constant 0 : i32
      %scan3A_117 = arith.constant 0 : i32
      %scan3A_118 = arith.constant 16 : i32
      %scan3A_119 = arith.addi %scan3A_117, %scan3A_118 : i32
      %scan3A_120 = arith.constant 1 : i32
      %scan3A_121 = scf.for %scan3A_137 = %scan3A_117 to %scan3A_119 step %scan3A_120 iter_args(%scan3A_138 = %scan3A_116) -> (i32)  : i32 {
        %mul3A_139 = arith.constant 16 : i32
        %mul3A_140 = arith.muli %scan3A_137, %mul3A_139 : i32
        %get3A_141 = arith.index_cast %mul3A_140 : i32 to index
        %get3A_142 = tpu.vector_load %arg11[%get3A_141] {strides = array<i32>} : memref<256xf32, #tpu.memory_space<vmem>>, vector<16xf32>,
        %add3A_143 = arith.addf %get3A_142, %convert_element_type3A_110 : vector<16xf32>
        %div3A_144 = arith.divf %add3A_143, %max3A_112 : vector<16xf32>
        %convert_element_type3A_145 = arith.fptosi %div3A_144 : vector<16xf32> to vector<16xi32>
        %convert_element_type3A_146 = arith.sitofp %convert_element_type3A_145 : vector<16xi32> to vector<16xf32>
        %jit3A_147 = arith.constant 0.000000e+00 : f32
        %jit3A_148 = arith.constant 2.550000e+02 : f32
        %max3A_149 = vector.broadcast %jit3A_147 : f32 to vector<16xf32>
        %max3A_150 = arith.maximumf %max3A_149, %convert_element_type3A_146 : vector<16xf32>
        %min3A = vector.broadcast %jit3A_148 : f32 to vector<16xf32>
        %min3A_151 = arith.minimumf %min3A, %max3A_150 : vector<16xf32>
        %mul3A_152 = arith.constant 16 : i32
        %mul3A_153 = arith.muli %scan3A_137, %mul3A_152 : i32
        %add3A_154 = vector.broadcast %mul3A_153 : i32 to vector<16xi32>
        %add3A_155 = arith.addi %iota3A, %add3A_154 : vector<16xi32>
        %add3A_156 = arith.constant 1 : i32
        %add3A_157 = vector.broadcast %add3A_156 : i32 to vector<16xi32>
        %add3A_158 = arith.addi %add3A_155, %add3A_157 : vector<16xi32>
        %convert_element_type3A_159 = arith.sitofp %add3A_158 : vector<16xi32> to vector<16xf32>
        %select_n3A_160 = arith.select %le3A_114, %convert_element_type3A_159, %min3A_151 : vector<16xi1>, vector<16xf32>
        %add3A_161 = arith.constant 1 : i32
        %add3A_162 = vector.broadcast %add3A_161 : i32 to vector<16xi32>
        %add3A_163 = arith.addi %add3A_155, %add3A_162 : vector<16xi32>
        %lt3A_164 = arith.constant 255 : i32
        %lt3A_165 = vector.broadcast %lt3A_164 : i32 to vector<16xi32>
        %lt3A_166 = arith.cmpi slt, %add3A_155, %lt3A_165 : vector<16xi32>
        tpu.vector_store_idx %arg12[%broadcast_in_dim3A_115, %add3A_163], %select_n3A_160 masked %lt3A_166 : memref<24x256xf32, #tpu.memory_space<vmem>>[vector<16xi32>, vector<16xi32>], vector<16xf32>, vector<16xi1>
        %scan3A_167 = arith.constant 0 : i32
        scf.yield %scan3A_167 : i32
      }
      %scan3A_122 = arith.constant 16 : i32
      %get3A = arith.index_cast %add3A_21 : i32 to index
      %get3A_123 = arith.constant 0 : index
      %get3A_124 = tpu.vector_load %arg12[%get3A, %get3A_123] {strides = array<i32>} : memref<24x256xf32, #tpu.memory_space<vmem>>, vector<16xf32>,
      %eq3A = arith.constant 0 : i32
      %eq3A_125 = vector.broadcast %eq3A : i32 to vector<16xi32>
      %eq3A_126 = arith.cmpi eq, %iota3A, %eq3A_125 : vector<16xi32>
      %jit3A = arith.constant 0.000000e+00 : f32
      %broadcast_in_dim3A_127 = vector.broadcast %jit3A : f32 to vector<16xf32>
      %select_n3A = arith.select %eq3A_126, %broadcast_in_dim3A_127, %get3A_124 : vector<16xi1>, vector<16xf32>
      %swap3A = arith.index_cast %add3A_21 : i32 to index
      %swap3A_128 = arith.constant 0 : index
      %swap3A_129 = tpu.vector_load %arg12[%swap3A, %swap3A_128] {strides = array<i32>} : memref<24x256xf32, #tpu.memory_space<vmem>>, vector<16xf32>,
      tpu.vector_store %arg12[%swap3A, %swap3A_128], %select_n3A {strides = array<i32>} : memref<24x256xf32, #tpu.memory_space<vmem>>, vector<16xf32>,
      %scan3A_130 = arith.constant 0 : i32
      %scan3A_131 = arith.constant 0 : i32
      %scan3A_132 = arith.constant 16 : i32
      %scan3A_133 = arith.addi %scan3A_131, %scan3A_132 : i32
      %scan3A_134 = arith.constant 1 : i32
      %scan3A_135 = scf.for %scan3A_137 = %scan3A_131 to %scan3A_133 step %scan3A_134 iter_args(%scan3A_138 = %scan3A_130) -> (i32)  : i32 {
        %mul3A_139 = arith.constant 16 : i32
        %mul3A_140 = arith.muli %scan3A_137, %mul3A_139 : i32
        %get3A_141 = arith.index_cast %add3A_21 : i32 to index
        %get3A_142 = arith.index_cast %mul3A_140 : i32 to index
        %get3A_143 = tpu.vector_load %arg12[%get3A_141, %get3A_142] {strides = array<i32>} : memref<24x256xf32, #tpu.memory_space<vmem>>, vector<16xf32>,
        %slice3A = vector.extract_strided_slice %get3A_143 {offsets = [0], sizes = [1], strides = [1]} : vector<16xf32> to vector<1xf32>
        %squeeze3A = vector.extract %slice3A[0] : f32 from vector<1xf32>
        %broadcast_in_dim3A_144 = vector.broadcast %squeeze3A : f32 to vector<16xf32>
        %mul3A_145 = arith.constant 2 : i32
        %mul3A_146 = arith.muli %mul3A_145, %scan3A_137 : i32
        %add3A_147 = arith.constant 0 : i32
        %add3A_148 = arith.addi %mul3A_146, %add3A_147 : i32
        %swap3A_149 = arith.index_cast %add3A_148 : i32 to index
        %swap3A_150 = arith.constant 0 : index
        %swap3A_151 = tpu.vector_load %arg13[%swap3A_149, %swap3A_150] {strides = array<i32>} : memref<32x128xf32, #tpu.memory_space<vmem>>, vector<16xf32>,
        tpu.vector_store %arg13[%swap3A_149, %swap3A_150], %broadcast_in_dim3A_144 {strides = array<i32>} : memref<32x128xf32, #tpu.memory_space<vmem>>, vector<16xf32>,
        %slice3A_152 = vector.extract_strided_slice %get3A_143 {offsets = [1], sizes = [1], strides = [1]} : vector<16xf32> to vector<1xf32>
        %squeeze3A_153 = vector.extract %slice3A_152[0] : f32 from vector<1xf32>
        %broadcast_in_dim3A_154 = vector.broadcast %squeeze3A_153 : f32 to vector<16xf32>
        %mul3A_155 = arith.constant 2 : i32
        %mul3A_156 = arith.muli %mul3A_155, %scan3A_137 : i32
        %add3A_157 = arith.constant 0 : i32
        %add3A_158 = arith.addi %mul3A_156, %add3A_157 : i32
        %swap3A_159 = arith.index_cast %add3A_158 : i32 to index
        %swap3A_160 = arith.constant 16 : index
        %swap3A_161 = tpu.vector_load %arg13[%swap3A_159, %swap3A_160] {strides = array<i32>} : memref<32x128xf32, #tpu.memory_space<vmem>>, vector<16xf32>,
        tpu.vector_store %arg13[%swap3A_159, %swap3A_160], %broadcast_in_dim3A_154 {strides = array<i32>} : memref<32x128xf32, #tpu.memory_space<vmem>>, vector<16xf32>,
        %slice3A_162 = vector.extract_strided_slice %get3A_143 {offsets = [2], sizes = [1], strides = [1]} : vector<16xf32> to vector<1xf32>
        %squeeze3A_163 = vector.extract %slice3A_162[0] : f32 from vector<1xf32>
        %broadcast_in_dim3A_164 = vector.broadcast %squeeze3A_163 : f32 to vector<16xf32>
        %mul3A_165 = arith.constant 2 : i32
        %mul3A_166 = arith.muli %mul3A_165, %scan3A_137 : i32
        %add3A_167 = arith.constant 0 : i32
        %add3A_168 = arith.addi %mul3A_166, %add3A_167 : i32
        %swap3A_169 = arith.index_cast %add3A_168 : i32 to index
        %swap3A_170 = arith.constant 32 : index
        %swap3A_171 = tpu.vector_load %arg13[%swap3A_169, %swap3A_170] {strides = array<i32>} : memref<32x128xf32, #tpu.memory_space<vmem>>, vector<16xf32>,
        tpu.vector_store %arg13[%swap3A_169, %swap3A_170], %broadcast_in_dim3A_164 {strides = array<i32>} : memref<32x128xf32, #tpu.memory_space<vmem>>, vector<16xf32>,
        %slice3A_172 = vector.extract_strided_slice %get3A_143 {offsets = [3], sizes = [1], strides = [1]} : vector<16xf32> to vector<1xf32>
        %squeeze3A_173 = vector.extract %slice3A_172[0] : f32 from vector<1xf32>
        %broadcast_in_dim3A_174 = vector.broadcast %squeeze3A_173 : f32 to vector<16xf32>
        %mul3A_175 = arith.constant 2 : i32
        %mul3A_176 = arith.muli %mul3A_175, %scan3A_137 : i32
        %add3A_177 = arith.constant 0 : i32
        %add3A_178 = arith.addi %mul3A_176, %add3A_177 : i32
        %swap3A_179 = arith.index_cast %add3A_178 : i32 to index
        %swap3A_180 = arith.constant 48 : index
        %swap3A_181 = tpu.vector_load %arg13[%swap3A_179, %swap3A_180] {strides = array<i32>} : memref<32x128xf32, #tpu.memory_space<vmem>>, vector<16xf32>,
        tpu.vector_store %arg13[%swap3A_179, %swap3A_180], %broadcast_in_dim3A_174 {strides = array<i32>} : memref<32x128xf32, #tpu.memory_space<vmem>>, vector<16xf32>,
        %slice3A_182 = vector.extract_strided_slice %get3A_143 {offsets = [4], sizes = [1], strides = [1]} : vector<16xf32> to vector<1xf32>
        %squeeze3A_183 = vector.extract %slice3A_182[0] : f32 from vector<1xf32>
        %broadcast_in_dim3A_184 = vector.broadcast %squeeze3A_183 : f32 to vector<16xf32>
        %mul3A_185 = arith.constant 2 : i32
        %mul3A_186 = arith.muli %mul3A_185, %scan3A_137 : i32
        %add3A_187 = arith.constant 0 : i32
        %add3A_188 = arith.addi %mul3A_186, %add3A_187 : i32
        %swap3A_189 = arith.index_cast %add3A_188 : i32 to index
        %swap3A_190 = arith.constant 64 : index
        %swap3A_191 = tpu.vector_load %arg13[%swap3A_189, %swap3A_190] {strides = array<i32>} : memref<32x128xf32, #tpu.memory_space<vmem>>, vector<16xf32>,
        tpu.vector_store %arg13[%swap3A_189, %swap3A_190], %broadcast_in_dim3A_184 {strides = array<i32>} : memref<32x128xf32, #tpu.memory_space<vmem>>, vector<16xf32>,
        %slice3A_192 = vector.extract_strided_slice %get3A_143 {offsets = [5], sizes = [1], strides = [1]} : vector<16xf32> to vector<1xf32>
        %squeeze3A_193 = vector.extract %slice3A_192[0] : f32 from vector<1xf32>
        %broadcast_in_dim3A_194 = vector.broadcast %squeeze3A_193 : f32 to vector<16xf32>
        %mul3A_195 = arith.constant 2 : i32
        %mul3A_196 = arith.muli %mul3A_195, %scan3A_137 : i32
        %add3A_197 = arith.constant 0 : i32
        %add3A_198 = arith.addi %mul3A_196, %add3A_197 : i32
        %swap3A_199 = arith.index_cast %add3A_198 : i32 to index
        %swap3A_200 = arith.constant 80 : index
        %swap3A_201 = tpu.vector_load %arg13[%swap3A_199, %swap3A_200] {strides = array<i32>} : memref<32x128xf32, #tpu.memory_space<vmem>>, vector<16xf32>,
        tpu.vector_store %arg13[%swap3A_199, %swap3A_200], %broadcast_in_dim3A_194 {strides = array<i32>} : memref<32x128xf32, #tpu.memory_space<vmem>>, vector<16xf32>,
        %slice3A_202 = vector.extract_strided_slice %get3A_143 {offsets = [6], sizes = [1], strides = [1]} : vector<16xf32> to vector<1xf32>
        %squeeze3A_203 = vector.extract %slice3A_202[0] : f32 from vector<1xf32>
        %broadcast_in_dim3A_204 = vector.broadcast %squeeze3A_203 : f32 to vector<16xf32>
        %mul3A_205 = arith.constant 2 : i32
        %mul3A_206 = arith.muli %mul3A_205, %scan3A_137 : i32
        %add3A_207 = arith.constant 0 : i32
        %add3A_208 = arith.addi %mul3A_206, %add3A_207 : i32
        %swap3A_209 = arith.index_cast %add3A_208 : i32 to index
        %swap3A_210 = arith.constant 96 : index
        %swap3A_211 = tpu.vector_load %arg13[%swap3A_209, %swap3A_210] {strides = array<i32>} : memref<32x128xf32, #tpu.memory_space<vmem>>, vector<16xf32>,
        tpu.vector_store %arg13[%swap3A_209, %swap3A_210], %broadcast_in_dim3A_204 {strides = array<i32>} : memref<32x128xf32, #tpu.memory_space<vmem>>, vector<16xf32>,
        %slice3A_212 = vector.extract_strided_slice %get3A_143 {offsets = [7], sizes = [1], strides = [1]} : vector<16xf32> to vector<1xf32>
        %squeeze3A_213 = vector.extract %slice3A_212[0] : f32 from vector<1xf32>
        %broadcast_in_dim3A_214 = vector.broadcast %squeeze3A_213 : f32 to vector<16xf32>
        %mul3A_215 = arith.constant 2 : i32
        %mul3A_216 = arith.muli %mul3A_215, %scan3A_137 : i32
        %add3A_217 = arith.constant 0 : i32
        %add3A_218 = arith.addi %mul3A_216, %add3A_217 : i32
        %swap3A_219 = arith.index_cast %add3A_218 : i32 to index
        %swap3A_220 = arith.constant 112 : index
        %swap3A_221 = tpu.vector_load %arg13[%swap3A_219, %swap3A_220] {strides = array<i32>} : memref<32x128xf32, #tpu.memory_space<vmem>>, vector<16xf32>,
        tpu.vector_store %arg13[%swap3A_219, %swap3A_220], %broadcast_in_dim3A_214 {strides = array<i32>} : memref<32x128xf32, #tpu.memory_space<vmem>>, vector<16xf32>,
        %slice3A_222 = vector.extract_strided_slice %get3A_143 {offsets = [8], sizes = [1], strides = [1]} : vector<16xf32> to vector<1xf32>
        %squeeze3A_223 = vector.extract %slice3A_222[0] : f32 from vector<1xf32>
        %broadcast_in_dim3A_224 = vector.broadcast %squeeze3A_223 : f32 to vector<16xf32>
        %mul3A_225 = arith.constant 2 : i32
        %mul3A_226 = arith.muli %mul3A_225, %scan3A_137 : i32
        %add3A_227 = arith.constant 1 : i32
        %add3A_228 = arith.addi %mul3A_226, %add3A_227 : i32
        %swap3A_229 = arith.index_cast %add3A_228 : i32 to index
        %swap3A_230 = arith.constant 0 : index
        %swap3A_231 = tpu.vector_load %arg13[%swap3A_229, %swap3A_230] {strides = array<i32>} : memref<32x128xf32, #tpu.memory_space<vmem>>, vector<16xf32>,
        tpu.vector_store %arg13[%swap3A_229, %swap3A_230], %broadcast_in_dim3A_224 {strides = array<i32>} : memref<32x128xf32, #tpu.memory_space<vmem>>, vector<16xf32>,
        %slice3A_232 = vector.extract_strided_slice %get3A_143 {offsets = [9], sizes = [1], strides = [1]} : vector<16xf32> to vector<1xf32>
        %squeeze3A_233 = vector.extract %slice3A_232[0] : f32 from vector<1xf32>
        %broadcast_in_dim3A_234 = vector.broadcast %squeeze3A_233 : f32 to vector<16xf32>
        %mul3A_235 = arith.constant 2 : i32
        %mul3A_236 = arith.muli %mul3A_235, %scan3A_137 : i32
        %add3A_237 = arith.constant 1 : i32
        %add3A_238 = arith.addi %mul3A_236, %add3A_237 : i32
        %swap3A_239 = arith.index_cast %add3A_238 : i32 to index
        %swap3A_240 = arith.constant 16 : index
        %swap3A_241 = tpu.vector_load %arg13[%swap3A_239, %swap3A_240] {strides = array<i32>} : memref<32x128xf32, #tpu.memory_space<vmem>>, vector<16xf32>,
        tpu.vector_store %arg13[%swap3A_239, %swap3A_240], %broadcast_in_dim3A_234 {strides = array<i32>} : memref<32x128xf32, #tpu.memory_space<vmem>>, vector<16xf32>,
        %slice3A_242 = vector.extract_strided_slice %get3A_143 {offsets = [10], sizes = [1], strides = [1]} : vector<16xf32> to vector<1xf32>
        %squeeze3A_243 = vector.extract %slice3A_242[0] : f32 from vector<1xf32>
        %broadcast_in_dim3A_244 = vector.broadcast %squeeze3A_243 : f32 to vector<16xf32>
        %mul3A_245 = arith.constant 2 : i32
        %mul3A_246 = arith.muli %mul3A_245, %scan3A_137 : i32
        %add3A_247 = arith.constant 1 : i32
        %add3A_248 = arith.addi %mul3A_246, %add3A_247 : i32
        %swap3A_249 = arith.index_cast %add3A_248 : i32 to index
        %swap3A_250 = arith.constant 32 : index
        %swap3A_251 = tpu.vector_load %arg13[%swap3A_249, %swap3A_250] {strides = array<i32>} : memref<32x128xf32, #tpu.memory_space<vmem>>, vector<16xf32>,
        tpu.vector_store %arg13[%swap3A_249, %swap3A_250], %broadcast_in_dim3A_244 {strides = array<i32>} : memref<32x128xf32, #tpu.memory_space<vmem>>, vector<16xf32>,
        %slice3A_252 = vector.extract_strided_slice %get3A_143 {offsets = [11], sizes = [1], strides = [1]} : vector<16xf32> to vector<1xf32>
        %squeeze3A_253 = vector.extract %slice3A_252[0] : f32 from vector<1xf32>
        %broadcast_in_dim3A_254 = vector.broadcast %squeeze3A_253 : f32 to vector<16xf32>
        %mul3A_255 = arith.constant 2 : i32
        %mul3A_256 = arith.muli %mul3A_255, %scan3A_137 : i32
        %add3A_257 = arith.constant 1 : i32
        %add3A_258 = arith.addi %mul3A_256, %add3A_257 : i32
        %swap3A_259 = arith.index_cast %add3A_258 : i32 to index
        %swap3A_260 = arith.constant 48 : index
        %swap3A_261 = tpu.vector_load %arg13[%swap3A_259, %swap3A_260] {strides = array<i32>} : memref<32x128xf32, #tpu.memory_space<vmem>>, vector<16xf32>,
        tpu.vector_store %arg13[%swap3A_259, %swap3A_260], %broadcast_in_dim3A_254 {strides = array<i32>} : memref<32x128xf32, #tpu.memory_space<vmem>>, vector<16xf32>,
        %slice3A_262 = vector.extract_strided_slice %get3A_143 {offsets = [12], sizes = [1], strides = [1]} : vector<16xf32> to vector<1xf32>
        %squeeze3A_263 = vector.extract %slice3A_262[0] : f32 from vector<1xf32>
        %broadcast_in_dim3A_264 = vector.broadcast %squeeze3A_263 : f32 to vector<16xf32>
        %mul3A_265 = arith.constant 2 : i32
        %mul3A_266 = arith.muli %mul3A_265, %scan3A_137 : i32
        %add3A_267 = arith.constant 1 : i32
        %add3A_268 = arith.addi %mul3A_266, %add3A_267 : i32
        %swap3A_269 = arith.index_cast %add3A_268 : i32 to index
        %swap3A_270 = arith.constant 64 : index
        %swap3A_271 = tpu.vector_load %arg13[%swap3A_269, %swap3A_270] {strides = array<i32>} : memref<32x128xf32, #tpu.memory_space<vmem>>, vector<16xf32>,
        tpu.vector_store %arg13[%swap3A_269, %swap3A_270], %broadcast_in_dim3A_264 {strides = array<i32>} : memref<32x128xf32, #tpu.memory_space<vmem>>, vector<16xf32>,
        %slice3A_272 = vector.extract_strided_slice %get3A_143 {offsets = [13], sizes = [1], strides = [1]} : vector<16xf32> to vector<1xf32>
        %squeeze3A_273 = vector.extract %slice3A_272[0] : f32 from vector<1xf32>
        %broadcast_in_dim3A_274 = vector.broadcast %squeeze3A_273 : f32 to vector<16xf32>
        %mul3A_275 = arith.constant 2 : i32
        %mul3A_276 = arith.muli %mul3A_275, %scan3A_137 : i32
        %add3A_277 = arith.constant 1 : i32
        %add3A_278 = arith.addi %mul3A_276, %add3A_277 : i32
        %swap3A_279 = arith.index_cast %add3A_278 : i32 to index
        %swap3A_280 = arith.constant 80 : index
        %swap3A_281 = tpu.vector_load %arg13[%swap3A_279, %swap3A_280] {strides = array<i32>} : memref<32x128xf32, #tpu.memory_space<vmem>>, vector<16xf32>,
        tpu.vector_store %arg13[%swap3A_279, %swap3A_280], %broadcast_in_dim3A_274 {strides = array<i32>} : memref<32x128xf32, #tpu.memory_space<vmem>>, vector<16xf32>,
        %slice3A_282 = vector.extract_strided_slice %get3A_143 {offsets = [14], sizes = [1], strides = [1]} : vector<16xf32> to vector<1xf32>
        %squeeze3A_283 = vector.extract %slice3A_282[0] : f32 from vector<1xf32>
        %broadcast_in_dim3A_284 = vector.broadcast %squeeze3A_283 : f32 to vector<16xf32>
        %mul3A_285 = arith.constant 2 : i32
        %mul3A_286 = arith.muli %mul3A_285, %scan3A_137 : i32
        %add3A_287 = arith.constant 1 : i32
        %add3A_288 = arith.addi %mul3A_286, %add3A_287 : i32
        %swap3A_289 = arith.index_cast %add3A_288 : i32 to index
        %swap3A_290 = arith.constant 96 : index
        %swap3A_291 = tpu.vector_load %arg13[%swap3A_289, %swap3A_290] {strides = array<i32>} : memref<32x128xf32, #tpu.memory_space<vmem>>, vector<16xf32>,
        tpu.vector_store %arg13[%swap3A_289, %swap3A_290], %broadcast_in_dim3A_284 {strides = array<i32>} : memref<32x128xf32, #tpu.memory_space<vmem>>, vector<16xf32>,
        %slice3A_292 = vector.extract_strided_slice %get3A_143 {offsets = [15], sizes = [1], strides = [1]} : vector<16xf32> to vector<1xf32>
        %squeeze3A_293 = vector.extract %slice3A_292[0] : f32 from vector<1xf32>
        %broadcast_in_dim3A_294 = vector.broadcast %squeeze3A_293 : f32 to vector<16xf32>
        %mul3A_295 = arith.constant 2 : i32
        %mul3A_296 = arith.muli %mul3A_295, %scan3A_137 : i32
        %add3A_297 = arith.constant 1 : i32
        %add3A_298 = arith.addi %mul3A_296, %add3A_297 : i32
        %swap3A_299 = arith.index_cast %add3A_298 : i32 to index
        %swap3A_300 = arith.constant 112 : index
        %swap3A_301 = tpu.vector_load %arg13[%swap3A_299, %swap3A_300] {strides = array<i32>} : memref<32x128xf32, #tpu.memory_space<vmem>>, vector<16xf32>,
        tpu.vector_store %arg13[%swap3A_299, %swap3A_300], %broadcast_in_dim3A_294 {strides = array<i32>} : memref<32x128xf32, #tpu.memory_space<vmem>>, vector<16xf32>,
        %scan3A_302 = arith.constant 0 : i32
        scf.yield %scan3A_302 : i32
      }
      %scan3A_136 = arith.constant 16 : i32
      "tpu.region"() ({
        %run_scoped3A = tpu.sem_alloc : memref<!tpu.dma_semaphore, #tpu.memory_space<semaphore_mem>>
        %dma_start3A_137 = arith.constant 0 : i32
        %dma_start3A_138 = arith.constant 0 : i32
        %dma_start3A_139 = tpu.memref_slice %arg16[%add3A_21, %dma_start3A_137, %dma_start3A_138] : memref<24x32x128xf32, #tpu.memory_space<vmem_shared>> -> memref<1x32x128xf32, #tpu.memory_space<vmem_shared>>
        %dma_start3A_140 = tpu.memref_squeeze %dma_start3A_139 : memref<1x32x128xf32, #tpu.memory_space<vmem_shared>> -> memref<32x128xf32, #tpu.memory_space<vmem_shared>>
        %dma_start3A_141 = arith.constant 0 : i32
        %dma_start3A_142 = arith.constant 0 : i32
        %dma_start3A_143 = tpu.memref_slice %arg16[%add3A_21, %dma_start3A_141, %dma_start3A_142] : memref<24x32x128xf32, #tpu.memory_space<vmem_shared>> -> memref<1x32x128xf32, #tpu.memory_space<vmem_shared>>
        %dma_start3A_144 = tpu.memref_squeeze %dma_start3A_143 : memref<1x32x128xf32, #tpu.memory_space<vmem_shared>> -> memref<32x128xf32, #tpu.memory_space<vmem_shared>>
        tpu.enqueue_dma source(%arg13 : memref<32x128xf32, #tpu.memory_space<vmem>>) target(%dma_start3A_144 : memref<32x128xf32, #tpu.memory_space<vmem_shared>>) target_semaphore(%run_scoped3A : memref<!tpu.dma_semaphore, #tpu.memory_space<semaphore_mem>>)
        %dma_wait3A_145 = arith.constant 0 : i32
        %dma_wait3A_146 = arith.constant 0 : i32
        %dma_wait3A_147 = tpu.memref_slice %arg16[%add3A_21, %dma_wait3A_145, %dma_wait3A_146] : memref<24x32x128xf32, #tpu.memory_space<vmem_shared>> -> memref<1x32x128xf32, #tpu.memory_space<vmem_shared>>
        %dma_wait3A_148 = tpu.memref_squeeze %dma_wait3A_147 : memref<1x32x128xf32, #tpu.memory_space<vmem_shared>> -> memref<32x128xf32, #tpu.memory_space<vmem_shared>>
        %dma_wait3A_149 = arith.constant 0 : i32
        %dma_wait3A_150 = arith.constant 0 : i32
        %dma_wait3A_151 = tpu.memref_slice %arg16[%add3A_21, %dma_wait3A_149, %dma_wait3A_150] : memref<24x32x128xf32, #tpu.memory_space<vmem_shared>> -> memref<1x32x128xf32, #tpu.memory_space<vmem_shared>>
        %dma_wait3A_152 = tpu.memref_squeeze %dma_wait3A_151 : memref<1x32x128xf32, #tpu.memory_space<vmem_shared>> -> memref<32x128xf32, #tpu.memory_space<vmem_shared>>
        tpu.wait_dma2 semaphore(%run_scoped3A : memref<!tpu.dma_semaphore, #tpu.memory_space<semaphore_mem>>) src(%arg13 : memref<32x128xf32, #tpu.memory_space<vmem>>) dst(%dma_wait3A_152 : memref<32x128xf32, #tpu.memory_space<vmem_shared>>)
        tpu.yield
      }) : () -> ()
    } else {
    }
    %add3A_24 = arith.constant 16 : i32
    %add3A_25 = arith.addi %arg1, %add3A_24 : i32
    %lt3A_26 = arith.constant 24 : i32
    %lt3A_27 = arith.cmpi slt, %add3A_25, %lt3A_26 : i32
    %convert_element_type3A_28 = arith.extui %lt3A_27 : i1 to i32
    %cond3A_29 = arith.constant 0 : i32
    %cond3A_30 = arith.cmpi ne, %convert_element_type3A_28, %cond3A_29 : i32
    scf.if %cond3A_30 {
      "tpu.region"() ({
        %run_scoped3A = tpu.sem_alloc : memref<!tpu.dma_semaphore, #tpu.memory_space<semaphore_mem>>
        %dma_start3A_137 = arith.constant 0 : i32
        %dma_start3A_138 = arith.constant 0 : i32
        %dma_start3A_139 = tpu.memref_slice %arg15[%dma_start3A_137, %add3A_25, %dma_start3A_138] : memref<16x24x256xf32, #tpu.memory_space<vmem_shared>> -> memref<16x1x256xf32, #tpu.memory_space<vmem_shared>>
        %dma_start3A_140 = tpu.memref_squeeze %dma_start3A_139 : memref<16x1x256xf32, #tpu.memory_space<vmem_shared>> -> memref<16x256xf32, #tpu.memory_space<vmem_shared>>
        %dma_start3A_141 = arith.constant 0 : i32
        %dma_start3A_142 = arith.constant 0 : i32
        %dma_start3A_143 = tpu.memref_slice %arg15[%dma_start3A_141, %add3A_25, %dma_start3A_142] : memref<16x24x256xf32, #tpu.memory_space<vmem_shared>> -> memref<16x1x256xf32, #tpu.memory_space<vmem_shared>>
        %dma_start3A_144 = tpu.memref_squeeze %dma_start3A_143 : memref<16x1x256xf32, #tpu.memory_space<vmem_shared>> -> memref<16x256xf32, #tpu.memory_space<vmem_shared>>
        tpu.enqueue_dma source(%dma_start3A_144 : memref<16x256xf32, #tpu.memory_space<vmem_shared>>) target(%arg9 : memref<16x256xf32, #tpu.memory_space<vmem>>) target_semaphore(%run_scoped3A : memref<!tpu.dma_semaphore, #tpu.memory_space<semaphore_mem>>)
        %dma_wait3A_145 = arith.constant 0 : i32
        %dma_wait3A_146 = arith.constant 0 : i32
        %dma_wait3A_147 = tpu.memref_slice %arg15[%dma_wait3A_145, %add3A_25, %dma_wait3A_146] : memref<16x24x256xf32, #tpu.memory_space<vmem_shared>> -> memref<16x1x256xf32, #tpu.memory_space<vmem_shared>>
        %dma_wait3A_148 = tpu.memref_squeeze %dma_wait3A_147 : memref<16x1x256xf32, #tpu.memory_space<vmem_shared>> -> memref<16x256xf32, #tpu.memory_space<vmem_shared>>
        %dma_wait3A_149 = arith.constant 0 : i32
        %dma_wait3A_150 = arith.constant 0 : i32
        %dma_wait3A_151 = tpu.memref_slice %arg15[%dma_wait3A_149, %add3A_25, %dma_wait3A_150] : memref<16x24x256xf32, #tpu.memory_space<vmem_shared>> -> memref<16x1x256xf32, #tpu.memory_space<vmem_shared>>
        %dma_wait3A_152 = tpu.memref_squeeze %dma_wait3A_151 : memref<16x1x256xf32, #tpu.memory_space<vmem_shared>> -> memref<16x256xf32, #tpu.memory_space<vmem_shared>>
        tpu.wait_dma2 semaphore(%run_scoped3A : memref<!tpu.dma_semaphore, #tpu.memory_space<semaphore_mem>>) src(%dma_wait3A_152 : memref<16x256xf32, #tpu.memory_space<vmem_shared>>) dst(%arg9 : memref<16x256xf32, #tpu.memory_space<vmem>>)
        tpu.yield
      }) : () -> ()
      %parallel_loop3A_83 = arith.constant 0 : i32
      %parallel_loop3A_84 = arith.constant 16 : i32
      %parallel_loop3A_85 = arith.constant 1 : i32
      scf.for %parallel_loop3A_137 = %parallel_loop3A_83 to %parallel_loop3A_84 step %parallel_loop3A_85  : i32 {
        %parallel_loop3A_138 = arith.constant 16 : i32
        %parallel_loop3A_139 = arith.muli %parallel_loop3A_137, %parallel_loop3A_138 : i32
        %parallel_loop3A_140 = arith.constant 0 : i32
        %parallel_loop3A_141 = arith.index_cast %parallel_loop3A_140 : i32 to index
        %parallel_loop3A_142 = arith.index_cast %parallel_loop3A_139 : i32 to index
        %parallel_loop3A_143 = tpu.vector_load %arg9[%parallel_loop3A_141, %parallel_loop3A_142] {strides = array<i32>} : memref<16x256xf32, #tpu.memory_space<vmem>>, vector<16xf32>,
        %parallel_loop3A_144 = arith.constant 16 : i32
        %parallel_loop3A_145 = arith.muli %parallel_loop3A_137, %parallel_loop3A_144 : i32
        %parallel_loop3A_146 = arith.constant 1 : i32
        %parallel_loop3A_147 = arith.index_cast %parallel_loop3A_146 : i32 to index
        %parallel_loop3A_148 = arith.index_cast %parallel_loop3A_145 : i32 to index
        %parallel_loop3A_149 = tpu.vector_load %arg9[%parallel_loop3A_147, %parallel_loop3A_148] {strides = array<i32>} : memref<16x256xf32, #tpu.memory_space<vmem>>, vector<16xf32>,
        %parallel_loop3A_150 = arith.addf %parallel_loop3A_143, %parallel_loop3A_149 : vector<16xf32>
        %parallel_loop3A_151 = arith.constant 16 : i32
        %parallel_loop3A_152 = arith.muli %parallel_loop3A_137, %parallel_loop3A_151 : i32
        %parallel_loop3A_153 = arith.constant 2 : i32
        %parallel_loop3A_154 = arith.index_cast %parallel_loop3A_153 : i32 to index
        %parallel_loop3A_155 = arith.index_cast %parallel_loop3A_152 : i32 to index
        %parallel_loop3A_156 = tpu.vector_load %arg9[%parallel_loop3A_154, %parallel_loop3A_155] {strides = array<i32>} : memref<16x256xf32, #tpu.memory_space<vmem>>, vector<16xf32>,
        %parallel_loop3A_157 = arith.addf %parallel_loop3A_150, %parallel_loop3A_156 : vector<16xf32>
        %parallel_loop3A_158 = arith.constant 16 : i32
        %parallel_loop3A_159 = arith.muli %parallel_loop3A_137, %parallel_loop3A_158 : i32
        %parallel_loop3A_160 = arith.constant 3 : i32
        %parallel_loop3A_161 = arith.index_cast %parallel_loop3A_160 : i32 to index
        %parallel_loop3A_162 = arith.index_cast %parallel_loop3A_159 : i32 to index
        %parallel_loop3A_163 = tpu.vector_load %arg9[%parallel_loop3A_161, %parallel_loop3A_162] {strides = array<i32>} : memref<16x256xf32, #tpu.memory_space<vmem>>, vector<16xf32>,
        %parallel_loop3A_164 = arith.addf %parallel_loop3A_157, %parallel_loop3A_163 : vector<16xf32>
        %parallel_loop3A_165 = arith.constant 16 : i32
        %parallel_loop3A_166 = arith.muli %parallel_loop3A_137, %parallel_loop3A_165 : i32
        %parallel_loop3A_167 = arith.constant 4 : i32
        %parallel_loop3A_168 = arith.index_cast %parallel_loop3A_167 : i32 to index
        %parallel_loop3A_169 = arith.index_cast %parallel_loop3A_166 : i32 to index
        %parallel_loop3A_170 = tpu.vector_load %arg9[%parallel_loop3A_168, %parallel_loop3A_169] {strides = array<i32>} : memref<16x256xf32, #tpu.memory_space<vmem>>, vector<16xf32>,
        %parallel_loop3A_171 = arith.addf %parallel_loop3A_164, %parallel_loop3A_170 : vector<16xf32>
        %parallel_loop3A_172 = arith.constant 16 : i32
        %parallel_loop3A_173 = arith.muli %parallel_loop3A_137, %parallel_loop3A_172 : i32
        %parallel_loop3A_174 = arith.constant 5 : i32
        %parallel_loop3A_175 = arith.index_cast %parallel_loop3A_174 : i32 to index
        %parallel_loop3A_176 = arith.index_cast %parallel_loop3A_173 : i32 to index
        %parallel_loop3A_177 = tpu.vector_load %arg9[%parallel_loop3A_175, %parallel_loop3A_176] {strides = array<i32>} : memref<16x256xf32, #tpu.memory_space<vmem>>, vector<16xf32>,
        %parallel_loop3A_178 = arith.addf %parallel_loop3A_171, %parallel_loop3A_177 : vector<16xf32>
        %parallel_loop3A_179 = arith.constant 16 : i32
        %parallel_loop3A_180 = arith.muli %parallel_loop3A_137, %parallel_loop3A_179 : i32
        %parallel_loop3A_181 = arith.constant 6 : i32
        %parallel_loop3A_182 = arith.index_cast %parallel_loop3A_181 : i32 to index
        %parallel_loop3A_183 = arith.index_cast %parallel_loop3A_180 : i32 to index
        %parallel_loop3A_184 = tpu.vector_load %arg9[%parallel_loop3A_182, %parallel_loop3A_183] {strides = array<i32>} : memref<16x256xf32, #tpu.memory_space<vmem>>, vector<16xf32>,
        %parallel_loop3A_185 = arith.addf %parallel_loop3A_178, %parallel_loop3A_184 : vector<16xf32>
        %parallel_loop3A_186 = arith.constant 16 : i32
        %parallel_loop3A_187 = arith.muli %parallel_loop3A_137, %parallel_loop3A_186 : i32
        %parallel_loop3A_188 = arith.constant 7 : i32
        %parallel_loop3A_189 = arith.index_cast %parallel_loop3A_188 : i32 to index
        %parallel_loop3A_190 = arith.index_cast %parallel_loop3A_187 : i32 to index
        %parallel_loop3A_191 = tpu.vector_load %arg9[%parallel_loop3A_189, %parallel_loop3A_190] {strides = array<i32>} : memref<16x256xf32, #tpu.memory_space<vmem>>, vector<16xf32>,
        %parallel_loop3A_192 = arith.addf %parallel_loop3A_185, %parallel_loop3A_191 : vector<16xf32>
        %parallel_loop3A_193 = arith.constant 16 : i32
        %parallel_loop3A_194 = arith.muli %parallel_loop3A_137, %parallel_loop3A_193 : i32
        %parallel_loop3A_195 = arith.constant 8 : i32
        %parallel_loop3A_196 = arith.index_cast %parallel_loop3A_195 : i32 to index
        %parallel_loop3A_197 = arith.index_cast %parallel_loop3A_194 : i32 to index
        %parallel_loop3A_198 = tpu.vector_load %arg9[%parallel_loop3A_196, %parallel_loop3A_197] {strides = array<i32>} : memref<16x256xf32, #tpu.memory_space<vmem>>, vector<16xf32>,
        %parallel_loop3A_199 = arith.addf %parallel_loop3A_192, %parallel_loop3A_198 : vector<16xf32>
        %parallel_loop3A_200 = arith.constant 16 : i32
        %parallel_loop3A_201 = arith.muli %parallel_loop3A_137, %parallel_loop3A_200 : i32
        %parallel_loop3A_202 = arith.constant 9 : i32
        %parallel_loop3A_203 = arith.index_cast %parallel_loop3A_202 : i32 to index
        %parallel_loop3A_204 = arith.index_cast %parallel_loop3A_201 : i32 to index
        %parallel_loop3A_205 = tpu.vector_load %arg9[%parallel_loop3A_203, %parallel_loop3A_204] {strides = array<i32>} : memref<16x256xf32, #tpu.memory_space<vmem>>, vector<16xf32>,
        %parallel_loop3A_206 = arith.addf %parallel_loop3A_199, %parallel_loop3A_205 : vector<16xf32>
        %parallel_loop3A_207 = arith.constant 16 : i32
        %parallel_loop3A_208 = arith.muli %parallel_loop3A_137, %parallel_loop3A_207 : i32
        %parallel_loop3A_209 = arith.constant 10 : i32
        %parallel_loop3A_210 = arith.index_cast %parallel_loop3A_209 : i32 to index
        %parallel_loop3A_211 = arith.index_cast %parallel_loop3A_208 : i32 to index
        %parallel_loop3A_212 = tpu.vector_load %arg9[%parallel_loop3A_210, %parallel_loop3A_211] {strides = array<i32>} : memref<16x256xf32, #tpu.memory_space<vmem>>, vector<16xf32>,
        %parallel_loop3A_213 = arith.addf %parallel_loop3A_206, %parallel_loop3A_212 : vector<16xf32>
        %parallel_loop3A_214 = arith.constant 16 : i32
        %parallel_loop3A_215 = arith.muli %parallel_loop3A_137, %parallel_loop3A_214 : i32
        %parallel_loop3A_216 = arith.constant 11 : i32
        %parallel_loop3A_217 = arith.index_cast %parallel_loop3A_216 : i32 to index
        %parallel_loop3A_218 = arith.index_cast %parallel_loop3A_215 : i32 to index
        %parallel_loop3A_219 = tpu.vector_load %arg9[%parallel_loop3A_217, %parallel_loop3A_218] {strides = array<i32>} : memref<16x256xf32, #tpu.memory_space<vmem>>, vector<16xf32>,
        %parallel_loop3A_220 = arith.addf %parallel_loop3A_213, %parallel_loop3A_219 : vector<16xf32>
        %parallel_loop3A_221 = arith.constant 16 : i32
        %parallel_loop3A_222 = arith.muli %parallel_loop3A_137, %parallel_loop3A_221 : i32
        %parallel_loop3A_223 = arith.constant 12 : i32
        %parallel_loop3A_224 = arith.index_cast %parallel_loop3A_223 : i32 to index
        %parallel_loop3A_225 = arith.index_cast %parallel_loop3A_222 : i32 to index
        %parallel_loop3A_226 = tpu.vector_load %arg9[%parallel_loop3A_224, %parallel_loop3A_225] {strides = array<i32>} : memref<16x256xf32, #tpu.memory_space<vmem>>, vector<16xf32>,
        %parallel_loop3A_227 = arith.addf %parallel_loop3A_220, %parallel_loop3A_226 : vector<16xf32>
        %parallel_loop3A_228 = arith.constant 16 : i32
        %parallel_loop3A_229 = arith.muli %parallel_loop3A_137, %parallel_loop3A_228 : i32
        %parallel_loop3A_230 = arith.constant 13 : i32
        %parallel_loop3A_231 = arith.index_cast %parallel_loop3A_230 : i32 to index
        %parallel_loop3A_232 = arith.index_cast %parallel_loop3A_229 : i32 to index
        %parallel_loop3A_233 = tpu.vector_load %arg9[%parallel_loop3A_231, %parallel_loop3A_232] {strides = array<i32>} : memref<16x256xf32, #tpu.memory_space<vmem>>, vector<16xf32>,
        %parallel_loop3A_234 = arith.addf %parallel_loop3A_227, %parallel_loop3A_233 : vector<16xf32>
        %parallel_loop3A_235 = arith.constant 16 : i32
        %parallel_loop3A_236 = arith.muli %parallel_loop3A_137, %parallel_loop3A_235 : i32
        %parallel_loop3A_237 = arith.constant 14 : i32
        %parallel_loop3A_238 = arith.index_cast %parallel_loop3A_237 : i32 to index
        %parallel_loop3A_239 = arith.index_cast %parallel_loop3A_236 : i32 to index
        %parallel_loop3A_240 = tpu.vector_load %arg9[%parallel_loop3A_238, %parallel_loop3A_239] {strides = array<i32>} : memref<16x256xf32, #tpu.memory_space<vmem>>, vector<16xf32>,
        %parallel_loop3A_241 = arith.addf %parallel_loop3A_234, %parallel_loop3A_240 : vector<16xf32>
        %parallel_loop3A_242 = arith.constant 16 : i32
        %parallel_loop3A_243 = arith.muli %parallel_loop3A_137, %parallel_loop3A_242 : i32
        %parallel_loop3A_244 = arith.constant 15 : i32
        %parallel_loop3A_245 = arith.index_cast %parallel_loop3A_244 : i32 to index
        %parallel_loop3A_246 = arith.index_cast %parallel_loop3A_243 : i32 to index
        %parallel_loop3A_247 = tpu.vector_load %arg9[%parallel_loop3A_245, %parallel_loop3A_246] {strides = array<i32>} : memref<16x256xf32, #tpu.memory_space<vmem>>, vector<16xf32>,
        %parallel_loop3A_248 = arith.addf %parallel_loop3A_241, %parallel_loop3A_247 : vector<16xf32>
        %parallel_loop3A_249 = arith.constant 16 : i32
        %parallel_loop3A_250 = arith.muli %parallel_loop3A_137, %parallel_loop3A_249 : i32
        %parallel_loop3A_251 = arith.index_cast %parallel_loop3A_250 : i32 to index
        %parallel_loop3A_252 = tpu.vector_load %arg10[%parallel_loop3A_251] {strides = array<i32>} : memref<256xf32, #tpu.memory_space<vmem>>, vector<16xf32>,
        tpu.vector_store %arg10[%parallel_loop3A_251], %parallel_loop3A_248 {strides = array<i32>} : memref<256xf32, #tpu.memory_space<vmem>>, vector<16xf32>,
      } {sc.loop_unroll_factor = 2 : i64, sc.parallel_access}
      %scan3A_86 = arith.constant 0.000000e+00 : f32
      %scan3A_87 = arith.constant -1 : i32
      %scan3A_88 = arith.constant 0 : i32
      %scan3A_89 = arith.constant 16 : i32
      %scan3A_90 = arith.addi %scan3A_88, %scan3A_89 : i32
      %scan3A_91 = arith.constant 1 : i32
      %scan3A_92:2 = scf.for %scan3A_137 = %scan3A_88 to %scan3A_90 step %scan3A_91 iter_args(%scan3A_138 = %scan3A_86, %scan3A_139 = %scan3A_87) -> (f32, i32)  : i32 {
        %mul3A_140 = arith.constant 16 : i32
        %mul3A_141 = arith.muli %scan3A_137, %mul3A_140 : i32
        %get3A_142 = arith.index_cast %mul3A_141 : i32 to index
        %get3A_143 = tpu.vector_load %arg10[%get3A_142] {strides = array<i32>} : memref<256xf32, #tpu.memory_space<vmem>>, vector<16xf32>,
        %broadcast_in_dim3A_144 = arith.constant true
        %broadcast_in_dim3A_145 = vector.broadcast %broadcast_in_dim3A_144 : i1 to vector<16xi1>
        %masked_cumsum3A = tpu.scan <sum>, %get3A_143 masked %broadcast_in_dim3A_145 : vector<16xf32>, vector<16xi1> -> vector<16xf32>
        %add3A_146 = vector.broadcast %scan3A_138 : f32 to vector<16xf32>
        %add3A_147 = arith.addf %masked_cumsum3A, %add3A_146 : vector<16xf32>
        %mul3A_148 = arith.constant 16 : i32
        %mul3A_149 = arith.muli %scan3A_137, %mul3A_148 : i32
        %swap3A_150 = arith.index_cast %mul3A_149 : i32 to index
        %swap3A_151 = tpu.vector_load %arg11[%swap3A_150] {strides = array<i32>} : memref<256xf32, #tpu.memory_space<vmem>>, vector<16xf32>,
        tpu.vector_store %arg11[%swap3A_150], %add3A_147 {strides = array<i32>} : memref<256xf32, #tpu.memory_space<vmem>>, vector<16xf32>,
        %mul3A_152 = arith.constant 16 : i32
        %mul3A_153 = arith.muli %scan3A_137, %mul3A_152 : i32
        %add3A_154 = vector.broadcast %mul3A_153 : i32 to vector<16xi32>
        %add3A_155 = arith.addi %iota3A, %add3A_154 : vector<16xi32>
        %gt3A = arith.constant 0.000000e+00 : f32
        %gt3A_156 = vector.broadcast %gt3A : f32 to vector<16xf32>
        %gt3A_157 = arith.cmpf ogt, %get3A_143, %gt3A_156 : vector<16xf32>
        %jit3A_158 = arith.constant -1 : i32
        %broadcast_in_dim3A_159 = vector.broadcast %jit3A_158 : i32 to vector<16xi32>
        %select_n3A_160 = arith.select %gt3A_157, %add3A_155, %broadcast_in_dim3A_159 : vector<16xi1>, vector<16xi32>
        %reduce_max3A = arith.constant true
        %reduce_max3A_161 = vector.broadcast %reduce_max3A : i1 to vector<16xi1>
        %reduce_max3A_162 = arith.constant -2147483648 : i32
        %reduce_max3A_163 = vector.broadcast %reduce_max3A_162 : i32 to vector<16xi32>
        %reduce_max3A_164 = arith.xori %select_n3A_160, %reduce_max3A_163 : vector<16xi32>
        %reduce_max3A_165 = tpu.scan <max>, %reduce_max3A_164 masked %reduce_max3A_161 : vector<16xi32>, vector<16xi1> -> vector<16xi32>
        %reduce_max3A_166 = arith.xori %reduce_max3A_165, %reduce_max3A_163 : vector<16xi32>
        %reduce_max3A_167 = vector.extract %reduce_max3A_166[15] : i32 from vector<16xi32>
        %reduce_max3A_168 = arith.constant true
        %reduce_max3A_169 = vector.broadcast %reduce_max3A_168 : i1 to vector<16xi1>
        %reduce_max3A_170 = tpu.scan <max>, %add3A_147 masked %reduce_max3A_169 : vector<16xf32>, vector<16xi1> -> vector<16xf32>
        %reduce_max3A_171 = vector.extract %reduce_max3A_170[15] : f32 from vector<16xf32>
        %max3A_172 = arith.maxsi %scan3A_139, %reduce_max3A_167 : i32
        scf.yield %reduce_max3A_171, %max3A_172 : f32, i32
      }
      %scan3A_93 = arith.constant 16 : i32
      %scan3A_94 = arith.constant 0.000000e+00 : f32
      %scan3A_95 = arith.constant 0 : i32
      %scan3A_96 = arith.constant 16 : i32
      %scan3A_97 = arith.addi %scan3A_95, %scan3A_96 : i32
      %scan3A_98 = arith.constant 1 : i32
      %scan3A_99 = scf.for %scan3A_137 = %scan3A_95 to %scan3A_97 step %scan3A_98 iter_args(%scan3A_138 = %scan3A_94) -> (f32)  : i32 {
        %mul3A_139 = arith.constant 16 : i32
        %mul3A_140 = arith.muli %scan3A_137, %mul3A_139 : i32
        %get3A_141 = arith.index_cast %mul3A_140 : i32 to index
        %get3A_142 = tpu.vector_load %arg10[%get3A_141] {strides = array<i32>} : memref<256xf32, #tpu.memory_space<vmem>>, vector<16xf32>,
        %mul3A_143 = arith.constant 16 : i32
        %mul3A_144 = arith.muli %scan3A_137, %mul3A_143 : i32
        %add3A_145 = vector.broadcast %mul3A_144 : i32 to vector<16xi32>
        %add3A_146 = arith.addi %iota3A, %add3A_145 : vector<16xi32>
        %eq3A_147 = vector.broadcast %scan3A_92#1 : i32 to vector<16xi32>
        %eq3A_148 = arith.cmpi eq, %add3A_146, %eq3A_147 : vector<16xi32>
        %jit3A_149 = arith.constant 0.000000e+00 : f32
        %broadcast_in_dim3A_150 = vector.broadcast %jit3A_149 : f32 to vector<16xf32>
        %select_n3A_151 = arith.select %eq3A_148, %get3A_142, %broadcast_in_dim3A_150 : vector<16xi1>, vector<16xf32>
        %reduce_sum3A = arith.constant true
        %reduce_sum3A_152 = vector.broadcast %reduce_sum3A : i1 to vector<16xi1>
        %reduce_sum3A_153 = tpu.scan <sum>, %select_n3A_151 masked %reduce_sum3A_152 : vector<16xf32>, vector<16xi1> -> vector<16xf32>
        %reduce_sum3A_154 = vector.extract %reduce_sum3A_153[15] : f32 from vector<16xf32>
        %add3A_155 = arith.addf %scan3A_138, %reduce_sum3A_154 : f32
        scf.yield %add3A_155 : f32
      }
      %scan3A_100 = arith.constant 16 : i32
      %sub3A = arith.subf %scan3A_92#0, %scan3A_99 : f32
      %broadcast_in_dim3A_101 = vector.broadcast %sub3A : f32 to vector<16xf32>
      %div3A = arith.constant 2.550000e+02 : f32
      %div3A_102 = vector.broadcast %div3A : f32 to vector<16xf32>
      %div3A_103 = arith.divf %broadcast_in_dim3A_101, %div3A_102 : vector<16xf32>
      %convert_element_type3A_104 = arith.fptosi %div3A_103 : vector<16xf32> to vector<16xi32>
      %convert_element_type3A_105 = arith.sitofp %convert_element_type3A_104 : vector<16xi32> to vector<16xf32>
      %mul3A_106 = arith.constant 5.000000e-01 : f32
      %mul3A_107 = vector.broadcast %mul3A_106 : f32 to vector<16xf32>
      %mul3A_108 = arith.mulf %convert_element_type3A_105, %mul3A_107 : vector<16xf32>
      %convert_element_type3A_109 = arith.fptosi %mul3A_108 : vector<16xf32> to vector<16xi32>
      %convert_element_type3A_110 = arith.sitofp %convert_element_type3A_109 : vector<16xi32> to vector<16xf32>
      %max3A = arith.constant 1.000000e+00 : f32
      %max3A_111 = vector.broadcast %max3A : f32 to vector<16xf32>
      %max3A_112 = arith.maximumf %convert_element_type3A_105, %max3A_111 : vector<16xf32>
      %le3A = arith.constant 0.000000e+00 : f32
      %le3A_113 = vector.broadcast %le3A : f32 to vector<16xf32>
      %le3A_114 = arith.cmpf ole, %convert_element_type3A_105, %le3A_113 : vector<16xf32>
      %broadcast_in_dim3A_115 = vector.broadcast %add3A_25 : i32 to vector<16xi32>
      %scan3A_116 = arith.constant 0 : i32
      %scan3A_117 = arith.constant 0 : i32
      %scan3A_118 = arith.constant 16 : i32
      %scan3A_119 = arith.addi %scan3A_117, %scan3A_118 : i32
      %scan3A_120 = arith.constant 1 : i32
      %scan3A_121 = scf.for %scan3A_137 = %scan3A_117 to %scan3A_119 step %scan3A_120 iter_args(%scan3A_138 = %scan3A_116) -> (i32)  : i32 {
        %mul3A_139 = arith.constant 16 : i32
        %mul3A_140 = arith.muli %scan3A_137, %mul3A_139 : i32
        %get3A_141 = arith.index_cast %mul3A_140 : i32 to index
        %get3A_142 = tpu.vector_load %arg11[%get3A_141] {strides = array<i32>} : memref<256xf32, #tpu.memory_space<vmem>>, vector<16xf32>,
        %add3A_143 = arith.addf %get3A_142, %convert_element_type3A_110 : vector<16xf32>
        %div3A_144 = arith.divf %add3A_143, %max3A_112 : vector<16xf32>
        %convert_element_type3A_145 = arith.fptosi %div3A_144 : vector<16xf32> to vector<16xi32>
        %convert_element_type3A_146 = arith.sitofp %convert_element_type3A_145 : vector<16xi32> to vector<16xf32>
        %jit3A_147 = arith.constant 0.000000e+00 : f32
        %jit3A_148 = arith.constant 2.550000e+02 : f32
        %max3A_149 = vector.broadcast %jit3A_147 : f32 to vector<16xf32>
        %max3A_150 = arith.maximumf %max3A_149, %convert_element_type3A_146 : vector<16xf32>
        %min3A = vector.broadcast %jit3A_148 : f32 to vector<16xf32>
        %min3A_151 = arith.minimumf %min3A, %max3A_150 : vector<16xf32>
        %mul3A_152 = arith.constant 16 : i32
        %mul3A_153 = arith.muli %scan3A_137, %mul3A_152 : i32
        %add3A_154 = vector.broadcast %mul3A_153 : i32 to vector<16xi32>
        %add3A_155 = arith.addi %iota3A, %add3A_154 : vector<16xi32>
        %add3A_156 = arith.constant 1 : i32
        %add3A_157 = vector.broadcast %add3A_156 : i32 to vector<16xi32>
        %add3A_158 = arith.addi %add3A_155, %add3A_157 : vector<16xi32>
        %convert_element_type3A_159 = arith.sitofp %add3A_158 : vector<16xi32> to vector<16xf32>
        %select_n3A_160 = arith.select %le3A_114, %convert_element_type3A_159, %min3A_151 : vector<16xi1>, vector<16xf32>
        %add3A_161 = arith.constant 1 : i32
        %add3A_162 = vector.broadcast %add3A_161 : i32 to vector<16xi32>
        %add3A_163 = arith.addi %add3A_155, %add3A_162 : vector<16xi32>
        %lt3A_164 = arith.constant 255 : i32
        %lt3A_165 = vector.broadcast %lt3A_164 : i32 to vector<16xi32>
        %lt3A_166 = arith.cmpi slt, %add3A_155, %lt3A_165 : vector<16xi32>
        tpu.vector_store_idx %arg12[%broadcast_in_dim3A_115, %add3A_163], %select_n3A_160 masked %lt3A_166 : memref<24x256xf32, #tpu.memory_space<vmem>>[vector<16xi32>, vector<16xi32>], vector<16xf32>, vector<16xi1>
        %scan3A_167 = arith.constant 0 : i32
        scf.yield %scan3A_167 : i32
      }
      %scan3A_122 = arith.constant 16 : i32
      %get3A = arith.index_cast %add3A_25 : i32 to index
      %get3A_123 = arith.constant 0 : index
      %get3A_124 = tpu.vector_load %arg12[%get3A, %get3A_123] {strides = array<i32>} : memref<24x256xf32, #tpu.memory_space<vmem>>, vector<16xf32>,
      %eq3A = arith.constant 0 : i32
      %eq3A_125 = vector.broadcast %eq3A : i32 to vector<16xi32>
      %eq3A_126 = arith.cmpi eq, %iota3A, %eq3A_125 : vector<16xi32>
      %jit3A = arith.constant 0.000000e+00 : f32
      %broadcast_in_dim3A_127 = vector.broadcast %jit3A : f32 to vector<16xf32>
      %select_n3A = arith.select %eq3A_126, %broadcast_in_dim3A_127, %get3A_124 : vector<16xi1>, vector<16xf32>
      %swap3A = arith.index_cast %add3A_25 : i32 to index
      %swap3A_128 = arith.constant 0 : index
      %swap3A_129 = tpu.vector_load %arg12[%swap3A, %swap3A_128] {strides = array<i32>} : memref<24x256xf32, #tpu.memory_space<vmem>>, vector<16xf32>,
      tpu.vector_store %arg12[%swap3A, %swap3A_128], %select_n3A {strides = array<i32>} : memref<24x256xf32, #tpu.memory_space<vmem>>, vector<16xf32>,
      %scan3A_130 = arith.constant 0 : i32
      %scan3A_131 = arith.constant 0 : i32
      %scan3A_132 = arith.constant 16 : i32
      %scan3A_133 = arith.addi %scan3A_131, %scan3A_132 : i32
      %scan3A_134 = arith.constant 1 : i32
      %scan3A_135 = scf.for %scan3A_137 = %scan3A_131 to %scan3A_133 step %scan3A_134 iter_args(%scan3A_138 = %scan3A_130) -> (i32)  : i32 {
        %mul3A_139 = arith.constant 16 : i32
        %mul3A_140 = arith.muli %scan3A_137, %mul3A_139 : i32
        %get3A_141 = arith.index_cast %add3A_25 : i32 to index
        %get3A_142 = arith.index_cast %mul3A_140 : i32 to index
        %get3A_143 = tpu.vector_load %arg12[%get3A_141, %get3A_142] {strides = array<i32>} : memref<24x256xf32, #tpu.memory_space<vmem>>, vector<16xf32>,
        %slice3A = vector.extract_strided_slice %get3A_143 {offsets = [0], sizes = [1], strides = [1]} : vector<16xf32> to vector<1xf32>
        %squeeze3A = vector.extract %slice3A[0] : f32 from vector<1xf32>
        %broadcast_in_dim3A_144 = vector.broadcast %squeeze3A : f32 to vector<16xf32>
        %mul3A_145 = arith.constant 2 : i32
        %mul3A_146 = arith.muli %mul3A_145, %scan3A_137 : i32
        %add3A_147 = arith.constant 0 : i32
        %add3A_148 = arith.addi %mul3A_146, %add3A_147 : i32
        %swap3A_149 = arith.index_cast %add3A_148 : i32 to index
        %swap3A_150 = arith.constant 0 : index
        %swap3A_151 = tpu.vector_load %arg13[%swap3A_149, %swap3A_150] {strides = array<i32>} : memref<32x128xf32, #tpu.memory_space<vmem>>, vector<16xf32>,
        tpu.vector_store %arg13[%swap3A_149, %swap3A_150], %broadcast_in_dim3A_144 {strides = array<i32>} : memref<32x128xf32, #tpu.memory_space<vmem>>, vector<16xf32>,
        %slice3A_152 = vector.extract_strided_slice %get3A_143 {offsets = [1], sizes = [1], strides = [1]} : vector<16xf32> to vector<1xf32>
        %squeeze3A_153 = vector.extract %slice3A_152[0] : f32 from vector<1xf32>
        %broadcast_in_dim3A_154 = vector.broadcast %squeeze3A_153 : f32 to vector<16xf32>
        %mul3A_155 = arith.constant 2 : i32
        %mul3A_156 = arith.muli %mul3A_155, %scan3A_137 : i32
        %add3A_157 = arith.constant 0 : i32
        %add3A_158 = arith.addi %mul3A_156, %add3A_157 : i32
        %swap3A_159 = arith.index_cast %add3A_158 : i32 to index
        %swap3A_160 = arith.constant 16 : index
        %swap3A_161 = tpu.vector_load %arg13[%swap3A_159, %swap3A_160] {strides = array<i32>} : memref<32x128xf32, #tpu.memory_space<vmem>>, vector<16xf32>,
        tpu.vector_store %arg13[%swap3A_159, %swap3A_160], %broadcast_in_dim3A_154 {strides = array<i32>} : memref<32x128xf32, #tpu.memory_space<vmem>>, vector<16xf32>,
        %slice3A_162 = vector.extract_strided_slice %get3A_143 {offsets = [2], sizes = [1], strides = [1]} : vector<16xf32> to vector<1xf32>
        %squeeze3A_163 = vector.extract %slice3A_162[0] : f32 from vector<1xf32>
        %broadcast_in_dim3A_164 = vector.broadcast %squeeze3A_163 : f32 to vector<16xf32>
        %mul3A_165 = arith.constant 2 : i32
        %mul3A_166 = arith.muli %mul3A_165, %scan3A_137 : i32
        %add3A_167 = arith.constant 0 : i32
        %add3A_168 = arith.addi %mul3A_166, %add3A_167 : i32
        %swap3A_169 = arith.index_cast %add3A_168 : i32 to index
        %swap3A_170 = arith.constant 32 : index
        %swap3A_171 = tpu.vector_load %arg13[%swap3A_169, %swap3A_170] {strides = array<i32>} : memref<32x128xf32, #tpu.memory_space<vmem>>, vector<16xf32>,
        tpu.vector_store %arg13[%swap3A_169, %swap3A_170], %broadcast_in_dim3A_164 {strides = array<i32>} : memref<32x128xf32, #tpu.memory_space<vmem>>, vector<16xf32>,
        %slice3A_172 = vector.extract_strided_slice %get3A_143 {offsets = [3], sizes = [1], strides = [1]} : vector<16xf32> to vector<1xf32>
        %squeeze3A_173 = vector.extract %slice3A_172[0] : f32 from vector<1xf32>
        %broadcast_in_dim3A_174 = vector.broadcast %squeeze3A_173 : f32 to vector<16xf32>
        %mul3A_175 = arith.constant 2 : i32
        %mul3A_176 = arith.muli %mul3A_175, %scan3A_137 : i32
        %add3A_177 = arith.constant 0 : i32
        %add3A_178 = arith.addi %mul3A_176, %add3A_177 : i32
        %swap3A_179 = arith.index_cast %add3A_178 : i32 to index
        %swap3A_180 = arith.constant 48 : index
        %swap3A_181 = tpu.vector_load %arg13[%swap3A_179, %swap3A_180] {strides = array<i32>} : memref<32x128xf32, #tpu.memory_space<vmem>>, vector<16xf32>,
        tpu.vector_store %arg13[%swap3A_179, %swap3A_180], %broadcast_in_dim3A_174 {strides = array<i32>} : memref<32x128xf32, #tpu.memory_space<vmem>>, vector<16xf32>,
        %slice3A_182 = vector.extract_strided_slice %get3A_143 {offsets = [4], sizes = [1], strides = [1]} : vector<16xf32> to vector<1xf32>
        %squeeze3A_183 = vector.extract %slice3A_182[0] : f32 from vector<1xf32>
        %broadcast_in_dim3A_184 = vector.broadcast %squeeze3A_183 : f32 to vector<16xf32>
        %mul3A_185 = arith.constant 2 : i32
        %mul3A_186 = arith.muli %mul3A_185, %scan3A_137 : i32
        %add3A_187 = arith.constant 0 : i32
        %add3A_188 = arith.addi %mul3A_186, %add3A_187 : i32
        %swap3A_189 = arith.index_cast %add3A_188 : i32 to index
        %swap3A_190 = arith.constant 64 : index
        %swap3A_191 = tpu.vector_load %arg13[%swap3A_189, %swap3A_190] {strides = array<i32>} : memref<32x128xf32, #tpu.memory_space<vmem>>, vector<16xf32>,
        tpu.vector_store %arg13[%swap3A_189, %swap3A_190], %broadcast_in_dim3A_184 {strides = array<i32>} : memref<32x128xf32, #tpu.memory_space<vmem>>, vector<16xf32>,
        %slice3A_192 = vector.extract_strided_slice %get3A_143 {offsets = [5], sizes = [1], strides = [1]} : vector<16xf32> to vector<1xf32>
        %squeeze3A_193 = vector.extract %slice3A_192[0] : f32 from vector<1xf32>
        %broadcast_in_dim3A_194 = vector.broadcast %squeeze3A_193 : f32 to vector<16xf32>
        %mul3A_195 = arith.constant 2 : i32
        %mul3A_196 = arith.muli %mul3A_195, %scan3A_137 : i32
        %add3A_197 = arith.constant 0 : i32
        %add3A_198 = arith.addi %mul3A_196, %add3A_197 : i32
        %swap3A_199 = arith.index_cast %add3A_198 : i32 to index
        %swap3A_200 = arith.constant 80 : index
        %swap3A_201 = tpu.vector_load %arg13[%swap3A_199, %swap3A_200] {strides = array<i32>} : memref<32x128xf32, #tpu.memory_space<vmem>>, vector<16xf32>,
        tpu.vector_store %arg13[%swap3A_199, %swap3A_200], %broadcast_in_dim3A_194 {strides = array<i32>} : memref<32x128xf32, #tpu.memory_space<vmem>>, vector<16xf32>,
        %slice3A_202 = vector.extract_strided_slice %get3A_143 {offsets = [6], sizes = [1], strides = [1]} : vector<16xf32> to vector<1xf32>
        %squeeze3A_203 = vector.extract %slice3A_202[0] : f32 from vector<1xf32>
        %broadcast_in_dim3A_204 = vector.broadcast %squeeze3A_203 : f32 to vector<16xf32>
        %mul3A_205 = arith.constant 2 : i32
        %mul3A_206 = arith.muli %mul3A_205, %scan3A_137 : i32
        %add3A_207 = arith.constant 0 : i32
        %add3A_208 = arith.addi %mul3A_206, %add3A_207 : i32
        %swap3A_209 = arith.index_cast %add3A_208 : i32 to index
        %swap3A_210 = arith.constant 96 : index
        %swap3A_211 = tpu.vector_load %arg13[%swap3A_209, %swap3A_210] {strides = array<i32>} : memref<32x128xf32, #tpu.memory_space<vmem>>, vector<16xf32>,
        tpu.vector_store %arg13[%swap3A_209, %swap3A_210], %broadcast_in_dim3A_204 {strides = array<i32>} : memref<32x128xf32, #tpu.memory_space<vmem>>, vector<16xf32>,
        %slice3A_212 = vector.extract_strided_slice %get3A_143 {offsets = [7], sizes = [1], strides = [1]} : vector<16xf32> to vector<1xf32>
        %squeeze3A_213 = vector.extract %slice3A_212[0] : f32 from vector<1xf32>
        %broadcast_in_dim3A_214 = vector.broadcast %squeeze3A_213 : f32 to vector<16xf32>
        %mul3A_215 = arith.constant 2 : i32
        %mul3A_216 = arith.muli %mul3A_215, %scan3A_137 : i32
        %add3A_217 = arith.constant 0 : i32
        %add3A_218 = arith.addi %mul3A_216, %add3A_217 : i32
        %swap3A_219 = arith.index_cast %add3A_218 : i32 to index
        %swap3A_220 = arith.constant 112 : index
        %swap3A_221 = tpu.vector_load %arg13[%swap3A_219, %swap3A_220] {strides = array<i32>} : memref<32x128xf32, #tpu.memory_space<vmem>>, vector<16xf32>,
        tpu.vector_store %arg13[%swap3A_219, %swap3A_220], %broadcast_in_dim3A_214 {strides = array<i32>} : memref<32x128xf32, #tpu.memory_space<vmem>>, vector<16xf32>,
        %slice3A_222 = vector.extract_strided_slice %get3A_143 {offsets = [8], sizes = [1], strides = [1]} : vector<16xf32> to vector<1xf32>
        %squeeze3A_223 = vector.extract %slice3A_222[0] : f32 from vector<1xf32>
        %broadcast_in_dim3A_224 = vector.broadcast %squeeze3A_223 : f32 to vector<16xf32>
        %mul3A_225 = arith.constant 2 : i32
        %mul3A_226 = arith.muli %mul3A_225, %scan3A_137 : i32
        %add3A_227 = arith.constant 1 : i32
        %add3A_228 = arith.addi %mul3A_226, %add3A_227 : i32
        %swap3A_229 = arith.index_cast %add3A_228 : i32 to index
        %swap3A_230 = arith.constant 0 : index
        %swap3A_231 = tpu.vector_load %arg13[%swap3A_229, %swap3A_230] {strides = array<i32>} : memref<32x128xf32, #tpu.memory_space<vmem>>, vector<16xf32>,
        tpu.vector_store %arg13[%swap3A_229, %swap3A_230], %broadcast_in_dim3A_224 {strides = array<i32>} : memref<32x128xf32, #tpu.memory_space<vmem>>, vector<16xf32>,
        %slice3A_232 = vector.extract_strided_slice %get3A_143 {offsets = [9], sizes = [1], strides = [1]} : vector<16xf32> to vector<1xf32>
        %squeeze3A_233 = vector.extract %slice3A_232[0] : f32 from vector<1xf32>
        %broadcast_in_dim3A_234 = vector.broadcast %squeeze3A_233 : f32 to vector<16xf32>
        %mul3A_235 = arith.constant 2 : i32
        %mul3A_236 = arith.muli %mul3A_235, %scan3A_137 : i32
        %add3A_237 = arith.constant 1 : i32
        %add3A_238 = arith.addi %mul3A_236, %add3A_237 : i32
        %swap3A_239 = arith.index_cast %add3A_238 : i32 to index
        %swap3A_240 = arith.constant 16 : index
        %swap3A_241 = tpu.vector_load %arg13[%swap3A_239, %swap3A_240] {strides = array<i32>} : memref<32x128xf32, #tpu.memory_space<vmem>>, vector<16xf32>,
        tpu.vector_store %arg13[%swap3A_239, %swap3A_240], %broadcast_in_dim3A_234 {strides = array<i32>} : memref<32x128xf32, #tpu.memory_space<vmem>>, vector<16xf32>,
        %slice3A_242 = vector.extract_strided_slice %get3A_143 {offsets = [10], sizes = [1], strides = [1]} : vector<16xf32> to vector<1xf32>
        %squeeze3A_243 = vector.extract %slice3A_242[0] : f32 from vector<1xf32>
        %broadcast_in_dim3A_244 = vector.broadcast %squeeze3A_243 : f32 to vector<16xf32>
        %mul3A_245 = arith.constant 2 : i32
        %mul3A_246 = arith.muli %mul3A_245, %scan3A_137 : i32
        %add3A_247 = arith.constant 1 : i32
        %add3A_248 = arith.addi %mul3A_246, %add3A_247 : i32
        %swap3A_249 = arith.index_cast %add3A_248 : i32 to index
        %swap3A_250 = arith.constant 32 : index
        %swap3A_251 = tpu.vector_load %arg13[%swap3A_249, %swap3A_250] {strides = array<i32>} : memref<32x128xf32, #tpu.memory_space<vmem>>, vector<16xf32>,
        tpu.vector_store %arg13[%swap3A_249, %swap3A_250], %broadcast_in_dim3A_244 {strides = array<i32>} : memref<32x128xf32, #tpu.memory_space<vmem>>, vector<16xf32>,
        %slice3A_252 = vector.extract_strided_slice %get3A_143 {offsets = [11], sizes = [1], strides = [1]} : vector<16xf32> to vector<1xf32>
        %squeeze3A_253 = vector.extract %slice3A_252[0] : f32 from vector<1xf32>
        %broadcast_in_dim3A_254 = vector.broadcast %squeeze3A_253 : f32 to vector<16xf32>
        %mul3A_255 = arith.constant 2 : i32
        %mul3A_256 = arith.muli %mul3A_255, %scan3A_137 : i32
        %add3A_257 = arith.constant 1 : i32
        %add3A_258 = arith.addi %mul3A_256, %add3A_257 : i32
        %swap3A_259 = arith.index_cast %add3A_258 : i32 to index
        %swap3A_260 = arith.constant 48 : index
        %swap3A_261 = tpu.vector_load %arg13[%swap3A_259, %swap3A_260] {strides = array<i32>} : memref<32x128xf32, #tpu.memory_space<vmem>>, vector<16xf32>,
        tpu.vector_store %arg13[%swap3A_259, %swap3A_260], %broadcast_in_dim3A_254 {strides = array<i32>} : memref<32x128xf32, #tpu.memory_space<vmem>>, vector<16xf32>,
        %slice3A_262 = vector.extract_strided_slice %get3A_143 {offsets = [12], sizes = [1], strides = [1]} : vector<16xf32> to vector<1xf32>
        %squeeze3A_263 = vector.extract %slice3A_262[0] : f32 from vector<1xf32>
        %broadcast_in_dim3A_264 = vector.broadcast %squeeze3A_263 : f32 to vector<16xf32>
        %mul3A_265 = arith.constant 2 : i32
        %mul3A_266 = arith.muli %mul3A_265, %scan3A_137 : i32
        %add3A_267 = arith.constant 1 : i32
        %add3A_268 = arith.addi %mul3A_266, %add3A_267 : i32
        %swap3A_269 = arith.index_cast %add3A_268 : i32 to index
        %swap3A_270 = arith.constant 64 : index
        %swap3A_271 = tpu.vector_load %arg13[%swap3A_269, %swap3A_270] {strides = array<i32>} : memref<32x128xf32, #tpu.memory_space<vmem>>, vector<16xf32>,
        tpu.vector_store %arg13[%swap3A_269, %swap3A_270], %broadcast_in_dim3A_264 {strides = array<i32>} : memref<32x128xf32, #tpu.memory_space<vmem>>, vector<16xf32>,
        %slice3A_272 = vector.extract_strided_slice %get3A_143 {offsets = [13], sizes = [1], strides = [1]} : vector<16xf32> to vector<1xf32>
        %squeeze3A_273 = vector.extract %slice3A_272[0] : f32 from vector<1xf32>
        %broadcast_in_dim3A_274 = vector.broadcast %squeeze3A_273 : f32 to vector<16xf32>
        %mul3A_275 = arith.constant 2 : i32
        %mul3A_276 = arith.muli %mul3A_275, %scan3A_137 : i32
        %add3A_277 = arith.constant 1 : i32
        %add3A_278 = arith.addi %mul3A_276, %add3A_277 : i32
        %swap3A_279 = arith.index_cast %add3A_278 : i32 to index
        %swap3A_280 = arith.constant 80 : index
        %swap3A_281 = tpu.vector_load %arg13[%swap3A_279, %swap3A_280] {strides = array<i32>} : memref<32x128xf32, #tpu.memory_space<vmem>>, vector<16xf32>,
        tpu.vector_store %arg13[%swap3A_279, %swap3A_280], %broadcast_in_dim3A_274 {strides = array<i32>} : memref<32x128xf32, #tpu.memory_space<vmem>>, vector<16xf32>,
        %slice3A_282 = vector.extract_strided_slice %get3A_143 {offsets = [14], sizes = [1], strides = [1]} : vector<16xf32> to vector<1xf32>
        %squeeze3A_283 = vector.extract %slice3A_282[0] : f32 from vector<1xf32>
        %broadcast_in_dim3A_284 = vector.broadcast %squeeze3A_283 : f32 to vector<16xf32>
        %mul3A_285 = arith.constant 2 : i32
        %mul3A_286 = arith.muli %mul3A_285, %scan3A_137 : i32
        %add3A_287 = arith.constant 1 : i32
        %add3A_288 = arith.addi %mul3A_286, %add3A_287 : i32
        %swap3A_289 = arith.index_cast %add3A_288 : i32 to index
        %swap3A_290 = arith.constant 96 : index
        %swap3A_291 = tpu.vector_load %arg13[%swap3A_289, %swap3A_290] {strides = array<i32>} : memref<32x128xf32, #tpu.memory_space<vmem>>, vector<16xf32>,
        tpu.vector_store %arg13[%swap3A_289, %swap3A_290], %broadcast_in_dim3A_284 {strides = array<i32>} : memref<32x128xf32, #tpu.memory_space<vmem>>, vector<16xf32>,
        %slice3A_292 = vector.extract_strided_slice %get3A_143 {offsets = [15], sizes = [1], strides = [1]} : vector<16xf32> to vector<1xf32>
        %squeeze3A_293 = vector.extract %slice3A_292[0] : f32 from vector<1xf32>
        %broadcast_in_dim3A_294 = vector.broadcast %squeeze3A_293 : f32 to vector<16xf32>
        %mul3A_295 = arith.constant 2 : i32
        %mul3A_296 = arith.muli %mul3A_295, %scan3A_137 : i32
        %add3A_297 = arith.constant 1 : i32
        %add3A_298 = arith.addi %mul3A_296, %add3A_297 : i32
        %swap3A_299 = arith.index_cast %add3A_298 : i32 to index
        %swap3A_300 = arith.constant 112 : index
        %swap3A_301 = tpu.vector_load %arg13[%swap3A_299, %swap3A_300] {strides = array<i32>} : memref<32x128xf32, #tpu.memory_space<vmem>>, vector<16xf32>,
        tpu.vector_store %arg13[%swap3A_299, %swap3A_300], %broadcast_in_dim3A_294 {strides = array<i32>} : memref<32x128xf32, #tpu.memory_space<vmem>>, vector<16xf32>,
        %scan3A_302 = arith.constant 0 : i32
        scf.yield %scan3A_302 : i32
      }
      %scan3A_136 = arith.constant 16 : i32
      "tpu.region"() ({
        %run_scoped3A = tpu.sem_alloc : memref<!tpu.dma_semaphore, #tpu.memory_space<semaphore_mem>>
        %dma_start3A_137 = arith.constant 0 : i32
        %dma_start3A_138 = arith.constant 0 : i32
        %dma_start3A_139 = tpu.memref_slice %arg16[%add3A_25, %dma_start3A_137, %dma_start3A_138] : memref<24x32x128xf32, #tpu.memory_space<vmem_shared>> -> memref<1x32x128xf32, #tpu.memory_space<vmem_shared>>
        %dma_start3A_140 = tpu.memref_squeeze %dma_start3A_139 : memref<1x32x128xf32, #tpu.memory_space<vmem_shared>> -> memref<32x128xf32, #tpu.memory_space<vmem_shared>>
        %dma_start3A_141 = arith.constant 0 : i32
        %dma_start3A_142 = arith.constant 0 : i32
        %dma_start3A_143 = tpu.memref_slice %arg16[%add3A_25, %dma_start3A_141, %dma_start3A_142] : memref<24x32x128xf32, #tpu.memory_space<vmem_shared>> -> memref<1x32x128xf32, #tpu.memory_space<vmem_shared>>
        %dma_start3A_144 = tpu.memref_squeeze %dma_start3A_143 : memref<1x32x128xf32, #tpu.memory_space<vmem_shared>> -> memref<32x128xf32, #tpu.memory_space<vmem_shared>>
        tpu.enqueue_dma source(%arg13 : memref<32x128xf32, #tpu.memory_space<vmem>>) target(%dma_start3A_144 : memref<32x128xf32, #tpu.memory_space<vmem_shared>>) target_semaphore(%run_scoped3A : memref<!tpu.dma_semaphore, #tpu.memory_space<semaphore_mem>>)
        %dma_wait3A_145 = arith.constant 0 : i32
        %dma_wait3A_146 = arith.constant 0 : i32
        %dma_wait3A_147 = tpu.memref_slice %arg16[%add3A_25, %dma_wait3A_145, %dma_wait3A_146] : memref<24x32x128xf32, #tpu.memory_space<vmem_shared>> -> memref<1x32x128xf32, #tpu.memory_space<vmem_shared>>
        %dma_wait3A_148 = tpu.memref_squeeze %dma_wait3A_147 : memref<1x32x128xf32, #tpu.memory_space<vmem_shared>> -> memref<32x128xf32, #tpu.memory_space<vmem_shared>>
        %dma_wait3A_149 = arith.constant 0 : i32
        %dma_wait3A_150 = arith.constant 0 : i32
        %dma_wait3A_151 = tpu.memref_slice %arg16[%add3A_25, %dma_wait3A_149, %dma_wait3A_150] : memref<24x32x128xf32, #tpu.memory_space<vmem_shared>> -> memref<1x32x128xf32, #tpu.memory_space<vmem_shared>>
        %dma_wait3A_152 = tpu.memref_squeeze %dma_wait3A_151 : memref<1x32x128xf32, #tpu.memory_space<vmem_shared>> -> memref<32x128xf32, #tpu.memory_space<vmem_shared>>
        tpu.wait_dma2 semaphore(%run_scoped3A : memref<!tpu.dma_semaphore, #tpu.memory_space<semaphore_mem>>) src(%arg13 : memref<32x128xf32, #tpu.memory_space<vmem>>) dst(%dma_wait3A_152 : memref<32x128xf32, #tpu.memory_space<vmem_shared>>)
        tpu.yield
      }) : () -> ()
    } else {
    }
    %barrier3A_31 = arith.constant 0 : index
    tpu.barrier barrier_id(%barrier3A_31)
    %mul3A_32 = arith.constant 24 : i32
    %mul3A_33 = arith.muli %arg0, %mul3A_32 : i32
    %add3A_34 = arith.constant 0 : i32
    %add3A_35 = arith.addi %mul3A_33, %add3A_34 : i32
    %mul3A_36 = arith.constant 32 : i32
    %mul3A_37 = arith.muli %arg1, %mul3A_36 : i32
    %dma_start3A_38 = arith.constant 0 : i32
    %dma_start3A_39 = tpu.memref_slice %arg2[%add3A_35, %mul3A_37, %dma_start3A_38] : memref<48x512x512xi32, #tpu.memory_space<hbm>> -> memref<1x32x512xi32, #tpu.memory_space<hbm>>
    %dma_start3A_40 = tpu.memref_squeeze %dma_start3A_39 : memref<1x32x512xi32, #tpu.memory_space<hbm>> -> memref<32x512xi32, #tpu.memory_space<hbm>>
    %dma_start3A_41 = arith.constant 0 : i32
    %dma_start3A_42 = tpu.memref_slice %arg2[%add3A_35, %mul3A_37, %dma_start3A_41] : memref<48x512x512xi32, #tpu.memory_space<hbm>> -> memref<1x32x512xi32, #tpu.memory_space<hbm>>
    %dma_start3A_43 = tpu.memref_squeeze %dma_start3A_42 : memref<1x32x512xi32, #tpu.memory_space<hbm>> -> memref<32x512xi32, #tpu.memory_space<hbm>>
    tpu.enqueue_dma source(%dma_start3A_43 : memref<32x512xi32, #tpu.memory_space<hbm>>) target(%arg4 : memref<32x512xi32, #tpu.memory_space<vmem>>) target_semaphore(%arg17 : memref<!tpu.dma_semaphore, #tpu.memory_space<semaphore_mem>>)
    %dma_start3A_44 = arith.constant 0 : i32
    %dma_start3A_45 = arith.constant 0 : i32
    %dma_start3A_46 = arith.constant 0 : i32
    %dma_start3A_47 = tpu.memref_slice %arg16[%dma_start3A_44, %dma_start3A_45, %dma_start3A_46] : memref<24x32x128xf32, #tpu.memory_space<vmem_shared>> -> memref<1x32x128xf32, #tpu.memory_space<vmem_shared>>
    %dma_start3A_48 = tpu.memref_squeeze %dma_start3A_47 : memref<1x32x128xf32, #tpu.memory_space<vmem_shared>> -> memref<32x128xf32, #tpu.memory_space<vmem_shared>>
    %dma_start3A_49 = arith.constant 0 : i32
    %dma_start3A_50 = arith.constant 0 : i32
    %dma_start3A_51 = tpu.memref_slice %arg16[%dma_start3A_44, %dma_start3A_49, %dma_start3A_50] : memref<24x32x128xf32, #tpu.memory_space<vmem_shared>> -> memref<1x32x128xf32, #tpu.memory_space<vmem_shared>>
    %dma_start3A_52 = tpu.memref_squeeze %dma_start3A_51 : memref<1x32x128xf32, #tpu.memory_space<vmem_shared>> -> memref<32x128xf32, #tpu.memory_space<vmem_shared>>
    tpu.enqueue_dma source(%dma_start3A_52 : memref<32x128xf32, #tpu.memory_space<vmem_shared>>) target(%arg13 : memref<32x128xf32, #tpu.memory_space<vmem>>) target_semaphore(%arg21 : memref<!tpu.dma_semaphore, #tpu.memory_space<semaphore_mem>>)
    %scan3A_53 = arith.constant 0 : i32
    %scan3A_54 = arith.constant 0 : i32
    %scan3A_55 = arith.constant 12 : i32
    %scan3A_56 = arith.addi %scan3A_54, %scan3A_55 : i32
    %scan3A_57 = arith.constant 1 : i32
    %scan3A_58 = scf.for %scan3A_83 = %scan3A_54 to %scan3A_56 step %scan3A_57 iter_args(%scan3A_84 = %scan3A_53) -> (i32)  : i32 {
      %mul3A_85 = arith.constant 2 : i32
      %mul3A_86 = arith.muli %mul3A_85, %scan3A_83 : i32
      %mul3A_87 = arith.constant 2 : i32
      %mul3A_88 = arith.muli %mul3A_87, %scan3A_83 : i32
      %add3A_89 = arith.constant 1 : i32
      %add3A_90 = arith.addi %mul3A_88, %add3A_89 : i32
      %mul3A_91 = arith.constant 24 : i32
      %mul3A_92 = arith.muli %arg0, %mul3A_91 : i32
      %add3A_93 = arith.addi %mul3A_92, %add3A_90 : i32
      %mul3A_94 = arith.constant 32 : i32
      %mul3A_95 = arith.muli %arg1, %mul3A_94 : i32
      %dma_start3A_96 = arith.constant 0 : i32
      %dma_start3A_97 = tpu.memref_slice %arg2[%add3A_93, %mul3A_95, %dma_start3A_96] : memref<48x512x512xi32, #tpu.memory_space<hbm>> -> memref<1x32x512xi32, #tpu.memory_space<hbm>>
      %dma_start3A_98 = tpu.memref_squeeze %dma_start3A_97 : memref<1x32x512xi32, #tpu.memory_space<hbm>> -> memref<32x512xi32, #tpu.memory_space<hbm>>
      %dma_start3A_99 = arith.constant 0 : i32
      %dma_start3A_100 = tpu.memref_slice %arg2[%add3A_93, %mul3A_95, %dma_start3A_99] : memref<48x512x512xi32, #tpu.memory_space<hbm>> -> memref<1x32x512xi32, #tpu.memory_space<hbm>>
      %dma_start3A_101 = tpu.memref_squeeze %dma_start3A_100 : memref<1x32x512xi32, #tpu.memory_space<hbm>> -> memref<32x512xi32, #tpu.memory_space<hbm>>
      tpu.enqueue_dma source(%dma_start3A_101 : memref<32x512xi32, #tpu.memory_space<hbm>>) target(%arg5 : memref<32x512xi32, #tpu.memory_space<vmem>>) target_semaphore(%arg18 : memref<!tpu.dma_semaphore, #tpu.memory_space<semaphore_mem>>)
      %dma_start3A_102 = arith.constant 0 : i32
      %dma_start3A_103 = arith.constant 0 : i32
      %dma_start3A_104 = tpu.memref_slice %arg16[%add3A_90, %dma_start3A_102, %dma_start3A_103] : memref<24x32x128xf32, #tpu.memory_space<vmem_shared>> -> memref<1x32x128xf32, #tpu.memory_space<vmem_shared>>
      %dma_start3A_105 = tpu.memref_squeeze %dma_start3A_104 : memref<1x32x128xf32, #tpu.memory_space<vmem_shared>> -> memref<32x128xf32, #tpu.memory_space<vmem_shared>>
      %dma_start3A_106 = arith.constant 0 : i32
      %dma_start3A_107 = arith.constant 0 : i32
      %dma_start3A_108 = tpu.memref_slice %arg16[%add3A_90, %dma_start3A_106, %dma_start3A_107] : memref<24x32x128xf32, #tpu.memory_space<vmem_shared>> -> memref<1x32x128xf32, #tpu.memory_space<vmem_shared>>
      %dma_start3A_109 = tpu.memref_squeeze %dma_start3A_108 : memref<1x32x128xf32, #tpu.memory_space<vmem_shared>> -> memref<32x128xf32, #tpu.memory_space<vmem_shared>>
      tpu.enqueue_dma source(%dma_start3A_109 : memref<32x128xf32, #tpu.memory_space<vmem_shared>>) target(%arg14 : memref<32x128xf32, #tpu.memory_space<vmem>>) target_semaphore(%arg22 : memref<!tpu.dma_semaphore, #tpu.memory_space<semaphore_mem>>)
      %mul3A_110 = arith.constant 24 : i32
      %mul3A_111 = arith.muli %arg0, %mul3A_110 : i32
      %add3A_112 = arith.addi %mul3A_111, %mul3A_86 : i32
      %mul3A_113 = arith.constant 32 : i32
      %mul3A_114 = arith.muli %arg1, %mul3A_113 : i32
      %dma_wait3A_115 = arith.constant 0 : i32
      %dma_wait3A_116 = tpu.memref_slice %arg2[%add3A_112, %mul3A_114, %dma_wait3A_115] : memref<48x512x512xi32, #tpu.memory_space<hbm>> -> memref<1x32x512xi32, #tpu.memory_space<hbm>>
      %dma_wait3A_117 = tpu.memref_squeeze %dma_wait3A_116 : memref<1x32x512xi32, #tpu.memory_space<hbm>> -> memref<32x512xi32, #tpu.memory_space<hbm>>
      %dma_wait3A_118 = arith.constant 0 : i32
      %dma_wait3A_119 = tpu.memref_slice %arg2[%add3A_112, %mul3A_114, %dma_wait3A_118] : memref<48x512x512xi32, #tpu.memory_space<hbm>> -> memref<1x32x512xi32, #tpu.memory_space<hbm>>
      %dma_wait3A_120 = tpu.memref_squeeze %dma_wait3A_119 : memref<1x32x512xi32, #tpu.memory_space<hbm>> -> memref<32x512xi32, #tpu.memory_space<hbm>>
      tpu.wait_dma2 semaphore(%arg17 : memref<!tpu.dma_semaphore, #tpu.memory_space<semaphore_mem>>) src(%dma_wait3A_120 : memref<32x512xi32, #tpu.memory_space<hbm>>) dst(%arg4 : memref<32x512xi32, #tpu.memory_space<vmem>>)
      %dma_wait3A_121 = arith.constant 0 : i32
      %dma_wait3A_122 = arith.constant 0 : i32
      %dma_wait3A_123 = tpu.memref_slice %arg16[%mul3A_86, %dma_wait3A_121, %dma_wait3A_122] : memref<24x32x128xf32, #tpu.memory_space<vmem_shared>> -> memref<1x32x128xf32, #tpu.memory_space<vmem_shared>>
      %dma_wait3A_124 = tpu.memref_squeeze %dma_wait3A_123 : memref<1x32x128xf32, #tpu.memory_space<vmem_shared>> -> memref<32x128xf32, #tpu.memory_space<vmem_shared>>
      %dma_wait3A_125 = arith.constant 0 : i32
      %dma_wait3A_126 = arith.constant 0 : i32
      %dma_wait3A_127 = tpu.memref_slice %arg16[%mul3A_86, %dma_wait3A_125, %dma_wait3A_126] : memref<24x32x128xf32, #tpu.memory_space<vmem_shared>> -> memref<1x32x128xf32, #tpu.memory_space<vmem_shared>>
      %dma_wait3A_128 = tpu.memref_squeeze %dma_wait3A_127 : memref<1x32x128xf32, #tpu.memory_space<vmem_shared>> -> memref<32x128xf32, #tpu.memory_space<vmem_shared>>
      tpu.wait_dma2 semaphore(%arg21 : memref<!tpu.dma_semaphore, #tpu.memory_space<semaphore_mem>>) src(%dma_wait3A_128 : memref<32x128xf32, #tpu.memory_space<vmem_shared>>) dst(%arg13 : memref<32x128xf32, #tpu.memory_space<vmem>>)
      %gt3A = arith.constant 0 : i32
      %gt3A_129 = arith.cmpi sgt, %scan3A_83, %gt3A : i32
      %convert_element_type3A_130 = arith.extui %gt3A_129 : i1 to i32
      %cond3A_131 = arith.constant 0 : i32
      %cond3A_132 = arith.cmpi ne, %convert_element_type3A_130, %cond3A_131 : i32
      scf.if %cond3A_132 {
        %sub3A = arith.constant 2 : i32
        %sub3A_193 = arith.subi %mul3A_86, %sub3A : i32
        %mul3A_194 = arith.constant 24 : i32
        %mul3A_195 = arith.muli %arg0, %mul3A_194 : i32
        %add3A_196 = arith.addi %mul3A_195, %sub3A_193 : i32
        %mul3A_197 = arith.constant 32 : i32
        %mul3A_198 = arith.muli %arg1, %mul3A_197 : i32
        %dma_wait3A_199 = arith.constant 0 : i32
        %dma_wait3A_200 = tpu.memref_slice %arg3[%add3A_196, %mul3A_198, %dma_wait3A_199] : memref<48x512x512xf32, #tpu.memory_space<hbm>> -> memref<1x32x512xf32, #tpu.memory_space<hbm>>
        %dma_wait3A_201 = tpu.memref_squeeze %dma_wait3A_200 : memref<1x32x512xf32, #tpu.memory_space<hbm>> -> memref<32x512xf32, #tpu.memory_space<hbm>>
        %dma_wait3A_202 = arith.constant 0 : i32
        %dma_wait3A_203 = tpu.memref_slice %arg3[%add3A_196, %mul3A_198, %dma_wait3A_202] : memref<48x512x512xf32, #tpu.memory_space<hbm>> -> memref<1x32x512xf32, #tpu.memory_space<hbm>>
        %dma_wait3A_204 = tpu.memref_squeeze %dma_wait3A_203 : memref<1x32x512xf32, #tpu.memory_space<hbm>> -> memref<32x512xf32, #tpu.memory_space<hbm>>
        tpu.wait_dma2 semaphore(%arg19 : memref<!tpu.dma_semaphore, #tpu.memory_space<semaphore_mem>>) src(%arg6 : memref<32x512xf32, #tpu.memory_space<vmem>>) dst(%dma_wait3A_204 : memref<32x512xf32, #tpu.memory_space<hbm>>)
      } else {
      }
      %parallel_loop3A_133 = arith.constant 0 : i32
      %parallel_loop3A_134 = arith.constant 1024 : i32
      %parallel_loop3A_135 = arith.constant 1 : i32
      scf.for %parallel_loop3A_193 = %parallel_loop3A_133 to %parallel_loop3A_134 step %parallel_loop3A_135  : i32 {
        %parallel_loop3A_194 = arith.constant 5 : i32
        %parallel_loop3A_195 = arith.shrsi %parallel_loop3A_193, %parallel_loop3A_194 : i32
        %parallel_loop3A_196 = arith.constant 31 : i32
        %parallel_loop3A_197 = arith.andi %parallel_loop3A_193, %parallel_loop3A_196 : i32
        %parallel_loop3A_198 = arith.constant 16 : i32
        %parallel_loop3A_199 = arith.muli %parallel_loop3A_197, %parallel_loop3A_198 : i32
        %parallel_loop3A_200 = arith.index_cast %parallel_loop3A_195 : i32 to index
        %parallel_loop3A_201 = arith.index_cast %parallel_loop3A_199 : i32 to index
        %parallel_loop3A_202 = tpu.vector_load %arg4[%parallel_loop3A_200, %parallel_loop3A_201] {strides = array<i32>} : memref<32x512xi32, #tpu.memory_space<vmem>>, vector<16xi32>,
        %parallel_loop3A_203 = arith.constant 4 : i32
        %parallel_loop3A_204 = vector.broadcast %parallel_loop3A_203 : i32 to vector<16xi32>
        %parallel_loop3A_205 = arith.shli %parallel_loop3A_202, %parallel_loop3A_204 : vector<16xi32>
        %parallel_loop3A_206 = arith.addi %parallel_loop3A_205, %iota3A : vector<16xi32>
        %parallel_loop3A_207 = arith.constant 7 : i32
        %parallel_loop3A_208 = vector.broadcast %parallel_loop3A_207 : i32 to vector<16xi32>
        %parallel_loop3A_209 = arith.shrsi %parallel_loop3A_206, %parallel_loop3A_208 : vector<16xi32>
        %parallel_loop3A_210 = arith.constant 127 : i32
        %parallel_loop3A_211 = vector.broadcast %parallel_loop3A_210 : i32 to vector<16xi32>
        %parallel_loop3A_212 = arith.andi %parallel_loop3A_206, %parallel_loop3A_211 : vector<16xi32>
        %parallel_loop3A_213 = tpu.vector_load_idx %arg13[%parallel_loop3A_209, %parallel_loop3A_212] : memref<32x128xf32, #tpu.memory_space<vmem>>[vector<16xi32>, vector<16xi32>], vector<16xf32>,
        %parallel_loop3A_214 = arith.index_cast %parallel_loop3A_195 : i32 to index
        %parallel_loop3A_215 = arith.index_cast %parallel_loop3A_199 : i32 to index
        %parallel_loop3A_216 = tpu.vector_load %arg6[%parallel_loop3A_214, %parallel_loop3A_215] {strides = array<i32>} : memref<32x512xf32, #tpu.memory_space<vmem>>, vector<16xf32>,
        tpu.vector_store %arg6[%parallel_loop3A_214, %parallel_loop3A_215], %parallel_loop3A_213 {strides = array<i32>} : memref<32x512xf32, #tpu.memory_space<vmem>>, vector<16xf32>,
      } {sc.loop_unroll_factor = 16 : i64, sc.parallel_access}
      %mul3A_136 = arith.constant 24 : i32
      %mul3A_137 = arith.muli %arg0, %mul3A_136 : i32
      %add3A_138 = arith.addi %mul3A_137, %mul3A_86 : i32
      %mul3A_139 = arith.constant 32 : i32
      %mul3A_140 = arith.muli %arg1, %mul3A_139 : i32
      %dma_start3A_141 = arith.constant 0 : i32
      %dma_start3A_142 = tpu.memref_slice %arg3[%add3A_138, %mul3A_140, %dma_start3A_141] : memref<48x512x512xf32, #tpu.memory_space<hbm>> -> memref<1x32x512xf32, #tpu.memory_space<hbm>>
      %dma_start3A_143 = tpu.memref_squeeze %dma_start3A_142 : memref<1x32x512xf32, #tpu.memory_space<hbm>> -> memref<32x512xf32, #tpu.memory_space<hbm>>
      %dma_start3A_144 = arith.constant 0 : i32
      %dma_start3A_145 = tpu.memref_slice %arg3[%add3A_138, %mul3A_140, %dma_start3A_144] : memref<48x512x512xf32, #tpu.memory_space<hbm>> -> memref<1x32x512xf32, #tpu.memory_space<hbm>>
      %dma_start3A_146 = tpu.memref_squeeze %dma_start3A_145 : memref<1x32x512xf32, #tpu.memory_space<hbm>> -> memref<32x512xf32, #tpu.memory_space<hbm>>
      tpu.enqueue_dma source(%arg6 : memref<32x512xf32, #tpu.memory_space<vmem>>) target(%dma_start3A_146 : memref<32x512xf32, #tpu.memory_space<hbm>>) target_semaphore(%arg19 : memref<!tpu.dma_semaphore, #tpu.memory_space<semaphore_mem>>)
      %add3A_147 = arith.constant 2 : i32
      %add3A_148 = arith.addi %mul3A_86, %add3A_147 : i32
      %lt3A_149 = arith.constant 24 : i32
      %lt3A_150 = arith.cmpi slt, %add3A_148, %lt3A_149 : i32
      %convert_element_type3A_151 = arith.extui %lt3A_150 : i1 to i32
      %cond3A_152 = arith.constant 0 : i32
      %cond3A_153 = arith.cmpi ne, %convert_element_type3A_151, %cond3A_152 : i32
      scf.if %cond3A_153 {
        %add3A_193 = arith.constant 2 : i32
        %add3A_194 = arith.addi %mul3A_86, %add3A_193 : i32
        %mul3A_195 = arith.constant 24 : i32
        %mul3A_196 = arith.muli %arg0, %mul3A_195 : i32
        %add3A_197 = arith.addi %mul3A_196, %add3A_194 : i32
        %mul3A_198 = arith.constant 32 : i32
        %mul3A_199 = arith.muli %arg1, %mul3A_198 : i32
        %dma_start3A_200 = arith.constant 0 : i32
        %dma_start3A_201 = tpu.memref_slice %arg2[%add3A_197, %mul3A_199, %dma_start3A_200] : memref<48x512x512xi32, #tpu.memory_space<hbm>> -> memref<1x32x512xi32, #tpu.memory_space<hbm>>
        %dma_start3A_202 = tpu.memref_squeeze %dma_start3A_201 : memref<1x32x512xi32, #tpu.memory_space<hbm>> -> memref<32x512xi32, #tpu.memory_space<hbm>>
        %dma_start3A_203 = arith.constant 0 : i32
        %dma_start3A_204 = tpu.memref_slice %arg2[%add3A_197, %mul3A_199, %dma_start3A_203] : memref<48x512x512xi32, #tpu.memory_space<hbm>> -> memref<1x32x512xi32, #tpu.memory_space<hbm>>
        %dma_start3A_205 = tpu.memref_squeeze %dma_start3A_204 : memref<1x32x512xi32, #tpu.memory_space<hbm>> -> memref<32x512xi32, #tpu.memory_space<hbm>>
        tpu.enqueue_dma source(%dma_start3A_205 : memref<32x512xi32, #tpu.memory_space<hbm>>) target(%arg4 : memref<32x512xi32, #tpu.memory_space<vmem>>) target_semaphore(%arg17 : memref<!tpu.dma_semaphore, #tpu.memory_space<semaphore_mem>>)
        %add3A_206 = arith.constant 2 : i32
        %add3A_207 = arith.addi %mul3A_86, %add3A_206 : i32
        %dma_start3A_208 = arith.constant 0 : i32
        %dma_start3A_209 = arith.constant 0 : i32
        %dma_start3A_210 = tpu.memref_slice %arg16[%add3A_207, %dma_start3A_208, %dma_start3A_209] : memref<24x32x128xf32, #tpu.memory_space<vmem_shared>> -> memref<1x32x128xf32, #tpu.memory_space<vmem_shared>>
        %dma_start3A_211 = tpu.memref_squeeze %dma_start3A_210 : memref<1x32x128xf32, #tpu.memory_space<vmem_shared>> -> memref<32x128xf32, #tpu.memory_space<vmem_shared>>
        %dma_start3A_212 = arith.constant 0 : i32
        %dma_start3A_213 = arith.constant 0 : i32
        %dma_start3A_214 = tpu.memref_slice %arg16[%add3A_207, %dma_start3A_212, %dma_start3A_213] : memref<24x32x128xf32, #tpu.memory_space<vmem_shared>> -> memref<1x32x128xf32, #tpu.memory_space<vmem_shared>>
        %dma_start3A_215 = tpu.memref_squeeze %dma_start3A_214 : memref<1x32x128xf32, #tpu.memory_space<vmem_shared>> -> memref<32x128xf32, #tpu.memory_space<vmem_shared>>
        tpu.enqueue_dma source(%dma_start3A_215 : memref<32x128xf32, #tpu.memory_space<vmem_shared>>) target(%arg13 : memref<32x128xf32, #tpu.memory_space<vmem>>) target_semaphore(%arg21 : memref<!tpu.dma_semaphore, #tpu.memory_space<semaphore_mem>>)
      } else {
      }
      %mul3A_154 = arith.constant 24 : i32
      %mul3A_155 = arith.muli %arg0, %mul3A_154 : i32
      %add3A_156 = arith.addi %mul3A_155, %add3A_90 : i32
      %mul3A_157 = arith.constant 32 : i32
      %mul3A_158 = arith.muli %arg1, %mul3A_157 : i32
      %dma_wait3A_159 = arith.constant 0 : i32
      %dma_wait3A_160 = tpu.memref_slice %arg2[%add3A_156, %mul3A_158, %dma_wait3A_159] : memref<48x512x512xi32, #tpu.memory_space<hbm>> -> memref<1x32x512xi32, #tpu.memory_space<hbm>>
      %dma_wait3A_161 = tpu.memref_squeeze %dma_wait3A_160 : memref<1x32x512xi32, #tpu.memory_space<hbm>> -> memref<32x512xi32, #tpu.memory_space<hbm>>
      %dma_wait3A_162 = arith.constant 0 : i32
      %dma_wait3A_163 = tpu.memref_slice %arg2[%add3A_156, %mul3A_158, %dma_wait3A_162] : memref<48x512x512xi32, #tpu.memory_space<hbm>> -> memref<1x32x512xi32, #tpu.memory_space<hbm>>
      %dma_wait3A_164 = tpu.memref_squeeze %dma_wait3A_163 : memref<1x32x512xi32, #tpu.memory_space<hbm>> -> memref<32x512xi32, #tpu.memory_space<hbm>>
      tpu.wait_dma2 semaphore(%arg18 : memref<!tpu.dma_semaphore, #tpu.memory_space<semaphore_mem>>) src(%dma_wait3A_164 : memref<32x512xi32, #tpu.memory_space<hbm>>) dst(%arg5 : memref<32x512xi32, #tpu.memory_space<vmem>>)
      %dma_wait3A_165 = arith.constant 0 : i32
      %dma_wait3A_166 = arith.constant 0 : i32
      %dma_wait3A_167 = tpu.memref_slice %arg16[%add3A_90, %dma_wait3A_165, %dma_wait3A_166] : memref<24x32x128xf32, #tpu.memory_space<vmem_shared>> -> memref<1x32x128xf32, #tpu.memory_space<vmem_shared>>
      %dma_wait3A_168 = tpu.memref_squeeze %dma_wait3A_167 : memref<1x32x128xf32, #tpu.memory_space<vmem_shared>> -> memref<32x128xf32, #tpu.memory_space<vmem_shared>>
      %dma_wait3A_169 = arith.constant 0 : i32
      %dma_wait3A_170 = arith.constant 0 : i32
      %dma_wait3A_171 = tpu.memref_slice %arg16[%add3A_90, %dma_wait3A_169, %dma_wait3A_170] : memref<24x32x128xf32, #tpu.memory_space<vmem_shared>> -> memref<1x32x128xf32, #tpu.memory_space<vmem_shared>>
      %dma_wait3A_172 = tpu.memref_squeeze %dma_wait3A_171 : memref<1x32x128xf32, #tpu.memory_space<vmem_shared>> -> memref<32x128xf32, #tpu.memory_space<vmem_shared>>
      tpu.wait_dma2 semaphore(%arg22 : memref<!tpu.dma_semaphore, #tpu.memory_space<semaphore_mem>>) src(%dma_wait3A_172 : memref<32x128xf32, #tpu.memory_space<vmem_shared>>) dst(%arg14 : memref<32x128xf32, #tpu.memory_space<vmem>>)
      %gt3A_173 = arith.constant 0 : i32
      %gt3A_174 = arith.cmpi sgt, %scan3A_83, %gt3A_173 : i32
      %convert_element_type3A_175 = arith.extui %gt3A_174 : i1 to i32
      %cond3A_176 = arith.constant 0 : i32
      %cond3A_177 = arith.cmpi ne, %convert_element_type3A_175, %cond3A_176 : i32
      scf.if %cond3A_177 {
        %sub3A = arith.constant 2 : i32
        %sub3A_193 = arith.subi %add3A_90, %sub3A : i32
        %mul3A_194 = arith.constant 24 : i32
        %mul3A_195 = arith.muli %arg0, %mul3A_194 : i32
        %add3A_196 = arith.addi %mul3A_195, %sub3A_193 : i32
        %mul3A_197 = arith.constant 32 : i32
        %mul3A_198 = arith.muli %arg1, %mul3A_197 : i32
        %dma_wait3A_199 = arith.constant 0 : i32
        %dma_wait3A_200 = tpu.memref_slice %arg3[%add3A_196, %mul3A_198, %dma_wait3A_199] : memref<48x512x512xf32, #tpu.memory_space<hbm>> -> memref<1x32x512xf32, #tpu.memory_space<hbm>>
        %dma_wait3A_201 = tpu.memref_squeeze %dma_wait3A_200 : memref<1x32x512xf32, #tpu.memory_space<hbm>> -> memref<32x512xf32, #tpu.memory_space<hbm>>
        %dma_wait3A_202 = arith.constant 0 : i32
        %dma_wait3A_203 = tpu.memref_slice %arg3[%add3A_196, %mul3A_198, %dma_wait3A_202] : memref<48x512x512xf32, #tpu.memory_space<hbm>> -> memref<1x32x512xf32, #tpu.memory_space<hbm>>
        %dma_wait3A_204 = tpu.memref_squeeze %dma_wait3A_203 : memref<1x32x512xf32, #tpu.memory_space<hbm>> -> memref<32x512xf32, #tpu.memory_space<hbm>>
        tpu.wait_dma2 semaphore(%arg20 : memref<!tpu.dma_semaphore, #tpu.memory_space<semaphore_mem>>) src(%arg7 : memref<32x512xf32, #tpu.memory_space<vmem>>) dst(%dma_wait3A_204 : memref<32x512xf32, #tpu.memory_space<hbm>>)
      } else {
      }
      %parallel_loop3A_178 = arith.constant 0 : i32
      %parallel_loop3A_179 = arith.constant 1024 : i32
      %parallel_loop3A_180 = arith.constant 1 : i32
      scf.for %parallel_loop3A_193 = %parallel_loop3A_178 to %parallel_loop3A_179 step %parallel_loop3A_180  : i32 {
        %parallel_loop3A_194 = arith.constant 5 : i32
        %parallel_loop3A_195 = arith.shrsi %parallel_loop3A_193, %parallel_loop3A_194 : i32
        %parallel_loop3A_196 = arith.constant 31 : i32
        %parallel_loop3A_197 = arith.andi %parallel_loop3A_193, %parallel_loop3A_196 : i32
        %parallel_loop3A_198 = arith.constant 16 : i32
        %parallel_loop3A_199 = arith.muli %parallel_loop3A_197, %parallel_loop3A_198 : i32
        %parallel_loop3A_200 = arith.index_cast %parallel_loop3A_195 : i32 to index
        %parallel_loop3A_201 = arith.index_cast %parallel_loop3A_199 : i32 to index
        %parallel_loop3A_202 = tpu.vector_load %arg5[%parallel_loop3A_200, %parallel_loop3A_201] {strides = array<i32>} : memref<32x512xi32, #tpu.memory_space<vmem>>, vector<16xi32>,
        %parallel_loop3A_203 = arith.constant 4 : i32
        %parallel_loop3A_204 = vector.broadcast %parallel_loop3A_203 : i32 to vector<16xi32>
        %parallel_loop3A_205 = arith.shli %parallel_loop3A_202, %parallel_loop3A_204 : vector<16xi32>
        %parallel_loop3A_206 = arith.addi %parallel_loop3A_205, %iota3A : vector<16xi32>
        %parallel_loop3A_207 = arith.constant 7 : i32
        %parallel_loop3A_208 = vector.broadcast %parallel_loop3A_207 : i32 to vector<16xi32>
        %parallel_loop3A_209 = arith.shrsi %parallel_loop3A_206, %parallel_loop3A_208 : vector<16xi32>
        %parallel_loop3A_210 = arith.constant 127 : i32
        %parallel_loop3A_211 = vector.broadcast %parallel_loop3A_210 : i32 to vector<16xi32>
        %parallel_loop3A_212 = arith.andi %parallel_loop3A_206, %parallel_loop3A_211 : vector<16xi32>
        %parallel_loop3A_213 = tpu.vector_load_idx %arg14[%parallel_loop3A_209, %parallel_loop3A_212] : memref<32x128xf32, #tpu.memory_space<vmem>>[vector<16xi32>, vector<16xi32>], vector<16xf32>,
        %parallel_loop3A_214 = arith.index_cast %parallel_loop3A_195 : i32 to index
        %parallel_loop3A_215 = arith.index_cast %parallel_loop3A_199 : i32 to index
        %parallel_loop3A_216 = tpu.vector_load %arg7[%parallel_loop3A_214, %parallel_loop3A_215] {strides = array<i32>} : memref<32x512xf32, #tpu.memory_space<vmem>>, vector<16xf32>,
        tpu.vector_store %arg7[%parallel_loop3A_214, %parallel_loop3A_215], %parallel_loop3A_213 {strides = array<i32>} : memref<32x512xf32, #tpu.memory_space<vmem>>, vector<16xf32>,
      } {sc.loop_unroll_factor = 16 : i64, sc.parallel_access}
      %mul3A_181 = arith.constant 24 : i32
      %mul3A_182 = arith.muli %arg0, %mul3A_181 : i32
      %add3A_183 = arith.addi %mul3A_182, %add3A_90 : i32
      %mul3A_184 = arith.constant 32 : i32
      %mul3A_185 = arith.muli %arg1, %mul3A_184 : i32
      %dma_start3A_186 = arith.constant 0 : i32
      %dma_start3A_187 = tpu.memref_slice %arg3[%add3A_183, %mul3A_185, %dma_start3A_186] : memref<48x512x512xf32, #tpu.memory_space<hbm>> -> memref<1x32x512xf32, #tpu.memory_space<hbm>>
      %dma_start3A_188 = tpu.memref_squeeze %dma_start3A_187 : memref<1x32x512xf32, #tpu.memory_space<hbm>> -> memref<32x512xf32, #tpu.memory_space<hbm>>
      %dma_start3A_189 = arith.constant 0 : i32
      %dma_start3A_190 = tpu.memref_slice %arg3[%add3A_183, %mul3A_185, %dma_start3A_189] : memref<48x512x512xf32, #tpu.memory_space<hbm>> -> memref<1x32x512xf32, #tpu.memory_space<hbm>>
      %dma_start3A_191 = tpu.memref_squeeze %dma_start3A_190 : memref<1x32x512xf32, #tpu.memory_space<hbm>> -> memref<32x512xf32, #tpu.memory_space<hbm>>
      tpu.enqueue_dma source(%arg7 : memref<32x512xf32, #tpu.memory_space<vmem>>) target(%dma_start3A_191 : memref<32x512xf32, #tpu.memory_space<hbm>>) target_semaphore(%arg20 : memref<!tpu.dma_semaphore, #tpu.memory_space<semaphore_mem>>)
      %scan3A_192 = arith.constant 0 : i32
      scf.yield %scan3A_192 : i32
    }
    %scan3A_59 = arith.constant 12 : i32
    %mul3A_60 = arith.constant 24 : i32
    %mul3A_61 = arith.muli %arg0, %mul3A_60 : i32
    %add3A_62 = arith.constant 22 : i32
    %add3A_63 = arith.addi %mul3A_61, %add3A_62 : i32
    %mul3A_64 = arith.constant 32 : i32
    %mul3A_65 = arith.muli %arg1, %mul3A_64 : i32
    %dma_wait3A = arith.constant 0 : i32
    %dma_wait3A_66 = tpu.memref_slice %arg3[%add3A_63, %mul3A_65, %dma_wait3A] : memref<48x512x512xf32, #tpu.memory_space<hbm>> -> memref<1x32x512xf32, #tpu.memory_space<hbm>>
    %dma_wait3A_67 = tpu.memref_squeeze %dma_wait3A_66 : memref<1x32x512xf32, #tpu.memory_space<hbm>> -> memref<32x512xf32, #tpu.memory_space<hbm>>
    %dma_wait3A_68 = arith.constant 0 : i32
    %dma_wait3A_69 = tpu.memref_slice %arg3[%add3A_63, %mul3A_65, %dma_wait3A_68] : memref<48x512x512xf32, #tpu.memory_space<hbm>> -> memref<1x32x512xf32, #tpu.memory_space<hbm>>
    %dma_wait3A_70 = tpu.memref_squeeze %dma_wait3A_69 : memref<1x32x512xf32, #tpu.memory_space<hbm>> -> memref<32x512xf32, #tpu.memory_space<hbm>>
    tpu.wait_dma2 semaphore(%arg19 : memref<!tpu.dma_semaphore, #tpu.memory_space<semaphore_mem>>) src(%arg6 : memref<32x512xf32, #tpu.memory_space<vmem>>) dst(%dma_wait3A_70 : memref<32x512xf32, #tpu.memory_space<hbm>>)
    %mul3A_71 = arith.constant 24 : i32
    %mul3A_72 = arith.muli %arg0, %mul3A_71 : i32
    %add3A_73 = arith.constant 23 : i32
    %add3A_74 = arith.addi %mul3A_72, %add3A_73 : i32
    %mul3A_75 = arith.constant 32 : i32
    %mul3A_76 = arith.muli %arg1, %mul3A_75 : i32
    %dma_wait3A_77 = arith.constant 0 : i32
    %dma_wait3A_78 = tpu.memref_slice %arg3[%add3A_74, %mul3A_76, %dma_wait3A_77] : memref<48x512x512xf32, #tpu.memory_space<hbm>> -> memref<1x32x512xf32, #tpu.memory_space<hbm>>
    %dma_wait3A_79 = tpu.memref_squeeze %dma_wait3A_78 : memref<1x32x512xf32, #tpu.memory_space<hbm>> -> memref<32x512xf32, #tpu.memory_space<hbm>>
    %dma_wait3A_80 = arith.constant 0 : i32
    %dma_wait3A_81 = tpu.memref_slice %arg3[%add3A_74, %mul3A_76, %dma_wait3A_80] : memref<48x512x512xf32, #tpu.memory_space<hbm>> -> memref<1x32x512xf32, #tpu.memory_space<hbm>>
    %dma_wait3A_82 = tpu.memref_squeeze %dma_wait3A_81 : memref<1x32x512xf32, #tpu.memory_space<hbm>> -> memref<32x512xf32, #tpu.memory_space<hbm>>
    tpu.wait_dma2 semaphore(%arg20 : memref<!tpu.dma_semaphore, #tpu.memory_space<semaphore_mem>>) src(%arg7 : memref<32x512xf32, #tpu.memory_space<vmem>>) dst(%dma_wait3A_82 : memref<32x512xf32, #tpu.memory_space<hbm>>)
    return
  }
}

</mosaic_0001>

<sc_bundles>
// kernel: kernel.3.cloned.1.call-start
scs
__scs_entry_jumppad:
0x0: {  	(pc) =	sbr.rel $0x88, $3  }
0x1: {  	(tag) =	ssettag $0x0;
	lr =	simm.s32 $0x1  }
0x2: {  	[smem:$0x3FA0] =	sst lr;
	_ =	strace $0xD0000000  }
0x3: {  	_ = 	snop  }
0x4: {  	_ = 	snop  }
0x5: {  	_ = 	snop  }
0x6: {  	_ = 	snop  }
0x7: {  	_ = 	snop  }
__scs_overlays_trampoline_lowered:
0x8: {  	[smem:$0x3FAF] =	sst s0  }
0x9: {  	[smem:$0x3FB0] =	sst s1  }
0xa: {  	[smem:$0x3FB1] =	sst s2  }
0xb: {  	[smem:$0x3FB2] =	sst s3  }
0xc: {  	[smem:$0x3FB3] =	sst s4  }
0xd: {  	[smem:$0x3FB4] =	sst s5  }
0xe: {  	[smem:$0x3FB5] =	sst s6  }
0xf: {  	[smem:$0x3FB6] =	sst s7  }
0x10: {  	[smem:$0x3FB7] =	sst s8  }
0x11: {  	[smem:$0x3FB8] =	sst s9;
	s0 =	simm.s32 @!p0 $0x0  }
0x12: {  	s1 =	sld [smem:$0x3F9E];
	s0 =	simm.s32 @p0 $0x1  }
0x13: {  	[smem:$0x3FB9] =	sst s0;
	s0 =	simm.s32 @!p1 $0x0  }
0x14: {  	s2 =	sld [smem:$0x3F9D];
	s0 =	simm.s32 @p1 $0x1  }
0x15: {  	[smem:$0x3FBA] =	sst s0;
	s0 =	simm.s32 @!p2 $0x0  }
0x16: {  	s3 =	sld [smem:$0x3FDB];
	s0 =	simm.s32 @p2 $0x1  }
0x17: {  	s4 =	simm.s32 $0x1BF5;
	[smem:$0x3FBC] =	sst s0  }
0x18: {  	s0 =	sld [smem:$0x3F9F];
	_ =	swait.ge [sflag:s4], $0x0  }
0x19: {  	s7 =	sld [smem:$0x3FA0]  }
0x1a: {  	s8 =	sadd.s32 $0xFFFFE003, lr  }
0x1b: {  	s9 =	sadd.s32 $0xFFFFFEF7, lr;
	s5 =	simm.s32 $0xFFFFFFFF;
	p2 =	slt.u32 s8, $0xFFFFF086  }
0x1c: {  	p1 =	slt.u32 s9, $0xF7A;
	s5 =	simm.s32 @!p2 $0x0  }
0x1d: {  	s5 =	simm.s32 @p1 $0x1;
	p0 =	seq.s32 s7, s2  }
0x1e: {  	s7 =	smul.u32 @!p0 $0xF7A, s2;
	p2 =	seq.s32 @!p0 s5, $0x0  }
0x1f: {  	s9 =	smul.u32 $0xF7A, s1;
	s8 =	simm.s32 @!p0 $0x1BF5;
	p2 =	por !p2, p0  }
0x20: {  	[sflag:s8] =	ssyncset.s32 @!p0 $0xFFFFF086;
	s6 =	sadd.s32 @!p0 s3, s7;
	s7 =	simm.s32 @!p0 $0x108  }
0x21: {  	s3 =	sadd.s32 s3, s9;
	s6 =	sadd.s32 @!p0 $0x88, s6;
	s7 =	simm.s32 @p2 $0x1082  }
0x22: {  	[simem:s7], [sflag:s8] =	dma.local @!p0 [hbm:s6], $0xF7A  }
0x23: {  	s9 =	sor.u32 $0xD0000000, s2;
	s6 =	simm.s32 $0x108;
	_ =	swait.ge @!p0 [sflag:s8], $0x0  }
0x24: {  	s3 =	sadd.s32 $0x88, s3;
	s6 =	simm.s32 @!p1 $0x1082;
	[sflag:s4] =	ssyncset.s32 $0xFFFFF086  }
0x25: {  	[simem:s6], [sflag:s4] =	dma.local [hbm:s3], $0xF7A  }
0x26: {  	[smem:$0x3FA0] =	sst s1;
	(tag) =	ssettag s2;
	_ =	strace s9  }
0x27: {  	s1 =	sld [smem:$0x3FB0]  }
0x28: {  	s2 =	sld [smem:$0x3FB1]  }
0x29: {  	s4 =	sld [smem:$0x3FB3]  }
0x2a: {  	p0 =	seq.s32 s5, $0x0;
	s5 =	sld [smem:$0x3FB4]  }
0x2b: {  	s6 =	sld [smem:$0x3FB5]  }
0x2c: {  	s7 =	sld [smem:$0x3FB6]  }
0x2d: {  	s3 =	simm.s32 $0x108;
	s8 =	sld [smem:$0x3FB7]  }
0x2e: {  	s3 =	simm.s32 @!p0 $0x1082;
	s9 =	sld [smem:$0x3FB8]  }
0x2f: {  	lr =	sadd.s32 s0, s3;
	s0 =	sld [smem:$0x3FAF]  }
0x30: {  	s3 =	sld [smem:$0x3FB2]  }
0x31: {  	[smem:$0x3FBB] =	sst s10  }
0x32: {  	s10 =	sld [smem:$0x3FB9];
	_ =	sdelay $0x3  }
0x33: {  	p0 =	seq.s32 s10, $0x1;
	s10 =	sld [smem:$0x3FBB];
	_ =	sdelay $0x3  }
0x34: {  	[smem:$0x3FBB] =	sst s10  }
0x35: {  	s10 =	sld [smem:$0x3FBA];
	_ =	sdelay $0x3  }
0x36: {  	p1 =	seq.s32 s10, $0x1;
	s10 =	sld [smem:$0x3FBB];
	_ =	sdelay $0x3  }
0x37: {  	[smem:$0x3FBB] =	sst s10  }
0x38: {  	s10 =	sld [smem:$0x3FBC]  }
0x39: {  	_ = 	snop;
	(pc) =	sbr.ind lr, $3  }
0x3a: {  	_ = 	snop  }
0x3b: {  	_ = 	snop  }
0x3c: {  	p2 =	seq.s32 s10, $0x1;
	s10 =	sld [smem:$0x3FBB]  }
0x3d: {  	_ =	shalt  }
0x3e: {  	_ =	shalt  }
0x3f: {  	_ =	shalt  }
0x40: {  	_ =	shalt  }
0x41: {  	_ =	shalt  }
0x42: {  	_ =	shalt  }
0x43: {  	_ =	shalt  }
0x44: {  	_ =	shalt  }
0x45: {  	_ =	shalt  }
0x46: {  	_ =	shalt  }
0x47: {  	_ =	shalt  }
0x48: {  	_ =	shalt  }
0x49: {  	_ =	shalt  }
0x4a: {  	_ =	shalt  }
0x4b: {  	_ =	shalt  }
0x4c: {  	_ =	shalt  }
0x4d: {  	_ =	shalt  }
0x4e: {  	_ =	shalt  }
0x4f: {  	_ =	shalt  }
0x50: {  	_ =	shalt  }
0x51: {  	_ =	shalt  }
0x52: {  	_ =	shalt  }
0x53: {  	_ =	shalt  }
0x54: {  	_ =	shalt  }
0x55: {  	_ =	shalt  }
0x56: {  	_ =	shalt  }
0x57: {  	_ =	shalt  }
0x58: {  	_ =	shalt  }
0x59: {  	_ =	shalt  }
0x5a: {  	_ =	shalt  }
0x5b: {  	_ =	shalt  }
0x5c: {  	_ =	shalt  }
0x5d: {  	_ =	shalt  }
0x5e: {  	_ =	shalt  }
0x5f: {  	_ =	shalt  }
0x60: {  	_ =	shalt  }
0x61: {  	_ =	shalt  }
0x62: {  	_ =	shalt  }
0x63: {  	_ =	shalt  }
0x64: {  	_ =	shalt  }
0x65: {  	_ =	shalt  }
0x66: {  	_ =	shalt  }
0x67: {  	_ =	shalt  }
0x68: {  	_ =	shalt  }
0x69: {  	_ =	shalt  }
0x6a: {  	_ =	shalt  }
0x6b: {  	_ =	shalt  }
0x6c: {  	_ =	shalt  }
0x6d: {  	_ =	shalt  }
0x6e: {  	_ =	shalt  }
0x6f: {  	_ =	shalt  }
0x70: {  	_ =	shalt  }
0x71: {  	_ =	shalt  }
0x72: {  	_ =	shalt  }
0x73: {  	_ =	shalt  }
0x74: {  	_ =	shalt  }
0x75: {  	_ =	shalt  }
0x76: {  	_ =	shalt  }
0x77: {  	_ =	shalt  }
0x78: {  	_ =	shalt  }
0x79: {  	_ =	shalt  }
0x7a: {  	_ =	shalt  }
0x7b: {  	_ =	shalt  }
0x7c: {  	_ =	shalt  }
0x7d: {  	_ =	shalt  }
0x7e: {  	_ =	shalt  }
0x7f: {  	_ =	shalt  }
0x80: {  	_ =	shalt  }
0x81: {  	_ =	shalt  }
0x82: {  	_ =	shalt  }
0x83: {  	_ =	shalt  }
0x84: {  	_ =	shalt  }
0x85: {  	_ =	shalt  }
0x86: {  	_ =	shalt  }
0x87: {  	_ =	shalt  }
.Lfunc_end0:
.L_simem_size_0:
called_computation_lowered:
.L_overlay_start_0:
0x88: {  	s2 =	sld [smem:$0x3FD9]  }
0x89: {  	s3 =	sld [smem:$0x3FFE];
	_ =	sdelay $0x1  }
0x8a: {  	s1 =	srdreg.scid  }
0x8b: {  	s0 =	sand.u32 $0x1, s1  }
0x8c: {  	s18 =	sshll.u32 s0, $0xA;
	s2 =	sadd.s32 s3, s2  }
0x8d: {  	s2 =	sadd.s32 s2, s18  }
0x8e: {  	[smem:$0x3FC7] =	sst s2  }
0x8f: {  	_ = 	snop  }
0x90: {  	s2 =	sld [smem:$0x3FC9]  }
0x91: {  	s19 =	sld [smem:$0x3FD0];
	(tm) =	ssettm $0x1  }
0x92: {  	s4 =	sld [smem:$0x3FFB];
	_ =	sdelay $0x3  }
0x93: {  	_ =	strace s4  }
0x94: {  	s4 =	sld [smem:$0x3FFC];
	_ =	sdelay $0x3  }
0x95: {  	_ =	strace s4  }
0x96: {  	s4 =	sld [smem:$0x3FFD];
	_ =	sdelay $0x3  }
0x97: {  	_ =	strace s4  }
0x98: {  	_ =	strace $0x8FFFFFFF  }
0x99: {  	s20 =	sld [smem:$0x3FDB];
	_ =	sdelay $0x1  }
0x9a: {  	s5 =	simm.s32 $_scs_section_size  }
0x9b: {  	s6 =	simm.s32 $_size__tile_overlayer_lowered;
	s7 =	simm.s32 $_tile_overlayer_lowered  }
0x9c: {  	s23 =	simm.s32 $0x1BFF;
	s22 =	sshll.u32 s7, $0x1;
	s4 =	sadd.s32 s5, s20  }
0x9d: {  	s8 =	simm.s32 $0x0;
	s21 =	sshll.u32 s6, $0x1;
	s6 =	sadd.s32 s22, s4  }
0x9e: {  	[timem:s8], [sflag:s23] =	dma.local [hbm:s6], s21  }
0x9f: {  	_ =	swait.ge [sflag:s23], s21  }
0xa0: {  	s5 =	ssub.s32 $0x0, s21;
	[sflag:s23] =	ssyncset.done $0x0  }
0xa1: {  	[sflag:s23] =	ssyncadd.s32 s5;
	_ =	sdelay $0x1  }
0xa2: {  	s24 =	simm.s32 $0x1B8B  }
0xa3: {  	_ =	swait.ge [sflag:s24], $0x1  }
0xa4: {  	[sflag:s24] =	ssyncset.done $0x0  }
0xa5: {  	s25 =	simm.s32 $0x1B8E;
	[sflag:s24] =	ssyncadd.s32 $0xFFFFFFFF  }
0xa6: {  	s26 =	simm.s32 $execute0_lowered;
	[smem:$0x3FD2] =	sst s25  }
0xa7: {  	s5 =	sshll.u32 s26, $0x1;
	_ =	strace $0x80000046;
	[dreg:$0x1] =	wrdreg $0xFFFFFFFF  }
0xa8: {  	s28 =	simm.s32 $_size_execute0_lowered;
	s4 =	sadd.s32 s4, s5;
	[dreg:$0x0] =	wrdreg $0x0  }
0xa9: {  	s5 =	sshll.u32 s28, $0x1;
	[dreg:$0x2] =	wrdreg s4  }
0xaa: {  	[dreg:$0x3] =	wrdreg s5  }
0xab: {  	[dreg:$0x4] =	wrdreg $0xC0  }
0xac: {  	_ =	task [dreg:s8], $0x5FFFF  }
0xad: {  	[dreg:$0x1] =	wrdreg $0xFFFFFFFF  }
0xae: {  	[dreg:$0x0] =	wrdreg $0x60  }
0xaf: {  	[dreg:$0x2] =	wrdreg s2  }
0xb0: {  	[dreg:$0x3] =	wrdreg s19  }
0xb1: {  	[dreg:$0x4] =	wrdreg $0x17A000  }
0xb2: {  	[dreg:$0x5] =	wrdreg $0x162000  }
0xb3: {  	[dreg:$0x6] =	wrdreg $0x9  }
0xb4: {  	_ =	task.clear_ibuf [dreg:s8], $0x7FFFF;
	_ =	strace $0x90000046  }
0xb5: {  	s29 =	simm.s32 $0x9;
	_ =	strace $0x80000048  }
0xb6: {  	_ =	swait.ge [sflag:s29], $0x1  }
0xb7: {  	[sflag:s29] =	ssyncadd.s32 $0xFFFFFFFF  }
0xb8: {  	_ =	strace $0x90000048  }
0xb9: {  	_ =	sfence  }
0xba: {  	s30 =	sld [smem:$0x0];
	_ =	sdelay $0x2  }
0xbb: {  	s31 =	sshll.u32 s1, $0xD;
	s1 =	sshrl.u32 s1, $0x2  }
0xbc: {  	s3 =	sand.u32 $0x4000, s31;
	s1 =	sadd.s32 s1, s30  }
0xbd: {  	s0 =	sor.u32 s3, s0;
	s1 =	sshll.u32 s1, $0x11  }
0xbe: {  	s0 =	sor.u32 s1, s0  }
0xbf: {  	s0 =	sadd.s32 $0x8F2B, s0  }
0xc0: {  	[sflag:s0] =	ssyncadd.remote.s32 $0x1  }
0xc1: {  	_ =	sfence.sel $0xFFFF  }
0xc2: {  	[dreg:$0x0] =	wrdreg $0xFFFFFFFF;
	(pc) =	sbr.abs _section_cstart, $3  }
0xc3: {  	[dreg:$0x1] =	wrdreg $0xFFFFFFFF  }
0xc4: {  	_ =	task.clear_ibuf [dreg:s8], $0x2FFFF;
	_ =	strace $0x9FFFFFFF  }
0xc5: {  	(tm) =	ssettm $0x7FFFFFFF  }
tec
execute0_lowered:
.L_overlay_start_1:
0x0: {  	(tag) =	ssettag $0x1  }
0x1: {  	s1 =	rddreg [dreg:$0x0]  }
0x2: {  	s2 =	rddreg [dreg:$0x1]  }
0x3: {  	s3 =	rddreg [dreg:$0x2]  }
0x4: {  	s0 =	rddreg [dreg:$0x3];
	s4 =	srdreg.scid  }
0x5: {  	s5 =	simm.s32 $0x0;
	s14 =	stileid.u32;
	s28 =	simm.s32 $0x10000  }
0x6: {  	s29 =	simm.s32 $0x2;
	s4 =	sand.u32 $0x1, s4;
	[smem:$0x7FF] =	sst s5  }
0x7: {  	s6 =	sshll.u32 s14, $0xE;
	s15 =	smul.u32 $0x6000, s14;
	s16 =	sshll.u32 s14, $0x8  }
0x8: {  	s11 =	sshll.u32 s14, $0x7;
	s19 =	sor.u32 $0x10, s14;
	p0 =	sgt.u32 s14, $0x7  }
0x9: {  	s7 =	smul.u32 $0x600000, s4;
	s8 =	ssub.s32 $0x2, s4;
	_ =	strace $0x80000047  }
0xa: {  	s17 =	sand.u32 $0x800, s16;
	s12 =	sand.u32 $0x380, s11;
	s11 =	sor.u32 $0x1000, s11  }
0xb: {  	s9 =	sshrl.u32 s8, $0x1;
	[dreg:$0x9] =	wrdreg s11;
	s20 =	sadd.s32 s11, s0  }
0xc: {  	s10 =	sor.u32 s6, s7;
	s26 =	sadd.s32 $0x400, s20;
	[dreg:$0xb] =	wrdreg s20  }
0xd: {  	s8 =	ssub.s32 s8, s9;
	s30 =	sadd.s32 $0xC000, s20;
	[dreg:$0x11] =	wrdreg s26  }
0xe: {  	s7 =	smul.u32 $0x18, s4;
	s31 =	sadd.s32 $0xC400, s20;
	[dreg:$0x12] =	wrdreg s30  }
0xf: {  	s13 =	sshrl.u32 s10, $0x3;
	s22 =	smax.u32 s8, $0x1;
	[dreg:$0x13] =	wrdreg s31  }
0x10: {  	v0 =	vimm.f32 $2.550000000e+02;
	s10 =	sshrl.u32 s15, $0x2;
	s4 =	sadd.s32 s1, s13;
	[dreg:$0xd] =	wrdreg s22  }
0x11: {  	s18 =	sshrl.u32 s6, $0x2;
	(erf) = vrcp.f32 v0;
	s10 =	sadd.s32 s10, s0;
	[dreg:$0x5] =	wrdreg s4  }
0x12: {  	s21 =	sshll.u32 s19, $0xC;
	s13 =	sor.u32 s12, s17;
	[dreg:$0x7] =	wrdreg s10  }
0x13: {  	s16 =	simm.s32 $0x14200;
	[dreg:$0x6] =	wrdreg s13;
	s4 =	sadd.s32 s18, s3  }
0x14: {  	v1 =	vmov s14;
	s15 =	sadd.s32 s13, s0;
	s0 =	sadd.s32 s21, s3;
	[dreg:$0xa] =	wrdreg s4  }
0x15: {  	v2 =	vmov s19;
	v3 =	vshll.u32 v1, $0x8;
	v1 =	vshll.u32 v1, $0x7;
	s26 =	simm.s32 $0x1;
	s9 =	sor.u32 $0x2, s7;
	[dreg:$0xc] =	wrdreg s0  }
0x16: {  	v0 =	vmov s12;
	v3 =	vand.u32 $0x800, v3;
	v2 =	vshll.u32 v2, $0x7;
	s22 =	simm.s32 $0x7;
	s23 =	sadd.s32 $0x400, s15;
	[dreg:$0x8] =	wrdreg s15  }
0x17: {  	v4 =	vand.u32 $0x380, v1;
	v1 =	vlaneseq.u32;
	v5 =	vand.u32 $0x380, v2;
	s13 =	sadd.s32 $0x12A00, s17;
	s24 =	sadd.s32 $0xC000, s15;
	[dreg:$0xe] =	wrdreg s23  }
0x18: {  	v2 =	vor.u32 v4, v3;
	v9 =	vmul.u32 $0xFFFFFFFF, v1;
	v4 =	vimm.f32 $0.0e+00;
	s17 =	simm.s32 $0x5;
	s25 =	sadd.s32 $0xC400, s15;
	[dreg:$0xf] =	wrdreg s24  }
0x19: {  	v7 =	vor.u32 $0x80000000, v1;
	v8 =	vadd.s32 $0x1, v1;
	v3 =	vor.u32 $0x1000, v5;
	s10 =	simm.s32 $0x0;
	s4 =	simm.s32 $0x15200;
	[dreg:$0x10] =	wrdreg s25  }
0x1a: {  	v5 =	vimm.f32 $1.000000000e+00;
	v3 =	vbroadcast v3, $0x0;
	v9 =	vadd.s32 $0xFF, v9;
	s25 =	simm.s32 $0x4000;
	s24 =	simm.s32 $0x12A00;
	s23 =	simm.s32 $0x6;
	v6 =	vpop (erf)  }
.LBB2_1:
0x1b: {  	[dreg:$0x14] =	wrdreg s10;
	s0 =	simm.s32 $0x0;
	s8 =	simm.s32 $0x0  }
0x1c: {  	s21 =	sand.u32 $0x400, s5;
	s30 =	sand.u32 $0x40, s5;
	s0 =	sand.u32 $0x1800, s0  }
0x1d: {  	s31 =	simm.s32 $0x40;
	s8 =	sand.u32 $0x380, s8;
	s0 =	sor.u32 s21, s0  }
0x1e: {  	s12 =	simm.s32 $0x20;
	s0 =	sor.u32 s8, s0;
	s8 =	simm.s32 $0x200  }
0x1f: {  	s10 =	sand.u32 $0x1800, s31;
	s0 =	sor.u32 s30, s0;
	s14 =	sand.u32 $0x400, s8  }
0x20: {  	s12 =	sand.u32 $0x380, s12;
	s14 =	sor.u32 s14, s10;
	[tilespmem:s0+$0x10030] =	vst v4;
	s10 =	simm.s32 $0x40  }
0x21: {  	[tilespmem:s0+$0x10020] =	vst v4;
	s15 =	sand.u32 $0x40, s10;
	s14 =	sor.u32 s12, s14  }
0x22: {  	[tilespmem:s0+$0x10010] =	vst v4;
	s12 =	simm.s32 $0x4;
	s14 =	sor.u32 s15, s14  }
.LBB2_2:
0x23: {  	s12 =	sadd.s32 $0x4, s12  }
0x24: {  	s8 =	sadd.s32 $0x200, s8;
	[tilespmem:s0+$0x10000] =	vst v4;
	s0 =	smov.u32 s14;
	p1 =	slt.u32 s12, $0x17C  }
.Ltmp0:
0x25: {  	s14 =	sshll.u32 s12, $0x4;
	s15 =	sshll.u32 s12, $0x3;
	(pc) =	sbr.rel @p1 .LBB2_2-.Ltmp0, $4  }
0x26: {  	s18 =	sand.u32 $0x400, s8;
	s14 =	sand.u32 $0x1800, s14  }
0x27: {  	s10 =	sadd.s32 $0x40, s10;
	s15 =	sand.u32 $0x380, s15;
	s14 =	sor.u32 s18, s14;
	[tilespmem:s0+$0x10030] =	vst v4  }
0x28: {  	s18 =	sand.u32 $0x40, s10;
	s14 =	sor.u32 s15, s14;
	[tilespmem:s0+$0x10020] =	vst v4  }
0x29: {  	s14 =	sor.u32 s18, s14;
	[tilespmem:s0+$0x10010] =	vst v4  }
0x2a: {  	[tilespmem:s0+$0x10000] =	vst v4  }
0x2b: {  	[tilespmem:s14+$0x10030] =	vst v4  }
0x2c: {  	[tilespmem:s14+$0x10020] =	vst v4  }
0x2d: {  	[tilespmem:s14+$0x10010] =	vst v4  }
0x2e: {  	[tilespmem:s14+$0x10000] =	vst v4  }
0x2f: {  	s20 =	simm.s32 $0x0;
	s21 =	simm.s32 $0x0;
	s0 =	rddreg [dreg:$0x5]  }
0x30: {  	[tilespmem:s20], [sflag:$0x1] =	stream.linear.gather [hbm4b:s0+s20], $0x4000, $0x38;
	[tilespmem:$0x19200] =	vst v63  }
.LBB2_4:
0x31: {  	s14 =	sshllo.u32 s21, $0x1  }
0x32: {  	s0 =	sadd.s32 s7, s14  }
0x33: {  	s0 =	sshll.u32 s0, $0x12  }
0x34: {  	s0 =	sor.u32 s6, s0  }
0x35: {  	s0 =	sshrl.u32 s0, $0x3  }
0x36: {  	s31 =	simm.s32 $0x0;
	s8 =	simm.s32 $0x0;
	s0 =	sadd.s32 s1, s0  }
0x37: {  	[tilespmem:s25], [sflag:$0x2] =	stream.linear.gather [hbm4b:s0+s20], $0x4000, $0x38;
	[tilespmem:$0x19200] =	vst v63  }
0x38: {  	s10 =	sand.u32 $0x800, s20;
	s0 =	sand.u32 $0x3000, s31;
	_ =	swait.ge [sflag:s26], $0x4000  }
0x39: {  	s8 =	sand.u32 $0x380, s8;
	s0 =	sor.u32 s10, s0;
	[sflag:s26] =	ssyncset.done $0x0  }
0x3a: {  	s15 =	sor.u32 s8, s0;
	[sflag:s26] =	ssyncadd.s32 $0xFFFFC000  }
0x3b: {  	v12 =	vld [tilespmem:s15+$0x10]  }
0x3c: {  	v13 =	vld [tilespmem:s15+$0x0]  }
0x3d: {  	v15 =	vld [tilespmem:s15+$0x460]  }
0x3e: {  	s12 =	sshll.u32 s21, $0x1;
	v16 =	vld [tilespmem:s15+$0x410]  }
0x3f: {  	v10 =	vmov s12;
	v17 =	vld [tilespmem:s15+$0x420]  }
0x40: {  	v11 =	vshll.u32 v10, $0x8;
	v10 =	vshll.u32 v10, $0x7;
	v19 =	vld [tilespmem:s15+$0x430]  }
0x41: {  	v11 =	vand.u32 $0x1800, v11;
	v10 =	vand.u32 $0x300, v10;
	v23 =	vld [tilespmem:s15+$0x440];
	v14 =	vshll.u32 v12, $0x3  }
0x42: {  	v12 =	vand.u32 $0x7F, v12;
	v24 =	vand.u32 $0x7F, v13;
	v13 =	vshll.u32 v13, $0x3  }
0x43: {  	v18 =	vshll.u32 v15, $0x3;
	v15 =	vand.u32 $0x7F, v15;
	v14 =	vand.u32 $0xFFFFFC00, v14  }
0x44: {  	v22 =	vshll.u32 v16, $0x3;
	v21 =	vand.u32 $0x7F, v16;
	v14 =	vadd.s32 v11, v14  }
0x45: {  	v16 =	vshll.u32 v17, $0x3;
	v17 =	vand.u32 $0x7F, v17;
	v12 =	vor.u32 v12, v14  }
0x46: {  	v32 =	vand.u32 $0x7F, v19;
	v28 =	vand.u32 $0x7F, v23;
	v14 =	vor.u32 v10, v12;
	v12 =	vld [tilespmem:s15+$0x40]  }
0x47: {  	v13 =	vand.u32 $0xFFFFFC00, v13;
	v18 =	vand.u32 $0xFFFFFC00, v18;
	v16 =	vand.u32 $0xFFFFFC00, v16  }
0x48: {  	v25 =	vld [tilespmem:s15+$0x450];
	v30 =	vand.u32 $0xFFFFFC00, v22;
	v18 =	vadd.s32 v11, v18;
	v13 =	vadd.s32 v11, v13  }
0x49: {  	v26 =	vadd.s32 v11, v16;
	v20 =	vor.u32 v15, v18;
	v18 =	vshll.u32 v19, $0x3;
	v15 =	vld [tilespmem:s15+$0x50]  }
0x4a: {  	v30 =	vadd.s32 v11, v30;
	v19 =	vshll.u32 v23, $0x3;
	v23 =	vld [tilespmem:s15+$0x60];
	v16 =	vand.u32 $0xFFFFFC00, v18  }
0x4b: {  	v18 =	vld [tilespmem:s15+$0x70];
	v31 =	vor.u32 v10, v20;
	v29 =	vadd.s32 v11, v16;
	v16 =	vshll.u32 v12, $0x3  }
0x4c: {  	v20 =	vld [tilespmem:s15+$0x30];
	v22 =	vand.u32 $0xFFFFFC00, v16;
	v16 =	vor.u32 v24, v13;
	v13 =	vand.u32 $0xFFFFFC00, v19  }
0x4d: {  	v17 =	vor.u32 v17, v26;
	v26 =	vor.u32 v32, v29;
	v13 =	vadd.s32 v11, v13  }
0x4e: {  	v26 =	vor.u32 v10, v26;
	v24 =	vshll.u32 v25, $0x3;
	v13 =	vor.u32 v28, v13  }
0x4f: {  	v27 =	vshll.u32 v15, $0x3;
	v24 =	vand.u32 $0xFFFFFC00, v24;
	v29 =	vor.u32 v10, v13;
	v13 =	vld [tilespmem:s15+$0x470]  }
0x50: {  	v19 =	vshll.u32 v18, $0x3;
	v25 =	vand.u32 $0x7F, v25;
	v63 =	vadd.s32 v11, v24  }
0x51: {  	s18 =	simm.s32 $0x0;
	s8 =	simm.s32 $0x0;
	[tilespmem:v31+s28+$0x0] =	vst.idx.add.f32.msk $0xffff, v5;
	v28 =	vshll.u32 v20, $0x3;
	v24 =	vand.u32 $0x7F, v23;
	v25 =	vor.u32 v25, v63  }
.LBB2_5:
0x52: {  	s18 =	sadd.s32 $0x10, s18;
	v23 =	vshll.u32 v23, $0x3;
	v19 =	vand.u32 $0xFFFFFC00, v19;
	v31 =	vld [tilespmem:s15+$0x400];
	v21 =	vor.u32 v21, v30;
	s8 =	sadd.s32 $0x800, s8  }
0x53: {  	v18 =	vand.u32 $0x7F, v18;
	s0 =	sshll.u32 s18, $0x4;
	s10 =	sshll.u32 s18, $0x2;
	p1 =	slt.u32 s18, $0x3F0;
	v30 =	vld [tilespmem:s15+$0x20];
	v32 =	vadd.s32 v11, v19;
	v19 =	vor.u32 v10, v21  }
0x54: {  	s15 =	sand.u32 $0x800, s8;
	v21 =	vand.u32 $0xFFFFFC00, v27;
	v27 =	vshll.u32 v13, $0x3;
	s0 =	sand.u32 $0x3000, s0;
	s10 =	sand.u32 $0x380, s10;
	v18 =	vor.u32 v18, v32;
	[tilespmem:v29+s28+$0x0] =	vst.idx.add.f32.msk $0xffff, v5  }
0x55: {  	v15 =	vand.u32 $0x7F, v15;
	v21 =	vadd.s32 v11, v21;
	s0 =	sor.u32 s15, s0;
	[tilespmem:v14+s28+$0x0] =	vst.idx.add.f32.msk $0xffff, v5;
	v14 =	vadd.s32 v11, v22  }
0x56: {  	v20 =	vand.u32 $0x7F, v20;
	v22 =	vand.u32 $0xFFFFFC00, v28;
	v15 =	vor.u32 v15, v21;
	s15 =	sor.u32 s10, s0;
	[tilespmem:v26+s28+$0x0] =	vst.idx.add.f32.msk $0xffff, v5  }
0x57: {  	v25 =	vor.u32 v10, v25;
	v21 =	vadd.s32 v11, v22;
	v22 =	vor.u32 v10, v15;
	v32 =	vld [tilespmem:s15+$0x450]  }
0x58: {  	v12 =	vand.u32 $0x7F, v12;
	v20 =	vor.u32 v20, v21;
	v26 =	vld [tilespmem:s15+$0x440];
	v15 =	vshll.u32 v30, $0x3  }
0x59: {  	v12 =	vor.u32 v12, v14;
	v20 =	vor.u32 v10, v20;
	v28 =	vld [tilespmem:s15+$0x430];
	v15 =	vand.u32 $0xFFFFFC00, v15  }
0x5a: {  	v29 =	vor.u32 v10, v12;
	v21 =	vand.u32 $0x7F, v30;
	v14 =	vld [tilespmem:s15+$0x470];
	v15 =	vadd.s32 v11, v15  }
0x5b: {  	v12 =	vld [tilespmem:s15+$0x10];
	v15 =	vor.u32 v21, v15;
	v21 =	vand.u32 $0xFFFFFC00, v23;
	v23 =	vand.u32 $0xFFFFFC00, v27  }
0x5c: {  	v13 =	vand.u32 $0x7F, v13;
	v27 =	vld [tilespmem:s15+$0x420];
	v30 =	vor.u32 v10, v15;
	v15 =	vadd.s32 v11, v23  }
0x5d: {  	v34 =	vor.u32 v10, v18;
	v21 =	vadd.s32 v11, v21;
	v33 =	vld [tilespmem:s15+$0x0];
	v36 =	vor.u32 v13, v15  }
0x5e: {  	v17 =	vor.u32 v10, v17;
	v15 =	vor.u32 v24, v21;
	v18 =	vld [tilespmem:s15+$0x460];
	v21 =	vor.u32 v10, v36  }
0x5f: {  	v16 =	vor.u32 v10, v16;
	v23 =	vshll.u32 v31, $0x3;
	v35 =	vor.u32 v10, v15;
	v24 =	vld [tilespmem:s15+$0x410];
	v13 =	vmovc v14  }
0x60: {  	v31 =	vand.u32 $0x7F, v31;
	v36 =	vand.u32 $0xFFFFFC00, v23;
	v14 =	vshll.u32 v12, $0x3;
	v15 =	vld [tilespmem:s15+$0x50]  }
0x61: {  	v36 =	vadd.s32 v11, v36;
	v37 =	vand.u32 $0x7F, v12;
	v12 =	vand.u32 $0xFFFFFC00, v14;
	v23 =	vld [tilespmem:s15+$0x60]  }
0x62: {  	v38 =	vand.u32 $0x7F, v33;
	v14 =	vshll.u32 v33, $0x3;
	v33 =	vadd.s32 v11, v12;
	v12 =	vld [tilespmem:s15+$0x40]  }
0x63: {  	v39 =	vand.u32 $0xFFFFFC00, v14;
	v14 =	vor.u32 v37, v33;
	v33 =	vshll.u32 v18, $0x3;
	[tilespmem:v20+s28+$0x0] =	vst.idx.add.f32.msk $0xffff, v5  }
0x64: {  	v18 =	vand.u32 $0x7F, v18;
	v14 =	vor.u32 v10, v14;
	v20 =	vand.u32 $0xFFFFFC00, v33;
	[tilespmem:v22+s28+$0x0] =	vst.idx.add.f32.msk $0xffff, v5  }
0x65: {  	v31 =	vor.u32 v31, v36;
	v22 =	vshll.u32 v24, $0x3;
	v20 =	vadd.s32 v11, v20;
	[tilespmem:v21+s28+$0x0] =	vst.idx.add.f32.msk $0xffff, v5  }
0x66: {  	v21 =	vand.u32 $0x7F, v24;
	v24 =	vshll.u32 v27, $0x3;
	v33 =	vor.u32 v18, v20;
	[tilespmem:v35+s28+$0x0] =	vst.idx.add.f32.msk $0xffff, v5  }
0x67: {  	v31 =	vor.u32 v10, v31;
	v18 =	vand.u32 $0xFFFFFC00, v24;
	v24 =	vshll.u32 v28, $0x3;
	v20 =	vld [tilespmem:s15+$0x30]  }
0x68: {  	v35 =	vadd.s32 v11, v39;
	v36 =	vadd.s32 v11, v18;
	v24 =	vand.u32 $0xFFFFFC00, v24;
	[tilespmem:v16+s28+$0x0] =	vst.idx.add.f32.msk $0xffff, v5  }
0x69: {  	v37 =	vand.u32 $0x7F, v27;
	v33 =	vor.u32 v10, v33;
	v24 =	vadd.s32 v11, v24;
	v18 =	vld [tilespmem:s15+$0x70]  }
0x6a: {  	v40 =	vand.u32 $0x7F, v28;
	v39 =	vand.u32 $0xFFFFFC00, v22;
	v16 =	vshll.u32 v12, $0x3;
	[tilespmem:v29+s28+$0x0] =	vst.idx.add.f32.msk $0xffff, v5  }
0x6b: {  	v28 =	vand.u32 $0x7F, v26;
	v26 =	vshll.u32 v26, $0x3;
	v22 =	vand.u32 $0xFFFFFC00, v16;
	[tilespmem:v17+s28+$0x0] =	vst.idx.add.f32.msk $0xffff, v5  }
0x6c: {  	v26 =	vand.u32 $0xFFFFFC00, v26;
	v16 =	vor.u32 v38, v35;
	v29 =	vshll.u32 v32, $0x3;
	[tilespmem:v30+s28+$0x0] =	vst.idx.add.f32.msk $0xffff, v5  }
.Ltmp1:
0x6d: {  	v27 =	vshll.u32 v15, $0x3;
	v26 =	vadd.s32 v11, v26;
	v17 =	vor.u32 v37, v36;
	[tilespmem:v19+s28+$0x0] =	vst.idx.add.f32.msk $0xffff, v5;
	(pc) =	sbr.rel @p1 .LBB2_5-.Ltmp1, $4  }
0x6e: {  	v26 =	vor.u32 v28, v26;
	v30 =	vand.u32 $0xFFFFFC00, v29;
	v19 =	vshll.u32 v18, $0x3;
	[tilespmem:v25+s28+$0x0] =	vst.idx.add.f32.msk $0xffff, v5  }
0x6f: {  	v24 =	vor.u32 v40, v24;
	v28 =	vshll.u32 v20, $0x3;
	v29 =	vor.u32 v10, v26;
	[tilespmem:v31+s28+$0x0] =	vst.idx.add.f32.msk $0xffff, v5  }
0x70: {  	v26 =	vor.u32 v10, v24;
	v25 =	vand.u32 $0x7F, v32;
	v31 =	vadd.s32 v11, v30;
	[tilespmem:v34+s28+$0x0] =	vst.idx.add.f32.msk $0xffff, v5  }
0x71: {  	v24 =	vand.u32 $0x7F, v23;
	v30 =	vadd.s32 v11, v39;
	v25 =	vor.u32 v25, v31;
	[tilespmem:v33+s28+$0x0] =	vst.idx.add.f32.msk $0xffff, v5  }
0x72: {  	v23 =	vshll.u32 v23, $0x3;
	v19 =	vand.u32 $0xFFFFFC00, v19  }
0x73: {  	v21 =	vor.u32 v21, v30;
	v27 =	vand.u32 $0xFFFFFC00, v27;
	v28 =	vand.u32 $0xFFFFFC00, v28  }
0x74: {  	v30 =	vshll.u32 v13, $0x3;
	v20 =	vand.u32 $0x7F, v20;
	v15 =	vand.u32 $0x7F, v15  }
0x75: {  	v31 =	vld [tilespmem:s15+$0x20];
	v13 =	vand.u32 $0x7F, v13;
	v22 =	vadd.s32 v11, v22;
	v12 =	vand.u32 $0x7F, v12  }
0x76: {  	v16 =	vor.u32 v10, v16;
	v28 =	vadd.s32 v11, v28;
	v27 =	vadd.s32 v11, v27  }
0x77: {  	v20 =	vor.u32 v20, v28;
	v15 =	vor.u32 v15, v27;
	v27 =	vand.u32 $0xFFFFFC00, v30  }
0x78: {  	v17 =	vor.u32 v10, v17;
	v28 =	vld [tilespmem:s15+$0x400];
	v20 =	vor.u32 v10, v20;
	v27 =	vadd.s32 v11, v27  }
0x79: {  	[tilespmem:v29+s28+$0x0] =	vst.idx.add.f32.msk $0xffff, v5;
	v23 =	vand.u32 $0xFFFFFC00, v23;
	v15 =	vor.u32 v10, v15;
	v13 =	vor.u32 v13, v27  }
0x7a: {  	[tilespmem:v14+s28+$0x0] =	vst.idx.add.f32.msk $0xffff, v5;
	v12 =	vor.u32 v12, v22;
	v13 =	vor.u32 v10, v13;
	v14 =	vshll.u32 v31, $0x3  }
0x7b: {  	[tilespmem:v26+s28+$0x0] =	vst.idx.add.f32.msk $0xffff, v5;
	v23 =	vadd.s32 v11, v23;
	v12 =	vor.u32 v10, v12;
	v14 =	vand.u32 $0xFFFFFC00, v14  }
0x7c: {  	v23 =	vor.u32 v24, v23;
	v22 =	vand.u32 $0x7F, v31;
	[tilespmem:v16+s28+$0x0] =	vst.idx.add.f32.msk $0xffff, v5;
	v14 =	vadd.s32 v11, v14  }
0x7d: {  	v23 =	vor.u32 v10, v23;
	[tilespmem:v20+s28+$0x0] =	vst.idx.add.f32.msk $0xffff, v5;
	v14 =	vor.u32 v22, v14;
	v20 =	vshll.u32 v28, $0x3  }
0x7e: {  	[tilespmem:v15+s28+$0x0] =	vst.idx.add.f32.msk $0xffff, v5;
	v15 =	vadd.s32 v11, v19;
	v14 =	vor.u32 v10, v14;
	v19 =	vand.u32 $0xFFFFFC00, v20  }
0x7f: {  	v20 =	vand.u32 $0x7F, v28;
	[tilespmem:v13+s28+$0x0] =	vst.idx.add.f32.msk $0xffff, v5;
	v13 =	vor.u32 v10, v21;
	v11 =	vadd.s32 v11, v19  }
0x80: {  	v18 =	vand.u32 $0x7F, v18;
	[tilespmem:v17+s28+$0x0] =	vst.idx.add.f32.msk $0xffff, v5;
	v19 =	vor.u32 v10, v25;
	v11 =	vor.u32 v20, v11  }
0x81: {  	[tilespmem:v12+s28+$0x0] =	vst.idx.add.f32.msk $0xffff, v5;
	v15 =	vor.u32 v18, v15;
	v11 =	vor.u32 v10, v11  }
0x82: {  	p1 =	seq.s32 s21, $0xB;
	[tilespmem:v23+s28+$0x0] =	vst.idx.add.f32.msk $0xffff, v5;
	v10 =	vor.u32 v10, v15  }
0x83: {  	s0 =	sadd.s32 @!p1 s12, s9;
	[tilespmem:v14+s28+$0x0] =	vst.idx.add.f32.msk $0xffff, v5  }
0x84: {  	s0 =	sshll.u32 @!p1 s0, $0x12;
	[tilespmem:v13+s28+$0x0] =	vst.idx.add.f32.msk $0xffff, v5  }
0x85: {  	s0 =	sor.u32 @!p1 s6, s0;
	[tilespmem:v19+s28+$0x0] =	vst.idx.add.f32.msk $0xffff, v5  }
0x86: {  	s30 =	simm.s32 $0x0;
	s31 =	simm.s32 $0x0;
	s0 =	sshrl.u32 @!p1 s0, $0x3;
	[tilespmem:v11+s28+$0x0] =	vst.idx.add.f32.msk $0xffff, v5  }
0x87: {  	s8 =	simm.s32 @!p1 $0x0;
	s12 =	simm.s32 $0x0;
	s0 =	sadd.s32 @!p1 s1, s0;
	[tilespmem:v10+s28+$0x0] =	vst.idx.add.f32.msk $0xffff, v5  }
0x88: {  	[tilespmem:s8], [sflag:$0x1] =	stream.linear.gather @!p1 [hbm4b:s0+s8], $0x4000, $0x38;
	[tilespmem:$0x19200] =	vst v63  }
0x89: {  	s10 =	sand.u32 $0x800, s12;
	s0 =	sand.u32 $0x3000, s30;
	_ =	swait.ge [sflag:s29], $0x4000  }
0x8a: {  	s8 =	sand.u32 $0x380, s31;
	s0 =	sor.u32 s10, s0;
	[sflag:s29] =	ssyncset.done $0x0  }
0x8b: {  	s15 =	sor.u32 s8, s0;
	[sflag:s29] =	ssyncadd.s32 $0xFFFFC000  }
0x8c: {  	v12 =	vld [tilespmem:s15+$0x4010]  }
0x8d: {  	v13 =	vld [tilespmem:s15+$0x4000]  }
0x8e: {  	v15 =	vld [tilespmem:s15+$0x4460]  }
0x8f: {  	v16 =	vld [tilespmem:s15+$0x4410]  }
0x90: {  	v10 =	vmov s14;
	v17 =	vld [tilespmem:s15+$0x4420]  }
0x91: {  	v11 =	vshll.u32 v10, $0x8;
	v10 =	vshll.u32 v10, $0x7;
	v19 =	vld [tilespmem:s15+$0x4430]  }
0x92: {  	v11 =	vand.u32 $0x1800, v11;
	v10 =	vand.u32 $0x380, v10;
	v23 =	vld [tilespmem:s15+$0x4440];
	v14 =	vshll.u32 v12, $0x3  }
0x93: {  	v12 =	vand.u32 $0x7F, v12;
	v24 =	vand.u32 $0x7F, v13;
	v13 =	vshll.u32 v13, $0x3  }
0x94: {  	v18 =	vshll.u32 v15, $0x3;
	v15 =	vand.u32 $0x7F, v15;
	v14 =	vand.u32 $0xFFFFFC00, v14  }
0x95: {  	v22 =	vshll.u32 v16, $0x3;
	v21 =	vand.u32 $0x7F, v16;
	v14 =	vadd.s32 v11, v14  }
0x96: {  	v16 =	vshll.u32 v17, $0x3;
	v17 =	vand.u32 $0x7F, v17;
	v12 =	vor.u32 v12, v14  }
0x97: {  	v32 =	vand.u32 $0x7F, v19;
	v28 =	vand.u32 $0x7F, v23;
	v14 =	vor.u32 v10, v12;
	v12 =	vld [tilespmem:s15+$0x4040]  }
0x98: {  	v13 =	vand.u32 $0xFFFFFC00, v13;
	v18 =	vand.u32 $0xFFFFFC00, v18;
	v16 =	vand.u32 $0xFFFFFC00, v16  }
0x99: {  	v25 =	vld [tilespmem:s15+$0x4450];
	v30 =	vand.u32 $0xFFFFFC00, v22;
	v18 =	vadd.s32 v11, v18;
	v13 =	vadd.s32 v11, v13  }
0x9a: {  	v26 =	vadd.s32 v11, v16;
	v20 =	vor.u32 v15, v18;
	v18 =	vshll.u32 v19, $0x3;
	v15 =	vld [tilespmem:s15+$0x4050]  }
0x9b: {  	v30 =	vadd.s32 v11, v30;
	v19 =	vshll.u32 v23, $0x3;
	v23 =	vld [tilespmem:s15+$0x4060];
	v16 =	vand.u32 $0xFFFFFC00, v18  }
0x9c: {  	v18 =	vld [tilespmem:s15+$0x4070];
	v31 =	vor.u32 v10, v20;
	v29 =	vadd.s32 v11, v16;
	v16 =	vshll.u32 v12, $0x3  }
0x9d: {  	v20 =	vld [tilespmem:s15+$0x4030];
	v22 =	vand.u32 $0xFFFFFC00, v16;
	v16 =	vor.u32 v24, v13;
	v13 =	vand.u32 $0xFFFFFC00, v19  }
0x9e: {  	v17 =	vor.u32 v17, v26;
	v26 =	vor.u32 v32, v29;
	v13 =	vadd.s32 v11, v13  }
0x9f: {  	v26 =	vor.u32 v10, v26;
	v24 =	vshll.u32 v25, $0x3;
	v13 =	vor.u32 v28, v13  }
0xa0: {  	v27 =	vshll.u32 v15, $0x3;
	v24 =	vand.u32 $0xFFFFFC00, v24;
	v29 =	vor.u32 v10, v13;
	v13 =	vld [tilespmem:s15+$0x4470]  }
0xa1: {  	v19 =	vshll.u32 v18, $0x3;
	v25 =	vand.u32 $0x7F, v25;
	v63 =	vadd.s32 v11, v24  }
0xa2: {  	s14 =	simm.s32 $0x0;
	[tilespmem:v31+s28+$0x0] =	vst.idx.add.f32.msk $0xffff, v5;
	v28 =	vshll.u32 v20, $0x3;
	v24 =	vand.u32 $0x7F, v23;
	v25 =	vor.u32 v25, v63  }
.LBB2_7:
0xa3: {  	s14 =	sadd.s32 $0x10, s14;
	v23 =	vshll.u32 v23, $0x3;
	v19 =	vand.u32 $0xFFFFFC00, v19;
	v31 =	vld [tilespmem:s15+$0x4400];
	v21 =	vor.u32 v21, v30;
	s12 =	sadd.s32 $0x800, s12  }
0xa4: {  	v18 =	vand.u32 $0x7F, v18;
	s0 =	sshll.u32 s14, $0x4;
	s8 =	sshll.u32 s14, $0x2;
	p1 =	slt.u32 s14, $0x3F0;
	v30 =	vld [tilespmem:s15+$0x4020];
	v32 =	vadd.s32 v11, v19;
	v19 =	vor.u32 v10, v21  }
0xa5: {  	s10 =	sand.u32 $0x800, s12;
	v21 =	vand.u32 $0xFFFFFC00, v27;
	v27 =	vshll.u32 v13, $0x3;
	s0 =	sand.u32 $0x3000, s0;
	s8 =	sand.u32 $0x380, s8;
	v18 =	vor.u32 v18, v32;
	[tilespmem:v29+s28+$0x0] =	vst.idx.add.f32.msk $0xffff, v5  }
0xa6: {  	v15 =	vand.u32 $0x7F, v15;
	v21 =	vadd.s32 v11, v21;
	s0 =	sor.u32 s10, s0;
	[tilespmem:v14+s28+$0x0] =	vst.idx.add.f32.msk $0xffff, v5;
	v14 =	vadd.s32 v11, v22  }
0xa7: {  	v20 =	vand.u32 $0x7F, v20;
	v22 =	vand.u32 $0xFFFFFC00, v28;
	v15 =	vor.u32 v15, v21;
	s15 =	sor.u32 s8, s0;
	[tilespmem:v26+s28+$0x0] =	vst.idx.add.f32.msk $0xffff, v5  }
0xa8: {  	v25 =	vor.u32 v10, v25;
	v21 =	vadd.s32 v11, v22;
	v22 =	vor.u32 v10, v15;
	v32 =	vld [tilespmem:s15+$0x4450]  }
0xa9: {  	v12 =	vand.u32 $0x7F, v12;
	v20 =	vor.u32 v20, v21;
	v26 =	vld [tilespmem:s15+$0x4440];
	v15 =	vshll.u32 v30, $0x3  }
0xaa: {  	v12 =	vor.u32 v12, v14;
	v20 =	vor.u32 v10, v20;
	v28 =	vld [tilespmem:s15+$0x4430];
	v15 =	vand.u32 $0xFFFFFC00, v15  }
0xab: {  	v29 =	vor.u32 v10, v12;
	v21 =	vand.u32 $0x7F, v30;
	v14 =	vld [tilespmem:s15+$0x4470];
	v15 =	vadd.s32 v11, v15  }
0xac: {  	v12 =	vld [tilespmem:s15+$0x4010];
	v15 =	vor.u32 v21, v15;
	v21 =	vand.u32 $0xFFFFFC00, v23;
	v23 =	vand.u32 $0xFFFFFC00, v27  }
0xad: {  	v13 =	vand.u32 $0x7F, v13;
	v27 =	vld [tilespmem:s15+$0x4420];
	v30 =	vor.u32 v10, v15;
	v15 =	vadd.s32 v11, v23  }
0xae: {  	v34 =	vor.u32 v10, v18;
	v21 =	vadd.s32 v11, v21;
	v33 =	vld [tilespmem:s15+$0x4000];
	v36 =	vor.u32 v13, v15  }
0xaf: {  	v17 =	vor.u32 v10, v17;
	v15 =	vor.u32 v24, v21;
	v18 =	vld [tilespmem:s15+$0x4460];
	v21 =	vor.u32 v10, v36  }
0xb0: {  	v16 =	vor.u32 v10, v16;
	v23 =	vshll.u32 v31, $0x3;
	v35 =	vor.u32 v10, v15;
	v24 =	vld [tilespmem:s15+$0x4410];
	v13 =	vmovc v14  }
0xb1: {  	v31 =	vand.u32 $0x7F, v31;
	v36 =	vand.u32 $0xFFFFFC00, v23;
	v14 =	vshll.u32 v12, $0x3;
	v15 =	vld [tilespmem:s15+$0x4050]  }
0xb2: {  	v36 =	vadd.s32 v11, v36;
	v37 =	vand.u32 $0x7F, v12;
	v12 =	vand.u32 $0xFFFFFC00, v14;
	v23 =	vld [tilespmem:s15+$0x4060]  }
0xb3: {  	v38 =	vand.u32 $0x7F, v33;
	v14 =	vshll.u32 v33, $0x3;
	v33 =	vadd.s32 v11, v12;
	v12 =	vld [tilespmem:s15+$0x4040]  }
0xb4: {  	v39 =	vand.u32 $0xFFFFFC00, v14;
	v14 =	vor.u32 v37, v33;
	v33 =	vshll.u32 v18, $0x3;
	[tilespmem:v20+s28+$0x0] =	vst.idx.add.f32.msk $0xffff, v5  }
0xb5: {  	v18 =	vand.u32 $0x7F, v18;
	v14 =	vor.u32 v10, v14;
	v20 =	vand.u32 $0xFFFFFC00, v33;
	[tilespmem:v22+s28+$0x0] =	vst.idx.add.f32.msk $0xffff, v5  }
0xb6: {  	v31 =	vor.u32 v31, v36;
	v22 =	vshll.u32 v24, $0x3;
	v20 =	vadd.s32 v11, v20;
	[tilespmem:v21+s28+$0x0] =	vst.idx.add.f32.msk $0xffff, v5  }
0xb7: {  	v21 =	vand.u32 $0x7F, v24;
	v24 =	vshll.u32 v27, $0x3;
	v33 =	vor.u32 v18, v20;
	[tilespmem:v35+s28+$0x0] =	vst.idx.add.f32.msk $0xffff, v5  }
0xb8: {  	v31 =	vor.u32 v10, v31;
	v18 =	vand.u32 $0xFFFFFC00, v24;
	v24 =	vshll.u32 v28, $0x3;
	v20 =	vld [tilespmem:s15+$0x4030]  }
0xb9: {  	v35 =	vadd.s32 v11, v39;
	v36 =	vadd.s32 v11, v18;
	v24 =	vand.u32 $0xFFFFFC00, v24;
	[tilespmem:v16+s28+$0x0] =	vst.idx.add.f32.msk $0xffff, v5  }
0xba: {  	v37 =	vand.u32 $0x7F, v27;
	v33 =	vor.u32 v10, v33;
	v24 =	vadd.s32 v11, v24;
	v18 =	vld [tilespmem:s15+$0x4070]  }
0xbb: {  	v40 =	vand.u32 $0x7F, v28;
	v39 =	vand.u32 $0xFFFFFC00, v22;
	v16 =	vshll.u32 v12, $0x3;
	[tilespmem:v29+s28+$0x0] =	vst.idx.add.f32.msk $0xffff, v5  }
0xbc: {  	v28 =	vand.u32 $0x7F, v26;
	v26 =	vshll.u32 v26, $0x3;
	v22 =	vand.u32 $0xFFFFFC00, v16;
	[tilespmem:v17+s28+$0x0] =	vst.idx.add.f32.msk $0xffff, v5  }
0xbd: {  	v26 =	vand.u32 $0xFFFFFC00, v26;
	v16 =	vor.u32 v38, v35;
	v29 =	vshll.u32 v32, $0x3;
	[tilespmem:v30+s28+$0x0] =	vst.idx.add.f32.msk $0xffff, v5  }
.Ltmp2:
0xbe: {  	v27 =	vshll.u32 v15, $0x3;
	v26 =	vadd.s32 v11, v26;
	v17 =	vor.u32 v37, v36;
	[tilespmem:v19+s28+$0x0] =	vst.idx.add.f32.msk $0xffff, v5;
	(pc) =	sbr.rel @p1 .LBB2_7-.Ltmp2, $4  }
0xbf: {  	v26 =	vor.u32 v28, v26;
	v30 =	vand.u32 $0xFFFFFC00, v29;
	v19 =	vshll.u32 v18, $0x3;
	[tilespmem:v25+s28+$0x0] =	vst.idx.add.f32.msk $0xffff, v5  }
0xc0: {  	v24 =	vor.u32 v40, v24;
	v28 =	vshll.u32 v20, $0x3;
	v29 =	vor.u32 v10, v26;
	[tilespmem:v31+s28+$0x0] =	vst.idx.add.f32.msk $0xffff, v5  }
0xc1: {  	v26 =	vor.u32 v10, v24;
	v25 =	vand.u32 $0x7F, v32;
	v31 =	vadd.s32 v11, v30;
	[tilespmem:v34+s28+$0x0] =	vst.idx.add.f32.msk $0xffff, v5  }
0xc2: {  	v24 =	vand.u32 $0x7F, v23;
	v30 =	vadd.s32 v11, v39;
	v25 =	vor.u32 v25, v31;
	[tilespmem:v33+s28+$0x0] =	vst.idx.add.f32.msk $0xffff, v5  }
0xc3: {  	_ = 	snop  }
0xc4: {  	v23 =	vshll.u32 v23, $0x3;
	v19 =	vand.u32 $0xFFFFFC00, v19  }
0xc5: {  	v21 =	vor.u32 v21, v30;
	v27 =	vand.u32 $0xFFFFFC00, v27;
	v28 =	vand.u32 $0xFFFFFC00, v28  }
0xc6: {  	v52 =	vshll.u32 v13, $0x3;
	v20 =	vand.u32 $0x7F, v20;
	v31 =	vld [tilespmem:s15+$0x4020];
	v15 =	vand.u32 $0x7F, v15  }
0xc7: {  	[tilespmem:v29+s28+$0x0] =	vst.idx.add.f32.msk $0xffff, v5;
	v54 =	vand.u32 $0x7F, v13;
	v22 =	vadd.s32 v11, v22;
	v12 =	vand.u32 $0x7F, v12  }
0xc8: {  	v55 =	vld [tilespmem:s15+$0x4400];
	v16 =	vor.u32 v10, v16;
	v17 =	vor.u32 v10, v17;
	v63 =	vor.u32 v10, v25  }
0xc9: {  	[tilespmem:v14+s28+$0x0] =	vst.idx.add.f32.msk $0xffff, v5;
	v28 =	vadd.s32 v11, v28;
	v27 =	vadd.s32 v11, v27;
	v53 =	vand.u32 $0xFFFFFC00, v52  }
0xca: {  	[tilespmem:v26+s28+$0x0] =	vst.idx.add.f32.msk $0xffff, v5;
	v23 =	vand.u32 $0xFFFFFC00, v23;
	v12 =	vor.u32 v12, v22;
	v59 =	vadd.s32 v11, v19  }
0xcb: {  	v61 =	vor.u32 v10, v21;
	v20 =	vor.u32 v20, v28;
	v15 =	vor.u32 v15, v27  }
0xcc: {  	v27 =	vadd.s32 v11, v53;
	v23 =	vadd.s32 v11, v23;
	v12 =	vor.u32 v10, v12  }
0xcd: {  	v20 =	vor.u32 v10, v20;
	v15 =	vor.u32 v10, v15;
	v13 =	vor.u32 v54, v27  }
0xce: {  	v23 =	vor.u32 v24, v23;
	v13 =	vor.u32 v10, v13;
	v56 =	vshll.u32 v31, $0x3;
	[tilespmem:v16+s28+$0x0] =	vst.idx.add.f32.msk $0xffff, v5  }
0xcf: {  	v23 =	vor.u32 v10, v23;
	v58 =	vshll.u32 v55, $0x3;
	[tilespmem:v17+s28+$0x0] =	vst.idx.add.f32.msk $0xffff, v5;
	v14 =	vand.u32 $0xFFFFFC00, v56  }
0xd0: {  	v57 =	vand.u32 $0x7F, v31;
	[tilespmem:v63+s28+$0x0] =	vst.idx.add.f32.msk $0xffff, v5;
	v60 =	vand.u32 $0xFFFFFC00, v58;
	v14 =	vadd.s32 v11, v14  }
0xd1: {  	v62 =	vand.u32 $0x7F, v55;
	[tilespmem:v61+s28+$0x0] =	vst.idx.add.f32.msk $0xffff, v5;
	v11 =	vadd.s32 v11, v60;
	v14 =	vor.u32 v57, v14  }
0xd2: {  	v18 =	vand.u32 $0x7F, v18;
	[tilespmem:v12+s28+$0x0] =	vst.idx.add.f32.msk $0xffff, v5;
	v11 =	vor.u32 v62, v11;
	v14 =	vor.u32 v10, v14  }
0xd3: {  	s21 =	sadd.s32 $0x1, s21;
	[tilespmem:v15+s28+$0x0] =	vst.idx.add.f32.msk $0xffff, v5;
	v15 =	vor.u32 v18, v59;
	v11 =	vor.u32 v10, v11  }
0xd4: {  	p1 =	sne.s32 s21, $0xC;
	[tilespmem:v20+s28+$0x0] =	vst.idx.add.f32.msk $0xffff, v5;
	v10 =	vor.u32 v10, v15  }
.Ltmp3:
0xd5: {  	[tilespmem:v13+s28+$0x0] =	vst.idx.add.f32.msk $0xffff, v5;
	(pc) =	sbr.rel @p1 .LBB2_4-.Ltmp3, $4  }
0xd6: {  	[tilespmem:v23+s28+$0x0] =	vst.idx.add.f32.msk $0xffff, v5  }
0xd7: {  	[tilespmem:v14+s28+$0x0] =	vst.idx.add.f32.msk $0xffff, v5  }
0xd8: {  	[tilespmem:v11+s28+$0x0] =	vst.idx.add.f32.msk $0xffff, v5  }
0xd9: {  	[tilespmem:v10+s28+$0x0] =	vst.idx.add.f32.msk $0xffff, v5  }
0xda: {  	s0 =	rddreg [dreg:$0x7]  }
0xdb: {  	[spmem:s0] =	stream.linear.scatter [tilespmem:s28], [sflag:$0x7], $0x1800, $0x38;
	[tilespmem:$0x19200] =	vst v63  }
0xdc: {  	_ =	swait.ge [sflag:s22], $0x1800  }
0xdd: {  	[sflag:s22] =	ssyncset.done $0x0  }
0xde: {  	[sflag:s22] =	ssyncadd.s32 $0xFFFFE800  }
0xdf: {  	s8 =	simm.s32 $0x80;
	[bflag:$0x0] =	sbarrier.arrive $0xFFFF  }
0xe0: {  	s10 =	simm.s32 $0x1800;
	s11 =	simm.s32 $0x11800;
	s19 =	rddreg [dreg:$0x8]  }
0xe1: {  	[tilespmem:s11], [sflag:$0x7] =	stream.strided.gather [spmem:s19], $0x400, s10, s8, $0x38;
	[tilespmem:$0x19200] =	vst v63  }
0xe2: {  	s21 =	simm.s32 $0x11C00;
	s20 =	rddreg [dreg:$0xe]  }
0xe3: {  	[tilespmem:s21], [sflag:$0x7] =	stream.strided.gather [spmem:s20], $0x400, s10, s8, $0x38;
	[tilespmem:$0x19200] =	vst v63  }
0xe4: {  	s14 =	simm.s32 $0x12000;
	s12 =	rddreg [dreg:$0xf]  }
0xe5: {  	[tilespmem:s14], [sflag:$0x7] =	stream.strided.gather [spmem:s12], $0x400, s10, s8, $0x38;
	[tilespmem:$0x19200] =	vst v63  }
0xe6: {  	s18 =	simm.s32 $0x12400;
	s15 =	rddreg [dreg:$0x10];
	s11 =	simm.s32 $0x0  }
0xe7: {  	[tilespmem:s18], [sflag:$0x7] =	stream.strided.gather [spmem:s15], $0x400, s10, s8, $0x38;
	[tilespmem:$0x19200] =	vst v63  }
0xe8: {  	s0 =	sand.u32 $0x400, s11;
	s8 =	sand.u32 $0x60, s11;
	_ =	swait.ge [sflag:s22], $0x1000  }
0xe9: {  	s19 =	sor.u32 $0x11800, s0;
	s18 =	sor.u32 $0x10, s8;
	[sflag:s22] =	ssyncset.done $0x0  }
0xea: {  	s12 =	sor.u32 s18, s19;
	[sflag:s22] =	ssyncadd.s32 $0xFFFFF000  }
0xeb: {  	v10 =	vld [tilespmem:s12+$0x0]  }
0xec: {  	s10 =	sor.u32 s8, s19;
	v11 =	vld [tilespmem:s12+$0x80]  }
0xed: {  	v12 =	vld [tilespmem:s10+$0x0]  }
0xee: {  	v13 =	vld [tilespmem:s12+$0x100]  }
0xef: {  	v14 =	vld [tilespmem:s10+$0x80]  }
0xf0: {  	v15 =	vld [tilespmem:s12+$0x180]  }
0xf1: {  	v16 =	vld [tilespmem:s10+$0x100]  }
0xf2: {  	v17 =	vld [tilespmem:s12+$0x200]  }
0xf3: {  	v18 =	vld [tilespmem:s10+$0x180]  }
0xf4: {  	v19 =	vld [tilespmem:s12+$0x280]  }
0xf5: {  	v20 =	vld [tilespmem:s10+$0x200]  }
0xf6: {  	v21 =	vld [tilespmem:s12+$0x300]  }
0xf7: {  	v22 =	vld [tilespmem:s10+$0x280]  }
0xf8: {  	s15 =	sor.u32 $0x12000, s0;
	v23 =	vld [tilespmem:s12+$0x380]  }
0xf9: {  	s20 =	sor.u32 s18, s15;
	v24 =	vld [tilespmem:s10+$0x300]  }
0xfa: {  	s19 =	sor.u32 $0x12080, s0;
	v25 =	vld [tilespmem:s20+$0x0]  }
0xfb: {  	s21 =	sor.u32 s18, s19;
	v26 =	vld [tilespmem:s10+$0x380]  }
0xfc: {  	s14 =	sor.u32 $0x12100, s0;
	s22 =	sor.u32 s8, s15;
	v27 =	vld [tilespmem:s21+$0x0]  }
0xfd: {  	v28 =	vld [tilespmem:s22+$0x0];
	s20 =	sor.u32 s18, s14  }
0xfe: {  	s21 =	sor.u32 s8, s19;
	v29 =	vld [tilespmem:s20+$0x0]  }
0xff: {  	s22 =	sor.u32 $0x12180, s0;
	s14 =	sor.u32 s8, s14;
	v30 =	vld [tilespmem:s21+$0x0]  }
0x100: {  	s15 =	sor.u32 $0x12200, s0;
	s12 =	sor.u32 s18, s22;
	v32 =	vld [tilespmem:s14+$0x0]  }
0x101: {  	s20 =	sor.u32 s18, s15;
	v31 =	vld [tilespmem:s12+$0x0]  }
0x102: {  	s21 =	sor.u32 s8, s22;
	s22 =	sor.u32 $0x12280, s0;
	v33 =	vld [tilespmem:s20+$0x0]  }
0x103: {  	v34 =	vld [tilespmem:s21+$0x0];
	s14 =	sor.u32 s18, s22  }
0x104: {  	s20 =	sor.u32 s8, s15;
	v35 =	vld [tilespmem:s14+$0x0]  }
0x105: {  	s15 =	sor.u32 $0x12300, s0;
	s22 =	sor.u32 s8, s22;
	v36 =	vld [tilespmem:s20+$0x0]  }
0x106: {  	s21 =	sor.u32 s18, s15;
	s14 =	sor.u32 $0x12380, s0;
	v38 =	vld [tilespmem:s22+$0x0]  }
0x107: {  	s12 =	simm.s32 $0x20;
	s22 =	simm.s32 $0x100;
	v37 =	vld [tilespmem:s21+$0x0];
	s20 =	sor.u32 s18, s14  }
0x108: {  	s15 =	sor.u32 s8, s15;
	s21 =	sand.u32 $0x60, s12;
	s0 =	sand.u32 $0x400, s22;
	v10 =	vadd.f32 v11, v10;
	v11 =	vadd.f32 v14, v12;
	v12 =	vld [tilespmem:s20+$0x0]  }
0x109: {  	s8 =	sor.u32 s8, s14;
	s14 =	sor.u32 $0x11800, s0;
	s20 =	sor.u32 $0x10, s21;
	v14 =	vld [tilespmem:s15+$0x0]  }
0x10a: {  	s19 =	sor.u32 s20, s14;
	v10 =	vadd.f32 v13, v10;
	v13 =	vld [tilespmem:s8+$0x0]  }
0x10b: {  	v11 =	vadd.f32 v16, v11;
	v16 =	vld [tilespmem:s19+$0x0]  }
0x10c: {  	s22 =	sor.u32 s21, s14;
	v10 =	vadd.f32 v15, v10;
	v15 =	vld [tilespmem:s19+$0x80]  }
0x10d: {  	v54 =	vld [tilespmem:s22+$0x80];
	v11 =	vadd.f32 v18, v11  }
0x10e: {  	v10 =	vadd.f32 v17, v10;
	v17 =	vld [tilespmem:s19+$0x100]  }
0x10f: {  	v18 =	vld [tilespmem:s22+$0x0];
	v11 =	vadd.f32 v20, v11  }
0x110: {  	v10 =	vadd.f32 v19, v10;
	v19 =	vld [tilespmem:s19+$0x180]  }
0x111: {  	v11 =	vadd.f32 v22, v11;
	v15 =	vadd.f32 v15, v16;
	v16 =	vld [tilespmem:s22+$0x100]  }
0x112: {  	v55 =	vld [tilespmem:s19+$0x200];
	v10 =	vadd.f32 v21, v10  }
0x113: {  	v11 =	vadd.f32 v24, v11;
	v15 =	vadd.f32 v17, v15;
	v17 =	vld [tilespmem:s22+$0x180]  }
0x114: {  	v56 =	vld [tilespmem:s19+$0x280];
	v18 =	vadd.f32 v54, v18;
	v10 =	vadd.f32 v23, v10  }
0x115: {  	v11 =	vadd.f32 v26, v11;
	v15 =	vadd.f32 v19, v15;
	v19 =	vld [tilespmem:s22+$0x200]  }
0x116: {  	v57 =	vld [tilespmem:s19+$0x300];
	v10 =	vadd.f32 v25, v10;
	v16 =	vadd.f32 v16, v18  }
0x117: {  	v11 =	vadd.f32 v28, v11;
	v18 =	vld [tilespmem:s22+$0x280];
	v15 =	vadd.f32 v55, v15  }
0x118: {  	s10 =	sor.u32 $0x12000, s0;
	v58 =	vld [tilespmem:s19+$0x380];
	v10 =	vadd.f32 v27, v10;
	v16 =	vadd.f32 v17, v16  }
0x119: {  	s14 =	sor.u32 s20, s10;
	v11 =	vadd.f32 v30, v11;
	v17 =	vld [tilespmem:s22+$0x300];
	v15 =	vadd.f32 v56, v15  }
0x11a: {  	v59 =	vld [tilespmem:s14+$0x0];
	s19 =	sor.u32 $0x12080, s0;
	v10 =	vadd.f32 v29, v10;
	v16 =	vadd.f32 v19, v16  }
0x11b: {  	v11 =	vadd.f32 v32, v11;
	v19 =	vld [tilespmem:s22+$0x380];
	s22 =	sor.u32 s20, s19;
	v15 =	vadd.f32 v57, v15  }
0x11c: {  	s15 =	sor.u32 $0x12100, s0;
	s10 =	sor.u32 s21, s10;
	v60 =	vld [tilespmem:s22+$0x0];
	v10 =	vadd.f32 v31, v10;
	v16 =	vadd.f32 v18, v16  }
0x11d: {  	s14 =	sor.u32 s20, s15;
	v11 =	vadd.f32 v34, v11;
	v18 =	vld [tilespmem:s10+$0x0];
	v15 =	vadd.f32 v58, v15  }
0x11e: {  	v61 =	vld [tilespmem:s14+$0x0];
	s22 =	sor.u32 s21, s19;
	s19 =	sor.u32 $0x12180, s0;
	v10 =	vadd.f32 v33, v10;
	v16 =	vadd.f32 v17, v16  }
0x11f: {  	s14 =	sor.u32 s20, s19;
	v11 =	vadd.f32 v36, v11;
	v17 =	vld [tilespmem:s22+$0x0];
	v15 =	vadd.f32 v59, v15  }
0x120: {  	s15 =	sor.u32 s21, s15;
	v62 =	vld [tilespmem:s14+$0x0];
	s22 =	sor.u32 $0x12200, s0;
	v10 =	vadd.f32 v35, v10;
	v16 =	vadd.f32 v19, v16  }
0x121: {  	s10 =	sor.u32 s20, s22;
	v11 =	vadd.f32 v38, v11;
	v19 =	vld [tilespmem:s15+$0x0];
	v15 =	vadd.f32 v60, v15  }
0x122: {  	s30 =	sor.u32 $0x12280, s0;
	s14 =	sor.u32 s21, s19;
	v63 =	vld [tilespmem:s10+$0x0];
	v10 =	vadd.f32 v37, v10;
	v16 =	vadd.f32 v18, v16  }
0x123: {  	s31 =	simm.s32 $0x40;
	s8 =	simm.s32 $0x2;
	s19 =	sor.u32 s20, s30;
	v14 =	vadd.f32 v14, v11;
	v11 =	vld [tilespmem:s14+$0x0];
	v15 =	vadd.f32 v61, v15  }
0x124: {  	s22 =	sor.u32 s21, s22;
	s14 =	sand.u32 $0x80, s11;
	s11 =	sor.u32 $0x12300, s0;
	v18 =	vadd.f32 v12, v10;
	v10 =	vld [tilespmem:s19+$0x0];
	v16 =	vadd.f32 v17, v16  }
0x125: {  	s15 =	simm.s32 $0x12800;
	s18 =	sor.u32 s18, s14;
	s14 =	sor.u32 s20, s11;
	v14 =	vadd.f32 v13, v14;
	v12 =	vld [tilespmem:s22+$0x0];
	v15 =	vadd.f32 v62, v15  }
0x126: {  	s10 =	simm.s32 $0x200;
	s19 =	sor.u32 $0x12380, s0;
	v13 =	vld [tilespmem:s14+$0x0];
	[tilespmem:s18+$0x12800] =	vst v18;
	s18 =	sor.u32 s21, s30;
	v16 =	vadd.f32 v19, v16  }
0x127: {  	s22 =	sor.u32 s20, s19;
	s30 =	sor.u32 s21, s11;
	[tilespmem:s15+$0x0] =	vst v14;
	v14 =	vld [tilespmem:s18+$0x0];
	v15 =	vadd.f32 v63, v15;
	s18 =	simm.s32 $0x12800  }
.LBB2_10:
0x128: {  	s0 =	sand.u32 $0x400, s10;
	v11 =	vadd.f32 v11, v16;
	s19 =	sor.u32 s21, s19;
	s21 =	sand.u32 $0x60, s31;
	v16 =	vld [tilespmem:s22+$0x0]  }
0x129: {  	s8 =	sadd.s32 $0x2, s8;
	s22 =	sor.u32 $0x11800, s0;
	s11 =	sor.u32 $0x10, s21;
	v17 =	vld [tilespmem:s30+$0x0];
	v10 =	vadd.f32 v10, v15  }
0x12a: {  	p1 =	slt.u32 s8, $0xE;
	s30 =	sor.u32 s21, s22;
	s22 =	sor.u32 s11, s22;
	v11 =	vadd.f32 v12, v11;
	v12 =	vld [tilespmem:s19+$0x0]  }
0x12b: {  	v15 =	vld [tilespmem:s22+$0x0];
	v10 =	vadd.f32 v13, v10  }
0x12c: {  	v13 =	vld [tilespmem:s22+$0x80];
	v11 =	vadd.f32 v14, v11  }
0x12d: {  	s19 =	sand.u32 $0x80, s12;
	s12 =	smov.u32 s31;
	v14 =	vld [tilespmem:s30+$0x0];
	v10 =	vadd.f32 v16, v10  }
0x12e: {  	s19 =	sor.u32 s20, s19;
	s20 =	smov.u32 s11;
	v16 =	vld [tilespmem:s22+$0x100];
	v11 =	vadd.f32 v17, v11  }
0x12f: {  	v17 =	vld [tilespmem:s30+$0x80];
	[tilespmem:s19+$0x12800] =	vst v10  }
0x130: {  	v10 =	vld [tilespmem:s22+$0x180];
	v11 =	vadd.f32 v12, v11  }
0x131: {  	s18 =	sadd.s32 $0x20, s18;
	v12 =	vld [tilespmem:s30+$0x100];
	v13 =	vadd.f32 v13, v15  }
0x132: {  	v15 =	vld [tilespmem:s22+$0x200];
	[tilespmem:s18+$0x0] =	vst v11  }
0x133: {  	v11 =	vld [tilespmem:s30+$0x180];
	v13 =	vadd.f32 v16, v13  }
0x134: {  	v14 =	vadd.f32 v17, v14;
	v16 =	vld [tilespmem:s22+$0x280]  }
0x135: {  	v17 =	vld [tilespmem:s30+$0x200];
	v10 =	vadd.f32 v10, v13  }
0x136: {  	v12 =	vadd.f32 v12, v14;
	v13 =	vld [tilespmem:s22+$0x300]  }
0x137: {  	v14 =	vld [tilespmem:s30+$0x280];
	v10 =	vadd.f32 v15, v10  }
0x138: {  	s11 =	sor.u32 $0x12000, s0;
	v11 =	vadd.f32 v11, v12;
	v12 =	vld [tilespmem:s22+$0x380]  }
0x139: {  	s19 =	sor.u32 s21, s11;
	s11 =	sor.u32 s20, s11;
	v15 =	vld [tilespmem:s30+$0x300];
	v10 =	vadd.f32 v16, v10  }
0x13a: {  	s22 =	sor.u32 $0x12080, s0;
	v11 =	vadd.f32 v17, v11;
	v16 =	vld [tilespmem:s11+$0x0]  }
0x13b: {  	s11 =	sor.u32 s21, s22;
	s22 =	sor.u32 s20, s22;
	v17 =	vld [tilespmem:s30+$0x380];
	v10 =	vadd.f32 v13, v10  }
0x13c: {  	s30 =	sor.u32 $0x12100, s0;
	v11 =	vadd.f32 v14, v11;
	v13 =	vld [tilespmem:s22+$0x0]  }
0x13d: {  	s22 =	sor.u32 s20, s30;
	v14 =	vld [tilespmem:s19+$0x0];
	s19 =	sor.u32 s21, s30;
	v10 =	vadd.f32 v12, v10  }
0x13e: {  	s30 =	sor.u32 $0x12180, s0;
	v11 =	vadd.f32 v15, v11;
	v12 =	vld [tilespmem:s22+$0x0]  }
0x13f: {  	s22 =	sor.u32 s20, s30;
	v15 =	vld [tilespmem:s11+$0x0];
	s11 =	sor.u32 s21, s30;
	v10 =	vadd.f32 v16, v10  }
0x140: {  	s30 =	sor.u32 $0x12200, s0;
	v11 =	vadd.f32 v17, v11;
	v16 =	vld [tilespmem:s22+$0x0]  }
0x141: {  	s22 =	sor.u32 s20, s30;
	v17 =	vld [tilespmem:s19+$0x0];
	s19 =	sor.u32 s21, s30;
	v10 =	vadd.f32 v13, v10  }
0x142: {  	s30 =	sor.u32 $0x12280, s0;
	v13 =	vadd.f32 v14, v11;
	v18 =	vld [tilespmem:s22+$0x0]  }
.Ltmp4:
0x143: {  	s22 =	sor.u32 s20, s30;
	v11 =	vld [tilespmem:s11+$0x0];
	s11 =	sor.u32 s21, s30;
	v14 =	vadd.f32 v12, v10;
	(pc) =	sbr.rel @p1 .LBB2_10-.Ltmp4, $4  }
0x144: {  	s14 =	sor.u32 $0x12300, s0;
	v13 =	vadd.f32 v15, v13;
	v10 =	vld [tilespmem:s22+$0x0]  }
0x145: {  	s30 =	sor.u32 s21, s14;
	s14 =	sor.u32 s20, s14;
	v12 =	vld [tilespmem:s19+$0x0];
	v15 =	vadd.f32 v16, v14  }
0x146: {  	s19 =	sor.u32 $0x12380, s0;
	v16 =	vadd.f32 v17, v13;
	v13 =	vld [tilespmem:s14+$0x0]  }
0x147: {  	s10 =	sadd.s32 $0x100, s10;
	s31 =	sadd.s32 $0x20, s31;
	s22 =	sor.u32 s20, s19;
	v14 =	vld [tilespmem:s11+$0x0];
	v15 =	vadd.f32 v18, v15  }
0x148: {  	v11 =	vadd.f32 v11, v16  }
0x149: {  	v62 =	vld [tilespmem:s30+$0x0]  }
0x14a: {  	s0 =	sor.u32 s21, s19;
	v17 =	vld [tilespmem:s22+$0x0];
	v11 =	vadd.f32 v12, v11  }
0x14b: {  	v10 =	vadd.f32 v10, v15;
	v63 =	vld [tilespmem:s0+$0x0]  }
0x14c: {  	v11 =	vadd.f32 v14, v11  }
0x14d: {  	v10 =	vadd.f32 v13, v10  }
0x14e: {  	v11 =	vadd.f32 v62, v11  }
0x14f: {  	s19 =	sand.u32 $0x80, s12;
	v10 =	vadd.f32 v17, v10  }
0x150: {  	s0 =	sor.u32 s20, s19;
	v11 =	vadd.f32 v63, v11  }
0x151: {  	s10 =	sadd.s32 $0x20, s18;
	[tilespmem:s0+$0x12800] =	vst v10  }
0x152: {  	[tilespmem:s10+$0x0] =	vst v11  }
0x153: {  	v10 =	vld [tilespmem:s15+$0x0];
	_ =	sdelay $0x3  }
0x154: {  	s21 =	simm.s32 $0x0  }
0x155: {  	v11 =	vor.u32 s21, v7;
	vm0 =	vgt.f32 v10, $0.0e+00  }
0x156: {  	v11 =	vnsel vm0, $0x7FFFFFFF, v11  }
0x157: {  	(xrf0) =	vmax.scan.msk.u32 $0xffff, v11;
	_ =	sdelay $0x1  }
0x158: {  	(xrf2) =	vadd.scan.msk.f32 $0xffff, v10;
	_ =	sdelay $0x3  }
0x159: {  	v10, _, _ =	vpop (xrf0)  }
0x15a: {  	(v2sf) =	vpush v10, $0xF;
	_ =	sdelay $0x4  }
0x15b: {  	s8 =	simm.f32 $0.0e+00;
	v10, _, _ =	vpop (xrf2)  }
0x15c: {  	v10 =	vadd.f32 s8, v10  }
0x15d: {  	s0 =	simm.s32 $0x12900  }
0x15e: {  	s8 =	simm.s32 $0x12810;
	[tilespmem:s0+$0x0] =	vst v10;
	(xrf0) =	vmax.scan.msk.f32 $0xffff, v10  }
0x15f: {  	v10 =	vld [tilespmem:s8+$0x0];
	_ =	sdelay $0x4  }
0x160: {  	vm15 =	vgt.f32 v10, $0.0e+00;
	(xrf2) =	vadd.scan.msk.f32 $0xffff, v10;
	v10, _, _ =	vpop (xrf0)  }
0x161: {  	s11 =	spop (v2sf);
	(v2sf) =	vpush v10, $0xF;
	_ =	sdelay $0x3  }
0x162: {  	s22 =	simm.s32 $0x10  }
0x163: {  	v11 =	vor.u32 s22, v7  }
0x164: {  	v11 =	vnsel vm15, $0x7FFFFFFF, v11  }
0x165: {  	(xrf0) =	vmax.scan.msk.u32 $0xffff, v11  }
0x166: {  	s18 =	simm.s32 $0xFFFFFFFF;
	s14 =	simm.s32 $0x30;
	s12 =	sxor.u32 $0x80000000, s11  }
0x167: {  	s30 =	simm.s32 $0x8000;
	s31 =	simm.s32 $0xC000;
	p1 =	slt.s32 s12, $0xFFFFFFFF  }
0x168: {  	s10 =	simm.s32 $0x20;
	s22 =	simm.s32 $0x7;
	s12 =	smov.u32 @p1 s18  }
.LBB2_12:
0x169: {  	s11 =	smov.u32 s12  }
0x16a: {  	p1 =	seq.s32 s14, $0xF0  }
0x16b: {  	v10, _, _ =	vpop (xrf0)  }
0x16c: {  	(v2sf) =	vpush v10, $0xF  }
0x16d: {  	v10, _, _ =	vpop (xrf2);
	s12 =	spop (v2sf)  }
0x16e: {  	v10 =	vadd.f32 s12, v10  }
0x16f: {  	s0 =	sadd.s32 $0x10, s0  }
0x170: {  	[tilespmem:s0+$0x0] =	vst v10;
	(xrf0) =	vmax.scan.msk.f32 $0xffff, v10;
	_ =	sdelay $0x5  }
0x171: {  	s8 =	sadd.s32 $0x10, s8;
	v10, _, _ =	vpop (xrf0)  }
0x172: {  	v11 =	vld [tilespmem:s8+$0x0];
	(v2sf) =	vpush v10, $0xF;
	_ =	sdelay $0x3  }
0x173: {  	s12 =	spop (v2sf)  }
0x174: {  	v10 =	vor.u32 s10, v7;
	s10 =	smov.u32 s14;
	vm0 =	vgt.f32 v11, $0.0e+00;
	(xrf2) =	vadd.scan.msk.f32 $0xffff, v11;
	s12 =	sxor.u32 $0x80000000, s12  }
0x175: {  	v10 =	vnsel vm0, $0x7FFFFFFF, v10;
	p2 =	sgt.s32 s11, s12  }
.Ltmp5:
0x176: {  	(xrf0) =	vmax.scan.msk.u32 $0xffff, v10;
	s12 =	smov.u32 @p2 s11;
	(pc) =	sbr.rel @!p1 .LBB2_12-.Ltmp5, $2  }
0x177: {  	_ =	sdelay $0x2  }
0x178: {  	s14 =	sadd.s32 $0x10, s14  }
0x179: {  	_ =	sdelay $0x2  }
0x17a: {  	v10, _, _ =	vpop (xrf2);
	s11 =	spop (v2sf)  }
0x17b: {  	v10 =	vadd.f32 s11, v10;
	_ =	sdelay $0x1  }
0x17c: {  	(xrf0) =	vmax.scan.msk.f32 $0xffff, v10;
	_ =	sdelay $0x4  }
0x17d: {  	s0 =	sadd.s32 $0x10, s0;
	v11, _, _ =	vpop (xrf0)  }
0x17e: {  	(v2sf) =	vpush v11, $0xF;
	[tilespmem:s0+$0x0] =	vst v10;
	v10, _, _ =	vpop (xrf0)  }
0x17f: {  	s8 =	sadd.s32 $0x10, s8;
	(v2sf) =	vpush v10, $0xF  }
0x180: {  	v11 =	vld [tilespmem:s8+$0x0];
	_ =	sdelay $0x4  }
0x181: {  	vm0 =	vgt.f32 v11, $0.0e+00;
	v10 =	vor.u32 s10, v7  }
0x182: {  	v10 =	vnsel vm0, $0x7FFFFFFF, v10  }
0x183: {  	(xrf0) =	vmax.scan.msk.u32 $0xffff, v10;
	_ =	sdelay $0x2  }
0x184: {  	(xrf2) =	vadd.scan.msk.f32 $0xffff, v11;
	_ =	sdelay $0x2  }
0x185: {  	s14 =	spop (v2sf);
	v11, _, _ =	vpop (xrf0)  }
0x186: {  	s15 =	spop (v2sf);
	(v2sf) =	vpush v11, $0xF;
	_ =	sdelay $0x5  }
0x187: {  	v10, _, _ =	vpop (xrf2)  }
0x188: {  	v10 =	vadd.f32 s15, v10;
	_ =	sdelay $0x1  }
0x189: {  	(xrf0) =	vmax.scan.msk.f32 $0xffff, v10;
	_ =	sdelay $0x4  }
0x18a: {  	s0 =	sadd.s32 $0x10, s0;
	s10 =	sxor.u32 $0x80000000, s14  }
0x18b: {  	s20 =	simm.s32 $0x12800;
	p1 =	sgt.s32 s12, s10;
	[tilespmem:s0+$0x0] =	vst v10;
	v11, _, _ =	vpop (xrf0);
	s18 =	spop (v2sf)  }
0x18c: {  	s10 =	smov.u32 @p1 s12;
	(v2sf) =	vpush v11, $0xF;
	v11 =	vld [tilespmem:s20+$0x0];
	s8 =	sxor.u32 $0x80000000, s18  }
0x18d: {  	s21 =	simm.s32 $0x12810;
	p1 =	sgt.s32 s10, s8  }
0x18e: {  	s19 =	simm.s32 $0x0;
	s12 =	simm.s32 $0x12820;
	v12 =	vld [tilespmem:s21+$0x0];
	s8 =	smov.u32 @p1 s10  }
0x18f: {  	v14 =	vor.u32 s19, v1;
	v13 =	vld [tilespmem:s12+$0x0];
	v10 =	vmov s8  }
0x190: {  	s14 =	simm.s32 $0x10;
	vm11 =	veq.s32 v14, v10  }
0x191: {  	v56 =	vor.u32 s14, v1;
	s15 =	simm.s32 $0x20;
	v11 =	vnsel vm11, $0x0, v11  }
0x192: {  	v57 =	vor.u32 s15, v1;
	vm12 =	veq.s32 v56, v10;
	(xrf2) =	vadd.scan.msk.f32 $0xffff, v11  }
0x193: {  	vm13 =	veq.s32 v57, v10;
	v11 =	vnsel vm12, $0x0, v12  }
0x194: {  	(xrf2) =	vadd.scan.msk.f32 $0xffff, v11;
	v11 =	vnsel vm13, $0x0, v13  }
0x195: {  	(xrf2) =	vadd.scan.msk.f32 $0xffff, v11;
	_ =	sdelay $0x6  }
0x196: {  	v59, _, _ =	vpop (xrf2)  }
0x197: {  	s18 =	simm.s32 $0x12830;
	(v2sf) =	vpush v59, $0xF  }
0x198: {  	v11 =	vld [tilespmem:s18+$0x0];
	v61, _, _ =	vpop (xrf2)  }
0x199: {  	(v2sf) =	vpush v61, $0xF;
	v63, _, _ =	vpop (xrf2)  }
0x19a: {  	s20 =	simm.s32 $0x30;
	s0 =	spop (v2sf);
	(v2sf) =	vpush v63, $0xF  }
0x19b: {  	v60 =	vor.u32 s20, v1  }
0x19c: {  	vm14 =	veq.s32 v60, v10  }
0x19d: {  	s19 =	simm.s32 $0x12840;
	v11 =	vnsel vm14, $0x0, v11  }
0x19e: {  	v58 =	vld [tilespmem:s19+$0x0];
	(xrf2) =	vadd.scan.msk.f32 $0xffff, v11;
	_ =	sdelay $0x1  }
0x19f: {  	s21 =	simm.s32 $0x40  }
0x1a0: {  	v62 =	vor.u32 s21, v1  }
0x1a1: {  	vm15 =	veq.s32 v62, v10  }
0x1a2: {  	s12 =	simm.s32 $0x12850;
	s10 =	simm.s32 $0x50;
	s8 =	simm.f32 $0.0e+00;
	v11 =	vnsel vm15, $0x0, v58  }
.LBB2_14:
0x1a3: {  	v12 =	vld [tilespmem:s12+$0x0];
	p1 =	sne.s32 s10, $0xF0;
	(xrf2) =	vadd.scan.msk.f32 $0xffff, v11;
	s11 =	smov.u32 s10;
	s10 =	sadd.s32 $0x10, s10  }
.Ltmp6:
0x1a4: {  	(pc) =	sbr.rel @p1 .LBB2_14-.Ltmp6, $4  }
0x1a5: {  	s14 =	spop (v2sf)  }
0x1a6: {  	v11 =	vor.u32 s11, v1;
	s8 =	sadd.f32 s14, s8  }
0x1a7: {  	vm0 =	veq.s32 v11, v10;
	v13, _, _ =	vpop (xrf2)  }
0x1a8: {  	s12 =	sadd.s32 $0x10, s12;
	v11 =	vnsel vm0, $0x0, v12;
	(v2sf) =	vpush v13, $0xF  }
0x1a9: {  	(xrf2) =	vadd.scan.msk.f32 $0xffff, v11;
	_ =	sdelay $0x7  }
0x1aa: {  	v10, _, _ =	vpop (xrf2)  }
0x1ab: {  	(v2sf) =	vpush v10, $0xF  }
0x1ac: {  	v10, _, _ =	vpop (xrf2)  }
0x1ad: {  	(v2sf) =	vpush v10, $0xF;
	_ =	sdelay $0x6  }
0x1ae: {  	s10 =	spop (v2sf)  }
0x1af: {  	s8 =	sadd.f32 s10, s8  }
0x1b0: {  	s18 =	spop (v2sf)  }
0x1b1: {  	s8 =	sadd.f32 s18, s8  }
0x1b2: {  	s19 =	spop (v2sf)  }
0x1b3: {  	s8 =	sadd.f32 s19, s8  }
0x1b4: {  	s20 =	spop (v2sf)  }
0x1b5: {  	s8 =	sadd.f32 s20, s8  }
0x1b6: {  	s21 =	spop (v2sf)  }
0x1b7: {  	s8 =	sadd.f32 s21, s8;
	_ =	sdelay $0x1  }
0x1b8: {  	s0 =	ssub.f32 s0, s8;
	_ =	sdelay $0x1  }
0x1b9: {  	v10 =	vmul.f32 s0, v6;
	_ =	sdelay $0x1  }
0x1ba: {  	v10 =	vtrunc.f32 v10  }
0x1bb: {  	v12 =	vcvt.f32.s32 v10;
	_ =	sdelay $0x1  }
0x1bc: {  	v10 =	vcvt.s32.f32 v12;
	_ =	sdelay $0x1  }
0x1bd: {  	v11 =	vmax.f32 v10, $1.000000000e+00  }
0x1be: {  	(erf) = vrcp.f32 v11;
	_ =	sdelay $0x3  }
0x1bf: {  	v10 =	vmul.f32 $5.000000000e-01, v10;
	_ =	sdelay $0x1  }
0x1c0: {  	v10 =	vtrunc.f32 v10  }
0x1c1: {  	v10 =	vcvt.f32.s32 v10  }
0x1c2: {  	s8 =	simm.s32 $0x12900  }
0x1c3: {  	s10 =	simm.s32 $0x10;
	s0 =	simm.s32 $0x0;
	vm0 =	vlt.s32 v12, $0x1;
	v12 =	vld [tilespmem:s8+$0x0];
	v10 =	vcvt.s32.f32 v10;
	v11 =	vpop (erf)  }
.LBB2_16:
0x1c4: {  	p1 =	sne.s32 s10, $0xF0;
	_ =	sdelay $0x3  }
0x1c5: {  	v12 =	vadd.f32 v10, v12;
	_ =	sdelay $0x1  }
0x1c6: {  	v12 =	vmul.f32 v12, v11  }
0x1c7: {  	v13 =	vadd.s32 s0, v8  }
0x1c8: {  	v14 =	vshll.u32 v13, $0x3;
	v12 =	vtrunc.f32 v12  }
0x1c9: {  	v15 =	vmov s0;
	s0 =	smov.u32 s10;
	v14 =	vand.u32 $0xC00, v14;
	v12 =	vcvt.f32.s32 v12  }
0x1ca: {  	vm1 =	vlt.u32 v15, v9;
	v15 =	vand.u32 $0x7F, v13;
	v14 =	vadd.s32 v2, v14  }
0x1cb: {  	v14 =	vor.u32 v15, v14;
	v12 =	vcvt.s32.f32 v12;
	_ =	sdelay $0x1  }
.Ltmp7:
0x1cc: {  	v13 =	vcvt.s32.f32 v13;
	v12 =	vmax.f32 v12, $0.0e+00;
	(pc) =	sbr.rel @p1 .LBB2_16-.Ltmp7, $4  }
0x1cd: {  	v12 =	vmin.f32 v12, $2.550000000e+02  }
0x1ce: {  	v12 =	vsel vm0, v13, v12  }
0x1cf: {  	s8 =	sadd.s32 $0x10, s8;
	[tilespmem:v14+s24+$0x0] =	vst.idx.msk vm1, v12  }
0x1d0: {  	s10 =	sadd.s32 $0x10, s10;
	v12 =	vld [tilespmem:s8+$0x0]  }
0x1d1: {  	_ =	sdelay $0x3  }
0x1d2: {  	v10 =	vadd.f32 v10, v12;
	_ =	sdelay $0x1  }
0x1d3: {  	v10 =	vmul.f32 v10, v11  }
0x1d4: {  	v11 =	vadd.s32 s0, v8  }
0x1d5: {  	v53 =	vshll.u32 v11, $0x3;
	v10 =	vtrunc.f32 v10  }
0x1d6: {  	v13 =	vmov s0;
	v12 =	vand.u32 $0xC00, v53;
	v10 =	vcvt.f32.s32 v10  }
0x1d7: {  	vm1 =	vlt.u32 v13, v9;
	v54 =	vand.u32 $0x7F, v11;
	v12 =	vadd.s32 v2, v12  }
0x1d8: {  	v12 =	vor.u32 v54, v12;
	v10 =	vcvt.s32.f32 v10;
	_ =	sdelay $0x1  }
0x1d9: {  	v11 =	vcvt.s32.f32 v11;
	v10 =	vmax.f32 v10, $0.0e+00  }
0x1da: {  	v10 =	vmin.f32 v10, $2.550000000e+02  }
0x1db: {  	v10 =	vsel vm0, v11, v10  }
0x1dc: {  	s10 =	rddreg [dreg:$0x6];
	[tilespmem:v12+s24+$0x0] =	vst.idx.msk vm1, v10  }
0x1dd: {  	v10 =	vld [tilespmem:s10+$0x12A00];
	_ =	sdelay $0x2  }
0x1de: {  	s21 =	simm.s32 $0x0  }
0x1df: {  	vm15 =	veq.s32 v1, $0x0;
	s8 =	sand.u32 $0x400, s21  }
0x1e0: {  	s8 =	sadd.s32 s8, s13;
	s0 =	sand.u32 $0x70, s21;
	v10 =	vsel vm15, $0x0, v10  }
0x1e1: {  	s0 =	sadd.s32 s0, s8;
	[tilespmem:s10+$0x12A00] =	vst v10  }
0x1e2: {  	v10 =	vld.idx.msk [tilespmem:v0+s0+$0x0 ss:$0x1], $0xffff;
	_ =	sdelay $0x4  }
0x1e3: {  	v11 =	vbroadcast v10, $0x0  }
0x1e4: {  	s0 =	simm.s32 $0x14280;
	v55 =	vbroadcast v10, $0x1  }
0x1e5: {  	v56 =	vbroadcast v10, $0x2;
	[tilespmem:s0+$0xFFFFFF80] =	vst v11  }
0x1e6: {  	v57 =	vbroadcast v10, $0x4;
	[tilespmem:s0+$0xFFFFFF90] =	vst v55  }
0x1e7: {  	v58 =	vbroadcast v10, $0x5;
	[tilespmem:s0+$0xFFFFFFA0] =	vst v56  }
0x1e8: {  	v59 =	vbroadcast v10, $0x7;
	[tilespmem:s0+$0xFFFFFFC0] =	vst v57  }
0x1e9: {  	v11 =	vbroadcast v10, $0x3;
	[tilespmem:s0+$0xFFFFFFD0] =	vst v58  }
0x1ea: {  	v60 =	vbroadcast v10, $0x8;
	[tilespmem:s0+$0xFFFFFFF0] =	vst v59  }
0x1eb: {  	[tilespmem:s0+$0xFFFFFFB0] =	vst v11;
	v11 =	vbroadcast v10, $0x6  }
0x1ec: {  	v61 =	vbroadcast v10, $0xA;
	[tilespmem:s0+$0x0] =	vst v60  }
0x1ed: {  	[tilespmem:s0+$0xFFFFFFE0] =	vst v11;
	v11 =	vbroadcast v10, $0x9  }
0x1ee: {  	v62 =	vbroadcast v10, $0xB;
	[tilespmem:s0+$0x20] =	vst v61  }
0x1ef: {  	[tilespmem:s0+$0x10] =	vst v11;
	v11 =	vbroadcast v10, $0xC  }
0x1f0: {  	v63 =	vbroadcast v10, $0xD;
	[tilespmem:s0+$0x30] =	vst v62  }
0x1f1: {  	s8 =	simm.s32 $0x80;
	[tilespmem:s0+$0x40] =	vst v11;
	v11 =	vbroadcast v10, $0xE  }
0x1f2: {  	s12 =	simm.s32 $0x10;
	s14 =	sand.u32 $0x400, s8;
	s10 =	simm.s32 $0x20;
	[tilespmem:s0+$0x50] =	vst v63;
	v10 =	vbroadcast v10, $0xF  }
.LBB2_18:
0x1f3: {  	p1 =	sne.s32 s10, $0xF0;
	s11 =	sand.u32 $0x70, s12;
	s12 =	sadd.s32 s14, s13;
	[tilespmem:s0+$0x60] =	vst v11  }
0x1f4: {  	s11 =	sadd.s32 s11, s12;
	[tilespmem:s0+$0x70] =	vst v10;
	s12 =	smov.u32 s10  }
0x1f5: {  	v10 =	vld.idx.msk [tilespmem:v0+s11+$0x0 ss:$0x1], $0xffff;
	_ =	sdelay $0x5  }
0x1f6: {  	v11 =	vbroadcast v10, $0x0;
	v12 =	vbroadcast v10, $0x1  }
0x1f7: {  	s0 =	sadd.s32 $0x100, s0;
	v13 =	vbroadcast v10, $0x2;
	v14 =	vbroadcast v10, $0x3  }
0x1f8: {  	v15 =	vbroadcast v10, $0x5;
	[tilespmem:s0+$0xFFFFFF80] =	vst v11;
	v11 =	vbroadcast v10, $0x4  }
0x1f9: {  	v16 =	vbroadcast v10, $0x7;
	[tilespmem:s0+$0xFFFFFF90] =	vst v12;
	v12 =	vbroadcast v10, $0x6  }
0x1fa: {  	v17 =	vbroadcast v10, $0x9;
	[tilespmem:s0+$0xFFFFFFA0] =	vst v13;
	v13 =	vbroadcast v10, $0x8  }
0x1fb: {  	v18 =	vbroadcast v10, $0xB;
	[tilespmem:s0+$0xFFFFFFB0] =	vst v14;
	v14 =	vbroadcast v10, $0xA  }
0x1fc: {  	v19 =	vbroadcast v10, $0xC;
	v20 =	vbroadcast v10, $0xD;
	[tilespmem:s0+$0xFFFFFFC0] =	vst v11  }
0x1fd: {  	v11 =	vbroadcast v10, $0xE;
	v10 =	vbroadcast v10, $0xF;
	[tilespmem:s0+$0xFFFFFFD0] =	vst v15  }
0x1fe: {  	[tilespmem:s0+$0xFFFFFFE0] =	vst v12  }
0x1ff: {  	[tilespmem:s0+$0xFFFFFFF0] =	vst v16  }
0x200: {  	[tilespmem:s0+$0x0] =	vst v13  }
.Ltmp8:
0x201: {  	[tilespmem:s0+$0x10] =	vst v17;
	(pc) =	sbr.rel @p1 .LBB2_18-.Ltmp8, $4  }
0x202: {  	[tilespmem:s0+$0x20] =	vst v14  }
0x203: {  	[tilespmem:s0+$0x30] =	vst v18  }
0x204: {  	s8 =	sadd.s32 $0x80, s8;
	[tilespmem:s0+$0x40] =	vst v19  }
0x205: {  	s14 =	sand.u32 $0x400, s8;
	s10 =	sadd.s32 $0x10, s10;
	[tilespmem:s0+$0x50] =	vst v20  }
0x206: {  	_ =	sdelay $0x1  }
0x207: {  	s8 =	sand.u32 $0x70, s12;
	s10 =	sadd.s32 s14, s13;
	[tilespmem:s0+$0x60] =	vst v11  }
0x208: {  	[tilespmem:s0+$0x70] =	vst v10;
	s8 =	sadd.s32 s8, s10  }
0x209: {  	v10 =	vld.idx.msk [tilespmem:v0+s8+$0x0 ss:$0x1], $0xffff;
	_ =	sdelay $0x4  }
0x20a: {  	v11 =	vbroadcast v10, $0x0  }
0x20b: {  	s20 =	sadd.s32 $0x100, s0;
	v12 =	vbroadcast v10, $0x1  }
0x20c: {  	v13 =	vbroadcast v10, $0x2;
	[tilespmem:s20+$0xFFFFFF80] =	vst v11  }
0x20d: {  	v56 =	vbroadcast v10, $0x4;
	[tilespmem:s20+$0xFFFFFF90] =	vst v12  }
0x20e: {  	v57 =	vbroadcast v10, $0x5;
	[tilespmem:s20+$0xFFFFFFA0] =	vst v13  }
0x20f: {  	v58 =	vbroadcast v10, $0x7;
	[tilespmem:s20+$0xFFFFFFC0] =	vst v56  }
0x210: {  	v59 =	vbroadcast v10, $0x8;
	[tilespmem:s20+$0xFFFFFFD0] =	vst v57  }
0x211: {  	v60 =	vbroadcast v10, $0xA;
	[tilespmem:s20+$0xFFFFFFF0] =	vst v58  }
0x212: {  	v11 =	vbroadcast v10, $0x3;
	[tilespmem:s20+$0x0] =	vst v59  }
0x213: {  	v61 =	vbroadcast v10, $0xB;
	[tilespmem:s20+$0x20] =	vst v60  }
0x214: {  	[tilespmem:s20+$0xFFFFFFB0] =	vst v11;
	v11 =	vbroadcast v10, $0x6  }
0x215: {  	v62 =	vbroadcast v10, $0xD;
	[tilespmem:s20+$0x30] =	vst v61  }
0x216: {  	[tilespmem:s20+$0xFFFFFFE0] =	vst v11;
	v11 =	vbroadcast v10, $0x9  }
0x217: {  	v63 =	vbroadcast v10, $0xE;
	[tilespmem:s20+$0x50] =	vst v62  }
0x218: {  	[tilespmem:s20+$0x10] =	vst v11;
	v11 =	vbroadcast v10, $0xC  }
0x219: {  	[tilespmem:s20+$0x60] =	vst v63;
	v10 =	vbroadcast v10, $0xF  }
0x21a: {  	[tilespmem:s20+$0x40] =	vst v11  }
.Ltmp9:
0x21b: {  	s21 =	rddreg [dreg:$0xa];
	[tilespmem:s20+$0x70] =	vst v10;
	(pc) =	sbr.rel @p0 .LBB2_31-.Ltmp9, $4  }
0x21c: {  	[spmem:s21] =	stream.linear.scatter [tilespmem:s16], [sflag:$0x7], $0x1000, $0x38;
	[tilespmem:$0x19200] =	vst v63  }
0x21d: {  	_ =	swait.ge [sflag:s22], $0x1000  }
0x21e: {  	[sflag:s22] =	ssyncset.done $0x0  }
0x21f: {  	[sflag:s22] =	ssyncadd.s32 $0xFFFFF000  }
0x220: {  	s0 =	rddreg [dreg:$0xb]  }
0x221: {  	s8 =	simm.s32 $0x80;
	s10 =	simm.s32 $0x1800;
	s11 =	simm.s32 $0x11800  }
0x222: {  	[tilespmem:s11], [sflag:$0x7] =	stream.strided.gather [spmem:s0], $0x400, s10, s8, $0x38;
	[tilespmem:$0x19200] =	vst v63  }
0x223: {  	s12 =	simm.s32 $0x11C00;
	s11 =	rddreg [dreg:$0x11]  }
0x224: {  	[tilespmem:s12], [sflag:$0x7] =	stream.strided.gather [spmem:s11], $0x400, s10, s8, $0x38;
	[tilespmem:$0x19200] =	vst v63  }
0x225: {  	s14 =	rddreg [dreg:$0x12];
	s15 =	simm.s32 $0x12000  }
0x226: {  	[tilespmem:s15], [sflag:$0x7] =	stream.strided.gather [spmem:s14], $0x400, s10, s8, $0x38;
	[tilespmem:$0x19200] =	vst v63  }
0x227: {  	s18 =	rddreg [dreg:$0x13];
	s19 =	simm.s32 $0x12400;
	s14 =	simm.s32 $0x0  }
0x228: {  	[tilespmem:s19], [sflag:$0x7] =	stream.strided.gather [spmem:s18], $0x400, s10, s8, $0x38;
	[tilespmem:$0x19200] =	vst v63  }
0x229: {  	s0 =	sand.u32 $0x400, s14;
	s8 =	sand.u32 $0x60, s14;
	_ =	swait.ge [sflag:s22], $0x1000  }
0x22a: {  	s20 =	sor.u32 $0x11800, s0;
	s18 =	sor.u32 $0x10, s8;
	[sflag:s22] =	ssyncset.done $0x0  }
0x22b: {  	s21 =	sor.u32 s18, s20;
	[sflag:s22] =	ssyncadd.s32 $0xFFFFF000  }
0x22c: {  	v10 =	vld [tilespmem:s21+$0x0]  }
0x22d: {  	s10 =	sor.u32 s8, s20;
	v11 =	vld [tilespmem:s21+$0x80]  }
0x22e: {  	v12 =	vld [tilespmem:s10+$0x0]  }
0x22f: {  	v13 =	vld [tilespmem:s21+$0x100]  }
0x230: {  	v14 =	vld [tilespmem:s10+$0x80]  }
0x231: {  	v15 =	vld [tilespmem:s21+$0x180]  }
0x232: {  	v16 =	vld [tilespmem:s10+$0x100]  }
0x233: {  	v17 =	vld [tilespmem:s21+$0x200]  }
0x234: {  	v18 =	vld [tilespmem:s10+$0x180]  }
0x235: {  	v19 =	vld [tilespmem:s21+$0x280]  }
0x236: {  	v20 =	vld [tilespmem:s10+$0x200]  }
0x237: {  	v21 =	vld [tilespmem:s21+$0x300]  }
0x238: {  	v22 =	vld [tilespmem:s10+$0x280]  }
0x239: {  	s12 =	sor.u32 $0x12000, s0;
	v23 =	vld [tilespmem:s21+$0x380]  }
0x23a: {  	s22 =	sor.u32 s18, s12;
	v24 =	vld [tilespmem:s10+$0x300]  }
0x23b: {  	s15 =	sor.u32 $0x12080, s0;
	v25 =	vld [tilespmem:s22+$0x0]  }
0x23c: {  	s11 =	sor.u32 s18, s15;
	v26 =	vld [tilespmem:s10+$0x380]  }
0x23d: {  	s19 =	sor.u32 $0x12100, s0;
	s12 =	sor.u32 s8, s12;
	v27 =	vld [tilespmem:s11+$0x0]  }
0x23e: {  	s20 =	sor.u32 s18, s19;
	v28 =	vld [tilespmem:s12+$0x0]  }
0x23f: {  	s21 =	sor.u32 s8, s15;
	v29 =	vld [tilespmem:s20+$0x0]  }
0x240: {  	s22 =	sor.u32 $0x12180, s0;
	s12 =	sor.u32 s8, s19;
	v30 =	vld [tilespmem:s21+$0x0]  }
0x241: {  	s19 =	sor.u32 $0x12200, s0;
	s11 =	sor.u32 s18, s22;
	v32 =	vld [tilespmem:s12+$0x0]  }
0x242: {  	s20 =	sor.u32 s18, s19;
	v31 =	vld [tilespmem:s11+$0x0]  }
0x243: {  	s21 =	sor.u32 s8, s22;
	s22 =	sor.u32 $0x12280, s0;
	v33 =	vld [tilespmem:s20+$0x0]  }
0x244: {  	v34 =	vld [tilespmem:s21+$0x0];
	s11 =	sor.u32 s18, s22  }
0x245: {  	s20 =	sor.u32 s8, s19;
	v35 =	vld [tilespmem:s11+$0x0]  }
0x246: {  	s19 =	sor.u32 $0x12300, s0;
	s22 =	sor.u32 s8, s22;
	v36 =	vld [tilespmem:s20+$0x0]  }
0x247: {  	s15 =	sor.u32 $0x12380, s0;
	s21 =	sor.u32 s18, s19;
	v38 =	vld [tilespmem:s22+$0x0]  }
0x248: {  	s12 =	simm.s32 $0x20;
	s11 =	sor.u32 s18, s15;
	s20 =	simm.s32 $0x100;
	v37 =	vld [tilespmem:s21+$0x0]  }
0x249: {  	s22 =	sor.u32 s8, s19;
	s21 =	sand.u32 $0x60, s12;
	s0 =	sand.u32 $0x400, s20;
	v10 =	vadd.f32 v11, v10;
	v11 =	vadd.f32 v14, v12;
	v12 =	vld [tilespmem:s11+$0x0]  }
0x24a: {  	s8 =	sor.u32 s8, s15;
	s15 =	sor.u32 $0x11800, s0;
	s20 =	sor.u32 $0x10, s21;
	v14 =	vld [tilespmem:s22+$0x0]  }
0x24b: {  	s19 =	sor.u32 s20, s15;
	v10 =	vadd.f32 v13, v10;
	v13 =	vld [tilespmem:s8+$0x0]  }
0x24c: {  	v11 =	vadd.f32 v16, v11;
	v16 =	vld [tilespmem:s19+$0x0]  }
0x24d: {  	s22 =	sor.u32 s21, s15;
	v10 =	vadd.f32 v15, v10;
	v15 =	vld [tilespmem:s19+$0x80]  }
0x24e: {  	v54 =	vld [tilespmem:s22+$0x80];
	v11 =	vadd.f32 v18, v11  }
0x24f: {  	v10 =	vadd.f32 v17, v10;
	v17 =	vld [tilespmem:s19+$0x100]  }
0x250: {  	v18 =	vld [tilespmem:s22+$0x0];
	v11 =	vadd.f32 v20, v11  }
0x251: {  	v10 =	vadd.f32 v19, v10;
	v19 =	vld [tilespmem:s19+$0x180]  }
0x252: {  	v11 =	vadd.f32 v22, v11;
	v15 =	vadd.f32 v15, v16;
	v16 =	vld [tilespmem:s22+$0x100]  }
0x253: {  	v55 =	vld [tilespmem:s19+$0x200];
	v10 =	vadd.f32 v21, v10  }
0x254: {  	v11 =	vadd.f32 v24, v11;
	v15 =	vadd.f32 v17, v15;
	v17 =	vld [tilespmem:s22+$0x180]  }
0x255: {  	v56 =	vld [tilespmem:s19+$0x280];
	v18 =	vadd.f32 v54, v18;
	v10 =	vadd.f32 v23, v10  }
0x256: {  	v11 =	vadd.f32 v26, v11;
	v15 =	vadd.f32 v19, v15;
	v19 =	vld [tilespmem:s22+$0x200]  }
0x257: {  	v57 =	vld [tilespmem:s19+$0x300];
	v10 =	vadd.f32 v25, v10;
	v16 =	vadd.f32 v16, v18  }
0x258: {  	v11 =	vadd.f32 v28, v11;
	v18 =	vld [tilespmem:s22+$0x280];
	v15 =	vadd.f32 v55, v15  }
0x259: {  	s10 =	sor.u32 $0x12000, s0;
	v58 =	vld [tilespmem:s19+$0x380];
	v10 =	vadd.f32 v27, v10;
	v16 =	vadd.f32 v17, v16  }
0x25a: {  	s19 =	sor.u32 s20, s10;
	v11 =	vadd.f32 v30, v11;
	v17 =	vld [tilespmem:s22+$0x300];
	v15 =	vadd.f32 v56, v15  }
0x25b: {  	s15 =	sor.u32 $0x12080, s0;
	v59 =	vld [tilespmem:s19+$0x0];
	v10 =	vadd.f32 v29, v10;
	v16 =	vadd.f32 v19, v16  }
0x25c: {  	v11 =	vadd.f32 v32, v11;
	v19 =	vld [tilespmem:s22+$0x380];
	s22 =	sor.u32 s20, s15;
	v15 =	vadd.f32 v57, v15  }
0x25d: {  	s11 =	sor.u32 $0x12100, s0;
	s10 =	sor.u32 s21, s10;
	v60 =	vld [tilespmem:s22+$0x0];
	v10 =	vadd.f32 v31, v10;
	v16 =	vadd.f32 v18, v16  }
0x25e: {  	s19 =	sor.u32 s20, s11;
	v11 =	vadd.f32 v34, v11;
	v18 =	vld [tilespmem:s10+$0x0];
	v15 =	vadd.f32 v58, v15  }
0x25f: {  	v61 =	vld [tilespmem:s19+$0x0];
	s22 =	sor.u32 s21, s15;
	s15 =	sor.u32 $0x12180, s0;
	v10 =	vadd.f32 v33, v10;
	v16 =	vadd.f32 v17, v16  }
0x260: {  	s19 =	sor.u32 s20, s15;
	v11 =	vadd.f32 v36, v11;
	v17 =	vld [tilespmem:s22+$0x0];
	v15 =	vadd.f32 v59, v15  }
0x261: {  	v62 =	vld [tilespmem:s19+$0x0];
	s22 =	sor.u32 s21, s11;
	s11 =	sor.u32 $0x12200, s0;
	v10 =	vadd.f32 v35, v10;
	v16 =	vadd.f32 v19, v16  }
0x262: {  	s10 =	sor.u32 s20, s11;
	v11 =	vadd.f32 v38, v11;
	v19 =	vld [tilespmem:s22+$0x0];
	v15 =	vadd.f32 v60, v15  }
0x263: {  	s19 =	sor.u32 s21, s15;
	s22 =	sor.u32 $0x12280, s0;
	v63 =	vld [tilespmem:s10+$0x0];
	v10 =	vadd.f32 v37, v10;
	v16 =	vadd.f32 v18, v16  }
0x264: {  	s31 =	simm.s32 $0x40;
	s14 =	sand.u32 $0x80, s14;
	v14 =	vadd.f32 v14, v11;
	v11 =	vld [tilespmem:s19+$0x0];
	s19 =	sor.u32 s20, s22;
	v15 =	vadd.f32 v61, v15  }
0x265: {  	s18 =	sor.u32 s18, s14;
	s11 =	sor.u32 s21, s11;
	s10 =	sor.u32 $0x12300, s0;
	v18 =	vadd.f32 v12, v10;
	v10 =	vld [tilespmem:s19+$0x0];
	v16 =	vadd.f32 v17, v16  }
0x266: {  	s8 =	simm.s32 $0x2;
	s15 =	simm.s32 $0x12800;
	s14 =	sor.u32 s20, s10;
	v14 =	vadd.f32 v13, v14;
	v12 =	vld [tilespmem:s11+$0x0];
	v15 =	vadd.f32 v62, v15  }
0x267: {  	s30 =	sor.u32 s21, s10;
	s19 =	sor.u32 $0x12380, s0;
	v13 =	vld [tilespmem:s14+$0x0];
	[tilespmem:s18+$0x12800] =	vst v18;
	s18 =	sor.u32 s21, s22;
	v16 =	vadd.f32 v19, v16  }
0x268: {  	s10 =	simm.s32 $0x200;
	s22 =	sor.u32 s20, s19;
	[tilespmem:s15+$0x0] =	vst v14;
	v14 =	vld [tilespmem:s18+$0x0];
	v15 =	vadd.f32 v63, v15;
	s18 =	simm.s32 $0x12800  }
.LBB2_21:
0x269: {  	s0 =	sand.u32 $0x400, s10;
	v11 =	vadd.f32 v11, v16;
	s11 =	sor.u32 s21, s19;
	s21 =	sand.u32 $0x60, s31;
	v16 =	vld [tilespmem:s22+$0x0]  }
0x26a: {  	s8 =	sadd.s32 $0x2, s8;
	s19 =	sor.u32 $0x11800, s0;
	s22 =	sor.u32 $0x10, s21;
	v17 =	vld [tilespmem:s30+$0x0];
	v10 =	vadd.f32 v10, v15  }
0x26b: {  	p1 =	slt.u32 s8, $0xE;
	s30 =	sor.u32 s21, s19;
	s19 =	sor.u32 s22, s19;
	v11 =	vadd.f32 v12, v11;
	v12 =	vld [tilespmem:s11+$0x0]  }
0x26c: {  	v15 =	vld [tilespmem:s19+$0x0];
	v10 =	vadd.f32 v13, v10  }
0x26d: {  	v13 =	vld [tilespmem:s19+$0x80];
	v11 =	vadd.f32 v14, v11  }
0x26e: {  	s11 =	sand.u32 $0x80, s12;
	s12 =	smov.u32 s31;
	v14 =	vld [tilespmem:s30+$0x0];
	v10 =	vadd.f32 v16, v10  }
0x26f: {  	s11 =	sor.u32 s20, s11;
	s20 =	smov.u32 s22;
	v16 =	vld [tilespmem:s19+$0x100];
	v11 =	vadd.f32 v17, v11  }
0x270: {  	v17 =	vld [tilespmem:s30+$0x80];
	[tilespmem:s11+$0x12800] =	vst v10  }
0x271: {  	v10 =	vld [tilespmem:s19+$0x180];
	v11 =	vadd.f32 v12, v11  }
0x272: {  	s18 =	sadd.s32 $0x20, s18;
	v12 =	vld [tilespmem:s30+$0x100];
	v13 =	vadd.f32 v13, v15  }
0x273: {  	v15 =	vld [tilespmem:s19+$0x200];
	[tilespmem:s18+$0x0] =	vst v11  }
0x274: {  	v11 =	vld [tilespmem:s30+$0x180];
	v13 =	vadd.f32 v16, v13  }
0x275: {  	v14 =	vadd.f32 v17, v14;
	v16 =	vld [tilespmem:s19+$0x280]  }
0x276: {  	v17 =	vld [tilespmem:s30+$0x200];
	v10 =	vadd.f32 v10, v13  }
0x277: {  	v12 =	vadd.f32 v12, v14;
	v13 =	vld [tilespmem:s19+$0x300]  }
0x278: {  	v14 =	vld [tilespmem:s30+$0x280];
	v10 =	vadd.f32 v15, v10  }
0x279: {  	s11 =	sor.u32 $0x12000, s0;
	v11 =	vadd.f32 v11, v12;
	v12 =	vld [tilespmem:s19+$0x380]  }
0x27a: {  	s19 =	sor.u32 s21, s11;
	s11 =	sor.u32 s20, s11;
	v15 =	vld [tilespmem:s30+$0x300];
	v10 =	vadd.f32 v16, v10  }
0x27b: {  	s22 =	sor.u32 $0x12080, s0;
	v11 =	vadd.f32 v17, v11;
	v16 =	vld [tilespmem:s11+$0x0]  }
0x27c: {  	s11 =	sor.u32 s21, s22;
	s22 =	sor.u32 s20, s22;
	v17 =	vld [tilespmem:s30+$0x380];
	v10 =	vadd.f32 v13, v10  }
0x27d: {  	s30 =	sor.u32 $0x12100, s0;
	v11 =	vadd.f32 v14, v11;
	v13 =	vld [tilespmem:s22+$0x0]  }
0x27e: {  	s22 =	sor.u32 s20, s30;
	v14 =	vld [tilespmem:s19+$0x0];
	s19 =	sor.u32 s21, s30;
	v10 =	vadd.f32 v12, v10  }
0x27f: {  	s30 =	sor.u32 $0x12180, s0;
	v11 =	vadd.f32 v15, v11;
	v12 =	vld [tilespmem:s22+$0x0]  }
0x280: {  	s22 =	sor.u32 s20, s30;
	v15 =	vld [tilespmem:s11+$0x0];
	s11 =	sor.u32 s21, s30;
	v10 =	vadd.f32 v16, v10  }
0x281: {  	s30 =	sor.u32 $0x12200, s0;
	v11 =	vadd.f32 v17, v11;
	v16 =	vld [tilespmem:s22+$0x0]  }
0x282: {  	s22 =	sor.u32 s20, s30;
	v17 =	vld [tilespmem:s19+$0x0];
	s19 =	sor.u32 s21, s30;
	v10 =	vadd.f32 v13, v10  }
0x283: {  	s30 =	sor.u32 $0x12280, s0;
	v13 =	vadd.f32 v14, v11;
	v18 =	vld [tilespmem:s22+$0x0]  }
.Ltmp10:
0x284: {  	s22 =	sor.u32 s20, s30;
	v11 =	vld [tilespmem:s11+$0x0];
	s11 =	sor.u32 s21, s30;
	v14 =	vadd.f32 v12, v10;
	(pc) =	sbr.rel @p1 .LBB2_21-.Ltmp10, $4  }
0x285: {  	s14 =	sor.u32 $0x12300, s0;
	v13 =	vadd.f32 v15, v13;
	v10 =	vld [tilespmem:s22+$0x0]  }
0x286: {  	s30 =	sor.u32 s21, s14;
	s14 =	sor.u32 s20, s14;
	v12 =	vld [tilespmem:s19+$0x0];
	v15 =	vadd.f32 v16, v14  }
0x287: {  	s19 =	sor.u32 $0x12380, s0;
	v16 =	vadd.f32 v17, v13;
	v13 =	vld [tilespmem:s14+$0x0]  }
0x288: {  	s10 =	sadd.s32 $0x100, s10;
	s31 =	sadd.s32 $0x20, s31;
	s22 =	sor.u32 s20, s19;
	v14 =	vld [tilespmem:s11+$0x0];
	v15 =	vadd.f32 v18, v15  }
0x289: {  	v11 =	vadd.f32 v11, v16  }
0x28a: {  	v62 =	vld [tilespmem:s30+$0x0]  }
0x28b: {  	s0 =	sor.u32 s21, s19;
	v17 =	vld [tilespmem:s22+$0x0];
	v11 =	vadd.f32 v12, v11  }
0x28c: {  	v10 =	vadd.f32 v10, v15;
	v63 =	vld [tilespmem:s0+$0x0]  }
0x28d: {  	v11 =	vadd.f32 v14, v11  }
0x28e: {  	v10 =	vadd.f32 v13, v10  }
0x28f: {  	v11 =	vadd.f32 v62, v11  }
0x290: {  	s19 =	sand.u32 $0x80, s12;
	v10 =	vadd.f32 v17, v10  }
0x291: {  	s0 =	sor.u32 s20, s19;
	v11 =	vadd.f32 v63, v11  }
0x292: {  	s10 =	sadd.s32 $0x20, s18;
	[tilespmem:s0+$0x12800] =	vst v10  }
0x293: {  	[tilespmem:s10+$0x0] =	vst v11  }
0x294: {  	v10 =	vld [tilespmem:s15+$0x0];
	_ =	sdelay $0x3  }
0x295: {  	s21 =	simm.s32 $0x0  }
0x296: {  	v11 =	vor.u32 s21, v7;
	vm0 =	vgt.f32 v10, $0.0e+00  }
0x297: {  	v11 =	vnsel vm0, $0x7FFFFFFF, v11  }
0x298: {  	(xrf0) =	vmax.scan.msk.u32 $0xffff, v11;
	_ =	sdelay $0x1  }
0x299: {  	(xrf2) =	vadd.scan.msk.f32 $0xffff, v10;
	_ =	sdelay $0x3  }
0x29a: {  	v10, _, _ =	vpop (xrf0)  }
0x29b: {  	(v2sf) =	vpush v10, $0xF;
	_ =	sdelay $0x4  }
0x29c: {  	s8 =	simm.f32 $0.0e+00;
	v10, _, _ =	vpop (xrf2)  }
0x29d: {  	v10 =	vadd.f32 s8, v10  }
0x29e: {  	s0 =	simm.s32 $0x12900  }
0x29f: {  	s8 =	simm.s32 $0x12810;
	[tilespmem:s0+$0x0] =	vst v10;
	(xrf0) =	vmax.scan.msk.f32 $0xffff, v10  }
0x2a0: {  	v10 =	vld [tilespmem:s8+$0x0];
	_ =	sdelay $0x4  }
0x2a1: {  	vm15 =	vgt.f32 v10, $0.0e+00;
	(xrf2) =	vadd.scan.msk.f32 $0xffff, v10;
	v10, _, _ =	vpop (xrf0)  }
0x2a2: {  	s11 =	spop (v2sf);
	(v2sf) =	vpush v10, $0xF;
	_ =	sdelay $0x3  }
0x2a3: {  	s22 =	simm.s32 $0x10  }
0x2a4: {  	v11 =	vor.u32 s22, v7  }
0x2a5: {  	v11 =	vnsel vm15, $0x7FFFFFFF, v11  }
0x2a6: {  	(xrf0) =	vmax.scan.msk.u32 $0xffff, v11  }
0x2a7: {  	s18 =	simm.s32 $0xFFFFFFFF;
	s14 =	simm.s32 $0x30;
	s12 =	sxor.u32 $0x80000000, s11  }
0x2a8: {  	s30 =	simm.s32 $0x8000;
	s31 =	simm.s32 $0xC000;
	p1 =	slt.s32 s12, $0xFFFFFFFF  }
0x2a9: {  	s10 =	simm.s32 $0x20;
	s22 =	simm.s32 $0x7;
	s12 =	smov.u32 @p1 s18  }
.LBB2_23:
0x2aa: {  	s11 =	smov.u32 s12  }
0x2ab: {  	p1 =	seq.s32 s14, $0xF0  }
0x2ac: {  	v10, _, _ =	vpop (xrf0)  }
0x2ad: {  	(v2sf) =	vpush v10, $0xF  }
0x2ae: {  	v10, _, _ =	vpop (xrf2);
	s12 =	spop (v2sf)  }
0x2af: {  	v10 =	vadd.f32 s12, v10  }
0x2b0: {  	s0 =	sadd.s32 $0x10, s0  }
0x2b1: {  	[tilespmem:s0+$0x0] =	vst v10;
	(xrf0) =	vmax.scan.msk.f32 $0xffff, v10;
	_ =	sdelay $0x5  }
0x2b2: {  	s8 =	sadd.s32 $0x10, s8;
	v10, _, _ =	vpop (xrf0)  }
0x2b3: {  	v11 =	vld [tilespmem:s8+$0x0];
	(v2sf) =	vpush v10, $0xF;
	_ =	sdelay $0x3  }
0x2b4: {  	s12 =	spop (v2sf)  }
0x2b5: {  	v10 =	vor.u32 s10, v7;
	s10 =	smov.u32 s14;
	vm0 =	vgt.f32 v11, $0.0e+00;
	(xrf2) =	vadd.scan.msk.f32 $0xffff, v11;
	s12 =	sxor.u32 $0x80000000, s12  }
0x2b6: {  	v10 =	vnsel vm0, $0x7FFFFFFF, v10;
	p2 =	sgt.s32 s11, s12  }
.Ltmp11:
0x2b7: {  	(xrf0) =	vmax.scan.msk.u32 $0xffff, v10;
	s12 =	smov.u32 @p2 s11;
	(pc) =	sbr.rel @!p1 .LBB2_23-.Ltmp11, $2  }
0x2b8: {  	_ =	sdelay $0x2  }
0x2b9: {  	s14 =	sadd.s32 $0x10, s14  }
0x2ba: {  	_ =	sdelay $0x2  }
0x2bb: {  	v10, _, _ =	vpop (xrf2);
	s11 =	spop (v2sf)  }
0x2bc: {  	v10 =	vadd.f32 s11, v10;
	_ =	sdelay $0x1  }
0x2bd: {  	(xrf0) =	vmax.scan.msk.f32 $0xffff, v10;
	_ =	sdelay $0x4  }
0x2be: {  	s0 =	sadd.s32 $0x10, s0;
	v11, _, _ =	vpop (xrf0)  }
0x2bf: {  	(v2sf) =	vpush v11, $0xF;
	[tilespmem:s0+$0x0] =	vst v10;
	v10, _, _ =	vpop (xrf0)  }
0x2c0: {  	s8 =	sadd.s32 $0x10, s8;
	(v2sf) =	vpush v10, $0xF  }
0x2c1: {  	v11 =	vld [tilespmem:s8+$0x0];
	_ =	sdelay $0x4  }
0x2c2: {  	vm0 =	vgt.f32 v11, $0.0e+00;
	v10 =	vor.u32 s10, v7  }
0x2c3: {  	v10 =	vnsel vm0, $0x7FFFFFFF, v10  }
0x2c4: {  	(xrf0) =	vmax.scan.msk.u32 $0xffff, v10;
	_ =	sdelay $0x2  }
0x2c5: {  	(xrf2) =	vadd.scan.msk.f32 $0xffff, v11;
	_ =	sdelay $0x2  }
0x2c6: {  	s14 =	spop (v2sf);
	v11, _, _ =	vpop (xrf0)  }
0x2c7: {  	s15 =	spop (v2sf);
	(v2sf) =	vpush v11, $0xF;
	_ =	sdelay $0x5  }
0x2c8: {  	v10, _, _ =	vpop (xrf2)  }
0x2c9: {  	v10 =	vadd.f32 s15, v10;
	_ =	sdelay $0x1  }
0x2ca: {  	(xrf0) =	vmax.scan.msk.f32 $0xffff, v10;
	_ =	sdelay $0x4  }
0x2cb: {  	s0 =	sadd.s32 $0x10, s0;
	s10 =	sxor.u32 $0x80000000, s14  }
0x2cc: {  	s20 =	simm.s32 $0x12800;
	p1 =	sgt.s32 s12, s10;
	[tilespmem:s0+$0x0] =	vst v10;
	v11, _, _ =	vpop (xrf0);
	s18 =	spop (v2sf)  }
0x2cd: {  	s10 =	smov.u32 @p1 s12;
	(v2sf) =	vpush v11, $0xF;
	v11 =	vld [tilespmem:s20+$0x0];
	s8 =	sxor.u32 $0x80000000, s18  }
0x2ce: {  	s21 =	simm.s32 $0x12810;
	p1 =	sgt.s32 s10, s8  }
0x2cf: {  	s19 =	simm.s32 $0x0;
	s12 =	simm.s32 $0x12820;
	v12 =	vld [tilespmem:s21+$0x0];
	s8 =	smov.u32 @p1 s10  }
0x2d0: {  	v14 =	vor.u32 s19, v1;
	v13 =	vld [tilespmem:s12+$0x0];
	v10 =	vmov s8  }
0x2d1: {  	s14 =	simm.s32 $0x10;
	vm11 =	veq.s32 v14, v10  }
0x2d2: {  	v56 =	vor.u32 s14, v1;
	s15 =	simm.s32 $0x20;
	v11 =	vnsel vm11, $0x0, v11  }
0x2d3: {  	v57 =	vor.u32 s15, v1;
	vm12 =	veq.s32 v56, v10;
	(xrf2) =	vadd.scan.msk.f32 $0xffff, v11  }
0x2d4: {  	vm13 =	veq.s32 v57, v10;
	v11 =	vnsel vm12, $0x0, v12  }
0x2d5: {  	(xrf2) =	vadd.scan.msk.f32 $0xffff, v11;
	v11 =	vnsel vm13, $0x0, v13  }
0x2d6: {  	(xrf2) =	vadd.scan.msk.f32 $0xffff, v11;
	_ =	sdelay $0x6  }
0x2d7: {  	v59, _, _ =	vpop (xrf2)  }
0x2d8: {  	s18 =	simm.s32 $0x12830;
	(v2sf) =	vpush v59, $0xF  }
0x2d9: {  	v11 =	vld [tilespmem:s18+$0x0];
	v61, _, _ =	vpop (xrf2)  }
0x2da: {  	(v2sf) =	vpush v61, $0xF;
	v63, _, _ =	vpop (xrf2)  }
0x2db: {  	s20 =	simm.s32 $0x30;
	s0 =	spop (v2sf);
	(v2sf) =	vpush v63, $0xF  }
0x2dc: {  	v60 =	vor.u32 s20, v1  }
0x2dd: {  	vm14 =	veq.s32 v60, v10  }
0x2de: {  	s19 =	simm.s32 $0x12840;
	v11 =	vnsel vm14, $0x0, v11  }
0x2df: {  	v58 =	vld [tilespmem:s19+$0x0];
	(xrf2) =	vadd.scan.msk.f32 $0xffff, v11;
	_ =	sdelay $0x1  }
0x2e0: {  	s21 =	simm.s32 $0x40  }
0x2e1: {  	v62 =	vor.u32 s21, v1  }
0x2e2: {  	vm15 =	veq.s32 v62, v10  }
0x2e3: {  	s12 =	simm.s32 $0x12850;
	s10 =	simm.s32 $0x50;
	s8 =	simm.f32 $0.0e+00;
	v11 =	vnsel vm15, $0x0, v58  }
.LBB2_25:
0x2e4: {  	v12 =	vld [tilespmem:s12+$0x0];
	p1 =	sne.s32 s10, $0xF0;
	(xrf2) =	vadd.scan.msk.f32 $0xffff, v11;
	s11 =	smov.u32 s10;
	s10 =	sadd.s32 $0x10, s10  }
.Ltmp12:
0x2e5: {  	(pc) =	sbr.rel @p1 .LBB2_25-.Ltmp12, $4  }
0x2e6: {  	s14 =	spop (v2sf)  }
0x2e7: {  	v11 =	vor.u32 s11, v1;
	s8 =	sadd.f32 s14, s8  }
0x2e8: {  	vm0 =	veq.s32 v11, v10;
	v13, _, _ =	vpop (xrf2)  }
0x2e9: {  	s12 =	sadd.s32 $0x10, s12;
	v11 =	vnsel vm0, $0x0, v12;
	(v2sf) =	vpush v13, $0xF  }
0x2ea: {  	(xrf2) =	vadd.scan.msk.f32 $0xffff, v11;
	_ =	sdelay $0x7  }
0x2eb: {  	v10, _, _ =	vpop (xrf2)  }
0x2ec: {  	(v2sf) =	vpush v10, $0xF  }
0x2ed: {  	v10, _, _ =	vpop (xrf2)  }
0x2ee: {  	(v2sf) =	vpush v10, $0xF;
	_ =	sdelay $0x6  }
0x2ef: {  	s10 =	spop (v2sf)  }
0x2f0: {  	s8 =	sadd.f32 s10, s8  }
0x2f1: {  	s18 =	spop (v2sf)  }
0x2f2: {  	s8 =	sadd.f32 s18, s8  }
0x2f3: {  	s19 =	spop (v2sf)  }
0x2f4: {  	s8 =	sadd.f32 s19, s8  }
0x2f5: {  	s20 =	spop (v2sf)  }
0x2f6: {  	s8 =	sadd.f32 s20, s8  }
0x2f7: {  	s21 =	spop (v2sf)  }
0x2f8: {  	s8 =	sadd.f32 s21, s8;
	_ =	sdelay $0x1  }
0x2f9: {  	s0 =	ssub.f32 s0, s8;
	_ =	sdelay $0x1  }
0x2fa: {  	v10 =	vmul.f32 s0, v6;
	_ =	sdelay $0x1  }
0x2fb: {  	v10 =	vtrunc.f32 v10  }
0x2fc: {  	v12 =	vcvt.f32.s32 v10;
	_ =	sdelay $0x1  }
0x2fd: {  	v10 =	vcvt.s32.f32 v12;
	_ =	sdelay $0x1  }
0x2fe: {  	v11 =	vmax.f32 v10, $1.000000000e+00  }
0x2ff: {  	(erf) = vrcp.f32 v11;
	_ =	sdelay $0x3  }
0x300: {  	v10 =	vmul.f32 $5.000000000e-01, v10;
	_ =	sdelay $0x1  }
0x301: {  	v10 =	vtrunc.f32 v10  }
0x302: {  	v10 =	vcvt.f32.s32 v10  }
0x303: {  	s8 =	simm.s32 $0x12900  }
0x304: {  	s10 =	simm.s32 $0x10;
	s0 =	simm.s32 $0x0;
	vm0 =	vlt.s32 v12, $0x1;
	v12 =	vld [tilespmem:s8+$0x0];
	v10 =	vcvt.s32.f32 v10;
	v11 =	vpop (erf)  }
.LBB2_27:
0x305: {  	p1 =	sne.s32 s10, $0xF0;
	_ =	sdelay $0x3  }
0x306: {  	v12 =	vadd.f32 v10, v12;
	_ =	sdelay $0x1  }
0x307: {  	v12 =	vmul.f32 v12, v11;
	_ =	sdelay $0x1  }
0x308: {  	v13 =	vmov s0;
	v14 =	vadd.s32 s0, v8;
	s0 =	smov.u32 s10;
	v12 =	vtrunc.f32 v12  }
0x309: {  	v15 =	vand.u32 $0x7F, v14;
	v16 =	vshll.u32 v14, $0x3;
	v12 =	vcvt.f32.s32 v12  }
0x30a: {  	vm1 =	vlt.u32 v13, v9;
	v13 =	vand.u32 $0xC00, v16;
	v15 =	vor.u32 v3, v15  }
0x30b: {  	v13 =	vor.u32 v13, v15;
	v12 =	vcvt.s32.f32 v12;
	_ =	sdelay $0x1  }
.Ltmp13:
0x30c: {  	v14 =	vcvt.s32.f32 v14;
	v12 =	vmax.f32 v12, $0.0e+00;
	(pc) =	sbr.rel @p1 .LBB2_27-.Ltmp13, $4  }
0x30d: {  	v12 =	vmin.f32 v12, $2.550000000e+02  }
0x30e: {  	v12 =	vsel vm0, v14, v12  }
0x30f: {  	s8 =	sadd.s32 $0x10, s8;
	[tilespmem:v13+s24+$0x0] =	vst.idx.msk vm1, v12  }
0x310: {  	s10 =	sadd.s32 $0x10, s10;
	v12 =	vld [tilespmem:s8+$0x0]  }
0x311: {  	_ =	sdelay $0x3  }
0x312: {  	v10 =	vadd.f32 v10, v12;
	_ =	sdelay $0x1  }
0x313: {  	v10 =	vmul.f32 v10, v11  }
0x314: {  	v53 =	vadd.s32 s0, v8  }
0x315: {  	v13 =	vand.u32 $0x7F, v53;
	v10 =	vtrunc.f32 v10  }
0x316: {  	v14 =	vshll.u32 v53, $0x3;
	v11 =	vmov s0;
	v10 =	vcvt.f32.s32 v10  }
0x317: {  	v13 =	vor.u32 v3, v13;
	vm1 =	vlt.u32 v11, v9;
	v11 =	vand.u32 $0xC00, v14  }
0x318: {  	v11 =	vor.u32 v11, v13;
	v10 =	vcvt.s32.f32 v10;
	_ =	sdelay $0x1  }
0x319: {  	v12 =	vcvt.s32.f32 v53;
	v10 =	vmax.f32 v10, $0.0e+00  }
0x31a: {  	v10 =	vmin.f32 v10, $2.550000000e+02  }
0x31b: {  	v10 =	vsel vm0, v12, v10  }
0x31c: {  	s10 =	rddreg [dreg:$0x9];
	[tilespmem:v11+s24+$0x0] =	vst.idx.msk vm1, v10  }
0x31d: {  	v10 =	vld [tilespmem:s10+$0x12A00];
	_ =	sdelay $0x3  }
0x31e: {  	vm15 =	veq.s32 v1, $0x0;
	s20 =	simm.s32 $0x0  }
0x31f: {  	s8 =	sand.u32 $0x70, s20;
	s0 =	sand.u32 $0x400, s20;
	v10 =	vsel vm15, $0x0, v10  }
0x320: {  	s0 =	sor.u32 s8, s0;
	[tilespmem:s10+$0x12A00] =	vst v10  }
0x321: {  	v10 =	vld.idx.msk [tilespmem:v0+s0+$0x13A00 ss:$0x1], $0xffff;
	_ =	sdelay $0x4  }
0x322: {  	v11 =	vbroadcast v10, $0x0  }
0x323: {  	s0 =	simm.s32 $0x14280;
	v54 =	vbroadcast v10, $0x1  }
0x324: {  	v55 =	vbroadcast v10, $0x2;
	[tilespmem:s0+$0xFFFFFF80] =	vst v11  }
0x325: {  	v56 =	vbroadcast v10, $0x4;
	[tilespmem:s0+$0xFFFFFF90] =	vst v54  }
0x326: {  	v57 =	vbroadcast v10, $0x5;
	[tilespmem:s0+$0xFFFFFFA0] =	vst v55  }
0x327: {  	v58 =	vbroadcast v10, $0x7;
	[tilespmem:s0+$0xFFFFFFC0] =	vst v56  }
0x328: {  	v59 =	vbroadcast v10, $0x8;
	[tilespmem:s0+$0xFFFFFFD0] =	vst v57  }
0x329: {  	v60 =	vbroadcast v10, $0xA;
	[tilespmem:s0+$0xFFFFFFF0] =	vst v58  }
0x32a: {  	v11 =	vbroadcast v10, $0x3;
	[tilespmem:s0+$0x0] =	vst v59  }
0x32b: {  	v61 =	vbroadcast v10, $0xB;
	[tilespmem:s0+$0x20] =	vst v60  }
0x32c: {  	[tilespmem:s0+$0xFFFFFFB0] =	vst v11;
	v11 =	vbroadcast v10, $0x6  }
0x32d: {  	v62 =	vbroadcast v10, $0xD;
	[tilespmem:s0+$0x30] =	vst v61  }
0x32e: {  	[tilespmem:s0+$0xFFFFFFE0] =	vst v11;
	v11 =	vbroadcast v10, $0x9  }
0x32f: {  	v63 =	vbroadcast v10, $0xE;
	[tilespmem:s0+$0x50] =	vst v62  }
0x330: {  	[tilespmem:s0+$0x10] =	vst v11;
	v11 =	vbroadcast v10, $0xC  }
0x331: {  	s21 =	simm.s32 $0x10;
	s8 =	simm.s32 $0x80;
	[tilespmem:s0+$0x60] =	vst v63;
	v10 =	vbroadcast v10, $0xF  }
0x332: {  	s12 =	sand.u32 $0x70, s21;
	s14 =	sand.u32 $0x400, s8;
	s10 =	simm.s32 $0x20;
	[tilespmem:s0+$0x40] =	vst v11  }
.LBB2_29:
0x333: {  	p1 =	sne.s32 s10, $0xF0;
	s11 =	sor.u32 s12, s14;
	[tilespmem:s0+$0x70] =	vst v10  }
0x334: {  	v10 =	vld.idx.msk [tilespmem:v0+s11+$0x13A00 ss:$0x1], $0xffff;
	_ =	sdelay $0x5  }
0x335: {  	v11 =	vbroadcast v10, $0x0;
	v12 =	vbroadcast v10, $0x1  }
0x336: {  	s0 =	sadd.s32 $0x100, s0;
	v13 =	vbroadcast v10, $0x2;
	v14 =	vbroadcast v10, $0x3  }
0x337: {  	v15 =	vbroadcast v10, $0x5;
	[tilespmem:s0+$0xFFFFFF80] =	vst v11;
	v11 =	vbroadcast v10, $0x4  }
0x338: {  	v16 =	vbroadcast v10, $0x7;
	[tilespmem:s0+$0xFFFFFF90] =	vst v12;
	v12 =	vbroadcast v10, $0x6  }
0x339: {  	v17 =	vbroadcast v10, $0x9;
	[tilespmem:s0+$0xFFFFFFA0] =	vst v13;
	v13 =	vbroadcast v10, $0x8  }
0x33a: {  	v18 =	vbroadcast v10, $0xB;
	[tilespmem:s0+$0xFFFFFFB0] =	vst v14;
	v14 =	vbroadcast v10, $0xA  }
0x33b: {  	v19 =	vbroadcast v10, $0xD;
	[tilespmem:s0+$0xFFFFFFC0] =	vst v11;
	v11 =	vbroadcast v10, $0xC  }
0x33c: {  	[tilespmem:s0+$0xFFFFFFD0] =	vst v15;
	v15 =	vbroadcast v10, $0xE;
	v10 =	vbroadcast v10, $0xF  }
0x33d: {  	[tilespmem:s0+$0xFFFFFFE0] =	vst v12  }
0x33e: {  	[tilespmem:s0+$0xFFFFFFF0] =	vst v16  }
0x33f: {  	[tilespmem:s0+$0x0] =	vst v13  }
0x340: {  	[tilespmem:s0+$0x10] =	vst v17  }
.Ltmp14:
0x341: {  	[tilespmem:s0+$0x20] =	vst v14;
	(pc) =	sbr.rel @p1 .LBB2_29-.Ltmp14, $4  }
0x342: {  	[tilespmem:s0+$0x30] =	vst v18  }
0x343: {  	[tilespmem:s0+$0x40] =	vst v11  }
0x344: {  	s8 =	sadd.s32 $0x80, s8;
	[tilespmem:s0+$0x50] =	vst v19  }
0x345: {  	s12 =	sand.u32 $0x70, s10;
	s10 =	sadd.s32 $0x10, s10;
	s14 =	sand.u32 $0x400, s8;
	[tilespmem:s0+$0x60] =	vst v15  }
0x346: {  	_ =	sdelay $0x2  }
0x347: {  	s8 =	sor.u32 s12, s14;
	[tilespmem:s0+$0x70] =	vst v10  }
0x348: {  	v10 =	vld.idx.msk [tilespmem:v0+s8+$0x13A00 ss:$0x1], $0xffff;
	_ =	sdelay $0x4  }
0x349: {  	v11 =	vbroadcast v10, $0x0  }
0x34a: {  	s20 =	sadd.s32 $0x100, s0;
	v12 =	vbroadcast v10, $0x1  }
0x34b: {  	v13 =	vbroadcast v10, $0x2;
	[tilespmem:s20+$0xFFFFFF80] =	vst v11  }
0x34c: {  	v56 =	vbroadcast v10, $0x4;
	[tilespmem:s20+$0xFFFFFF90] =	vst v12  }
0x34d: {  	v57 =	vbroadcast v10, $0x5;
	[tilespmem:s20+$0xFFFFFFA0] =	vst v13  }
0x34e: {  	v58 =	vbroadcast v10, $0x7;
	[tilespmem:s20+$0xFFFFFFC0] =	vst v56  }
0x34f: {  	v59 =	vbroadcast v10, $0x8;
	[tilespmem:s20+$0xFFFFFFD0] =	vst v57  }
0x350: {  	v60 =	vbroadcast v10, $0xA;
	[tilespmem:s20+$0xFFFFFFF0] =	vst v58  }
0x351: {  	v11 =	vbroadcast v10, $0x3;
	[tilespmem:s20+$0x0] =	vst v59  }
0x352: {  	v61 =	vbroadcast v10, $0xB;
	[tilespmem:s20+$0x20] =	vst v60  }
0x353: {  	[tilespmem:s20+$0xFFFFFFB0] =	vst v11;
	v11 =	vbroadcast v10, $0x6  }
0x354: {  	v62 =	vbroadcast v10, $0xD;
	[tilespmem:s20+$0x30] =	vst v61  }
0x355: {  	[tilespmem:s20+$0xFFFFFFE0] =	vst v11;
	v11 =	vbroadcast v10, $0x9  }
0x356: {  	v63 =	vbroadcast v10, $0xE;
	[tilespmem:s20+$0x50] =	vst v62  }
0x357: {  	[tilespmem:s20+$0x10] =	vst v11;
	v11 =	vbroadcast v10, $0xC  }
0x358: {  	[tilespmem:s20+$0x60] =	vst v63;
	v10 =	vbroadcast v10, $0xF  }
0x359: {  	[tilespmem:s20+$0x40] =	vst v11  }
0x35a: {  	s21 =	rddreg [dreg:$0xc];
	[tilespmem:s20+$0x70] =	vst v10  }
0x35b: {  	[spmem:s21] =	stream.linear.scatter [tilespmem:s16], [sflag:$0x7], $0x1000, $0x38;
	[tilespmem:$0x19200] =	vst v63  }
0x35c: {  	_ =	swait.ge [sflag:s22], $0x1000  }
0x35d: {  	[sflag:s22] =	ssyncset.done $0x0  }
0x35e: {  	[sflag:s22] =	ssyncadd.s32 $0xFFFFF000  }
.LBB2_31:
0x35f: {  	[bflag:$0x0] =	sbarrier.arrive $0xFFFF  }
0x360: {  	s20 =	simm.s32 $0x0;
	s0 =	rddreg [dreg:$0x5]  }
0x361: {  	[tilespmem:s20], [sflag:$0x1] =	stream.linear.gather [hbm4b:s0+s20], $0x4000, $0x38;
	[tilespmem:$0x19200] =	vst v63  }
0x362: {  	s21 =	simm.s32 $0x0  }
0x363: {  	[tilespmem:s16], [sflag:$0x5] =	stream.linear.gather [spmem:s3], $0x1000, $0x38;
	[tilespmem:$0x19200] =	vst v63  }
.LBB2_32:
0x364: {  	s0 =	sshllo.u32 s21, $0x1  }
0x365: {  	s8 =	sadd.s32 s7, s0  }
0x366: {  	s8 =	sshll.u32 s8, $0x12  }
0x367: {  	s8 =	sor.u32 s6, s8  }
0x368: {  	s0 =	sshll.u32 s0, $0xC;
	s14 =	sshrl.u32 s8, $0x3  }
0x369: {  	s0 =	sand.u32 $0x3FFFF000, s0;
	s8 =	sadd.s32 s1, s14  }
0x36a: {  	[tilespmem:s25], [sflag:$0x2] =	stream.linear.gather [hbm4b:s8+s5], $0x4000, $0x38;
	[tilespmem:$0x19200] =	vst v63  }
0x36b: {  	s0 =	sadd.s32 s0, s3  }
0x36c: {  	[tilespmem:s4], [sflag:$0x6] =	stream.linear.gather [spmem:s0], $0x1000, $0x38;
	[tilespmem:$0x19200] =	vst v63  }
0x36d: {  	_ =	swait.ge [sflag:s26], $0x4000  }
0x36e: {  	[sflag:s26] =	ssyncset.done $0x0  }
0x36f: {  	[sflag:s26] =	ssyncadd.s32 $0xFFFFC000  }
0x370: {  	_ =	swait.ge [sflag:s17], $0x1000  }
0x371: {  	p1 =	seq.s32 s21, $0x0;
	s18 =	simm.s32 $0x0;
	[sflag:s17] =	ssyncset.done $0x0  }
0x372: {  	s10 =	sand.u32 $0x800, s20;
	s0 =	simm.s32 @!p1 $0x3;
	[sflag:s17] =	ssyncadd.s32 $0xFFFFF000  }
0x373: {  	s11 =	simm.s32 $0x0;
	s8 =	sand.u32 $0x3000, s18;
	_ =	swait.ge @!p1 [sflag:s0], $0x4000  }
0x374: {  	s19 =	sand.u32 $0x380, s11;
	s8 =	sor.u32 s10, s8;
	[sflag:s0] =	ssyncset.done @!p1 $0x0  }
0x375: {  	s12 =	sor.u32 s19, s8;
	[sflag:s0] =	ssyncadd.s32 @!p1 $0xFFFFC000  }
0x376: {  	v10 =	vld [tilespmem:s12+$0x470]  }
0x377: {  	v11 =	vld [tilespmem:s12+$0x0]  }
0x378: {  	v12 =	vld [tilespmem:s12+$0x10]  }
0x379: {  	v13 =	vld [tilespmem:s12+$0x20]  }
0x37a: {  	v14 =	vld [tilespmem:s12+$0x30]  }
0x37b: {  	v15 =	vld [tilespmem:s12+$0x40]  }
0x37c: {  	v16 =	vld [tilespmem:s12+$0x50]  }
0x37d: {  	v17 =	vld [tilespmem:s12+$0x60]  }
0x37e: {  	v18 =	vld [tilespmem:s12+$0x70]  }
0x37f: {  	v19 =	vld [tilespmem:s12+$0x400]  }
0x380: {  	v20 =	vld [tilespmem:s12+$0x410];
	v10 =	vshll.u32 v10, $0x4  }
0x381: {  	v21 =	vld [tilespmem:s12+$0x420];
	v11 =	vshll.u32 v11, $0x4;
	v10 =	vor.u32 v1, v10  }
0x382: {  	v22 =	vld [tilespmem:s12+$0x430];
	v12 =	vshll.u32 v12, $0x4;
	v11 =	vor.u32 v1, v11  }
0x383: {  	v23 =	vld [tilespmem:s12+$0x440];
	v13 =	vshll.u32 v13, $0x4;
	v12 =	vor.u32 v1, v12  }
0x384: {  	v24 =	vld [tilespmem:s12+$0x450];
	v15 =	vshll.u32 v15, $0x4;
	v13 =	vor.u32 v1, v13  }
0x385: {  	v25 =	vld [tilespmem:s12+$0x460];
	v14 =	vshll.u32 v14, $0x4;
	v15 =	vor.u32 v1, v15  }
0x386: {  	v16 =	vshll.u32 v16, $0x4;
	v14 =	vor.u32 v1, v14;
	v10 =	vld.idx.msk [tilespmem:v10+s16+$0x0], $0xffff  }
0x387: {  	v17 =	vshll.u32 v17, $0x4;
	v16 =	vor.u32 v1, v16;
	v11 =	vld.idx.msk [tilespmem:v11+s16+$0x0], $0xffff  }
0x388: {  	v18 =	vshll.u32 v18, $0x4;
	v17 =	vor.u32 v1, v17;
	v26 =	vld.idx.msk [tilespmem:v12+s16+$0x0], $0xffff  }
0x389: {  	v27 =	vor.u32 v1, v18;
	v12 =	vshll.u32 v19, $0x4;
	v13 =	vld.idx.msk [tilespmem:v13+s16+$0x0], $0xffff  }
0x38a: {  	v18 =	vld.idx.msk [tilespmem:v15+s16+$0x0], $0xffff;
	v19 =	vor.u32 v1, v12;
	v12 =	vshll.u32 v20, $0x4  }
0x38b: {  	v20 =	vld.idx.msk [tilespmem:v14+s16+$0x0], $0xffff;
	v28 =	vor.u32 v1, v12;
	[tilespmem:s12+$0x8470] =	vst v10;
	v10 =	vshll.u32 v21, $0x4  }
0x38c: {  	v16 =	vld.idx.msk [tilespmem:v16+s16+$0x0], $0xffff;
	v14 =	vshll.u32 v22, $0x4;
	v12 =	vor.u32 v1, v10  }
0x38d: {  	v15 =	vld.idx.msk [tilespmem:v17+s16+$0x0], $0xffff;
	[tilespmem:s12+$0x8000] =	vst v11;
	v11 =	vshll.u32 v23, $0x4;
	v10 =	vor.u32 v1, v14  }
0x38e: {  	v17 =	vld.idx.msk [tilespmem:v27+s16+$0x0], $0xffff;
	[tilespmem:s12+$0x8010] =	vst v26;
	v11 =	vor.u32 v1, v11;
	v14 =	vshll.u32 v24, $0x4  }
0x38f: {  	s8 =	sshll.u32 s21, $0x1;
	v21 =	vshll.u32 v25, $0x4;
	[tilespmem:s12+$0x8020] =	vst v13;
	v19 =	vld.idx.msk [tilespmem:v19+s16+$0x0], $0xffff;
	v14 =	vor.u32 v1, v14  }
0x390: {  	s18 =	simm.s32 $0x0;
	s10 =	simm.s32 $0x0;
	s15 =	sadd.s32 s7, s8;
	v13 =	vor.u32 v1, v21;
	[tilespmem:s12+$0x8030] =	vst v20;
	v20 =	vld.idx.msk [tilespmem:v28+s16+$0x0], $0xffff  }
.LBB2_33:
0x391: {  	s10 =	sadd.s32 $0x10, s10;
	[tilespmem:s12+$0x8040] =	vst v18;
	v12 =	vld.idx.msk [tilespmem:v12+s16+$0x0], $0xffff  }
0x392: {  	s18 =	sadd.s32 $0x800, s18;
	s0 =	sshll.u32 s10, $0x4;
	p2 =	slt.u32 s10, $0x3F0;
	[tilespmem:s12+$0x8050] =	vst v16;
	v10 =	vld.idx.msk [tilespmem:v10+s16+$0x0], $0xffff  }
0x393: {  	s11 =	sand.u32 $0x800, s18;
	s19 =	sshll.u32 s10, $0x2;
	s0 =	sand.u32 $0x3000, s0;
	[tilespmem:s12+$0x8060] =	vst v15;
	v11 =	vld.idx.msk [tilespmem:v11+s16+$0x0], $0xffff  }
0x394: {  	s0 =	sor.u32 s11, s0;
	s11 =	sand.u32 $0x380, s19;
	[tilespmem:s12+$0x8070] =	vst v17;
	v14 =	vld.idx.msk [tilespmem:v14+s16+$0x0], $0xffff  }
0x395: {  	s0 =	sor.u32 s11, s0;
	[tilespmem:s12+$0x8400] =	vst v19;
	v13 =	vld.idx.msk [tilespmem:v13+s16+$0x0], $0xffff  }
0x396: {  	v15 =	vld [tilespmem:s0+$0x470];
	[tilespmem:s12+$0x8410] =	vst v20  }
0x397: {  	v16 =	vld [tilespmem:s0+$0x0];
	[tilespmem:s12+$0x8420] =	vst v12  }
0x398: {  	v12 =	vld [tilespmem:s0+$0x10];
	[tilespmem:s12+$0x8430] =	vst v10  }
0x399: {  	v10 =	vld [tilespmem:s0+$0x20];
	[tilespmem:s12+$0x8440] =	vst v11  }
0x39a: {  	v11 =	vld [tilespmem:s0+$0x30];
	[tilespmem:s12+$0x8450] =	vst v14  }
0x39b: {  	v14 =	vld [tilespmem:s0+$0x40];
	v15 =	vshll.u32 v15, $0x4;
	[tilespmem:s12+$0x8460] =	vst v13;
	s12 =	smov.u32 s0  }
0x39c: {  	v13 =	vshll.u32 v16, $0x4;
	v16 =	vld [tilespmem:s12+$0x50];
	v15 =	vor.u32 v1, v15  }
0x39d: {  	v13 =	vor.u32 v1, v13;
	v12 =	vshll.u32 v12, $0x4;
	v17 =	vld [tilespmem:s12+$0x60]  }
0x39e: {  	v12 =	vor.u32 v1, v12;
	v10 =	vshll.u32 v10, $0x4;
	v18 =	vld [tilespmem:s12+$0x70]  }
0x39f: {  	v10 =	vor.u32 v1, v10;
	v11 =	vshll.u32 v11, $0x4;
	v19 =	vld [tilespmem:s12+$0x400]  }
0x3a0: {  	v11 =	vor.u32 v1, v11;
	v14 =	vshll.u32 v14, $0x4;
	v20 =	vld [tilespmem:s12+$0x410]  }
0x3a1: {  	v14 =	vor.u32 v1, v14;
	v16 =	vshll.u32 v16, $0x4;
	v15 =	vld.idx.msk [tilespmem:v15+s16+$0x0], $0xffff  }
0x3a2: {  	v16 =	vor.u32 v1, v16;
	v17 =	vshll.u32 v17, $0x4;
	v21 =	vld [tilespmem:s12+$0x420]  }
0x3a3: {  	v17 =	vor.u32 v1, v17;
	v18 =	vshll.u32 v18, $0x4;
	v22 =	vld [tilespmem:s12+$0x430]  }
0x3a4: {  	v23 =	vor.u32 v1, v18;
	v18 =	vshll.u32 v19, $0x4;
	v19 =	vld [tilespmem:s12+$0x440]  }
0x3a5: {  	v24 =	vor.u32 v1, v18;
	v18 =	vshll.u32 v20, $0x4;
	v20 =	vld [tilespmem:s12+$0x450]  }
0x3a6: {  	v25 =	vor.u32 v1, v18;
	v26 =	vld [tilespmem:s12+$0x460]  }
0x3a7: {  	v27 =	vld.idx.msk [tilespmem:v13+s16+$0x0], $0xffff;
	v13 =	vshll.u32 v21, $0x4;
	[tilespmem:s12+$0x8470] =	vst v15  }
0x3a8: {  	v21 =	vld.idx.msk [tilespmem:v12+s16+$0x0], $0xffff;
	v12 =	vor.u32 v1, v13;
	v13 =	vshll.u32 v22, $0x4  }
0x3a9: {  	v22 =	vld.idx.msk [tilespmem:v10+s16+$0x0], $0xffff;
	v10 =	vor.u32 v1, v13;
	v13 =	vshll.u32 v19, $0x4  }
0x3aa: {  	v28 =	vld.idx.msk [tilespmem:v11+s16+$0x0], $0xffff;
	v11 =	vor.u32 v1, v13;
	v13 =	vshll.u32 v20, $0x4  }
0x3ab: {  	v18 =	vld.idx.msk [tilespmem:v14+s16+$0x0], $0xffff;
	v14 =	vor.u32 v1, v13;
	v13 =	vshll.u32 v26, $0x4  }
.Ltmp15:
0x3ac: {  	v16 =	vld.idx.msk [tilespmem:v16+s16+$0x0], $0xffff;
	v13 =	vor.u32 v1, v13;
	(pc) =	sbr.rel @p2 .LBB2_33-.Ltmp15, $4  }
0x3ad: {  	[tilespmem:s12+$0x8000] =	vst v27;
	v15 =	vld.idx.msk [tilespmem:v17+s16+$0x0], $0xffff  }
0x3ae: {  	[tilespmem:s12+$0x8010] =	vst v21;
	v17 =	vld.idx.msk [tilespmem:v23+s16+$0x0], $0xffff  }
0x3af: {  	[tilespmem:s12+$0x8020] =	vst v22;
	v19 =	vld.idx.msk [tilespmem:v24+s16+$0x0], $0xffff  }
0x3b0: {  	[tilespmem:s12+$0x8030] =	vst v28;
	v20 =	vld.idx.msk [tilespmem:v25+s16+$0x0], $0xffff  }
0x3b1: {  	_ =	sdelay $0x2  }
0x3b2: {  	[tilespmem:s12+$0x8040] =	vst v18  }
0x3b3: {  	v12 =	vld.idx.msk [tilespmem:v12+s16+$0x0], $0xffff;
	[tilespmem:s12+$0x8050] =	vst v16  }
0x3b4: {  	v10 =	vld.idx.msk [tilespmem:v10+s16+$0x0], $0xffff;
	[tilespmem:s12+$0x8060] =	vst v15  }
0x3b5: {  	v11 =	vld.idx.msk [tilespmem:v11+s16+$0x0], $0xffff;
	[tilespmem:s12+$0x8070] =	vst v17  }
0x3b6: {  	v14 =	vld.idx.msk [tilespmem:v14+s16+$0x0], $0xffff;
	[tilespmem:s12+$0x8400] =	vst v19  }
0x3b7: {  	v13 =	vld.idx.msk [tilespmem:v13+s16+$0x0], $0xffff;
	[tilespmem:s12+$0x8410] =	vst v20  }
0x3b8: {  	[tilespmem:s12+$0x8420] =	vst v12  }
0x3b9: {  	s0 =	sshll.u32 s15, $0x12;
	[tilespmem:s12+$0x8430] =	vst v10  }
0x3ba: {  	s0 =	sor.u32 s6, s0;
	[tilespmem:s12+$0x8440] =	vst v11  }
0x3bb: {  	s0 =	sshrl.u32 s0, $0x3;
	[tilespmem:s12+$0x8450] =	vst v14  }
0x3bc: {  	p2 =	seq.s32 s21, $0xB;
	s0 =	sadd.s32 s2, s0;
	[tilespmem:s12+$0x8460] =	vst v13  }
0x3bd: {  	[hbm4b:s0+s5] =	stream.linear.scatter [tilespmem:s30], [sflag:$0x3], $0x4000, $0x38;
	[tilespmem:$0x19200] =	vst v63  }
0x3be: {  	s0 =	sadd.s32 @!p2 $0x2, s8  }
0x3bf: {  	s8 =	sadd.s32 @!p2 s7, s0  }
0x3c0: {  	s8 =	sshll.u32 @!p2 s8, $0x12  }
0x3c1: {  	s8 =	sor.u32 @!p2 s6, s8  }
0x3c2: {  	s0 =	sshll.u32 @!p2 s0, $0xC;
	s8 =	sshrl.u32 @!p2 s8, $0x3  }
0x3c3: {  	s10 =	simm.s32 @!p2 $0x0;
	s0 =	sand.u32 @!p2 $0x3FFFF000, s0;
	s8 =	sadd.s32 @!p2 s1, s8  }
0x3c4: {  	[tilespmem:s10], [sflag:$0x1] =	stream.linear.gather @!p2 [hbm4b:s8+s10], $0x4000, $0x38;
	[tilespmem:$0x19200] =	vst v63  }
0x3c5: {  	s0 =	sadd.s32 @!p2 s0, s3;
	s8 =	simm.s32 @!p2 $0x14200  }
0x3c6: {  	[tilespmem:s8], [sflag:$0x5] =	stream.linear.gather @!p2 [spmem:s0], $0x1000, $0x38;
	[tilespmem:$0x19200] =	vst v63  }
0x3c7: {  	_ =	swait.ge [sflag:s29], $0x4000  }
0x3c8: {  	[sflag:s29] =	ssyncset.done $0x0  }
0x3c9: {  	[sflag:s29] =	ssyncadd.s32 $0xFFFFC000  }
0x3ca: {  	_ =	swait.ge [sflag:s23], $0x1000  }
0x3cb: {  	s15 =	simm.s32 $0x0;
	s11 =	simm.s32 $0x0;
	[sflag:s23] =	ssyncset.done $0x0  }
0x3cc: {  	s12 =	simm.s32 $0x0;
	s0 =	simm.s32 @!p1 $0x4;
	[sflag:s23] =	ssyncadd.s32 $0xFFFFF000  }
0x3cd: {  	s18 =	sand.u32 $0x800, s15;
	s8 =	sand.u32 $0x3000, s12;
	_ =	swait.ge @!p1 [sflag:s0], $0x4000  }
0x3ce: {  	s19 =	sand.u32 $0x380, s11;
	s8 =	sor.u32 s18, s8;
	[sflag:s0] =	ssyncset.done @!p1 $0x0  }
0x3cf: {  	s12 =	sor.u32 s19, s8;
	[sflag:s0] =	ssyncadd.s32 @!p1 $0xFFFFC000  }
0x3d0: {  	v10 =	vld [tilespmem:s12+$0x4470]  }
0x3d1: {  	v11 =	vld [tilespmem:s12+$0x4000]  }
0x3d2: {  	v12 =	vld [tilespmem:s12+$0x4010]  }
0x3d3: {  	v13 =	vld [tilespmem:s12+$0x4020]  }
0x3d4: {  	v14 =	vld [tilespmem:s12+$0x4030]  }
0x3d5: {  	v15 =	vld [tilespmem:s12+$0x4040]  }
0x3d6: {  	v16 =	vld [tilespmem:s12+$0x4050]  }
0x3d7: {  	v17 =	vld [tilespmem:s12+$0x4060]  }
0x3d8: {  	v18 =	vld [tilespmem:s12+$0x4070]  }
0x3d9: {  	v19 =	vld [tilespmem:s12+$0x4400]  }
0x3da: {  	v20 =	vld [tilespmem:s12+$0x4410];
	v10 =	vshll.u32 v10, $0x4  }
0x3db: {  	v21 =	vld [tilespmem:s12+$0x4420];
	v11 =	vshll.u32 v11, $0x4;
	v10 =	vor.u32 v1, v10  }
0x3dc: {  	v22 =	vld [tilespmem:s12+$0x4430];
	v12 =	vshll.u32 v12, $0x4;
	v11 =	vor.u32 v1, v11  }
0x3dd: {  	v23 =	vld [tilespmem:s12+$0x4440];
	v13 =	vshll.u32 v13, $0x4;
	v12 =	vor.u32 v1, v12  }
0x3de: {  	v24 =	vld [tilespmem:s12+$0x4450];
	v14 =	vshll.u32 v14, $0x4;
	v13 =	vor.u32 v1, v13  }
0x3df: {  	v25 =	vld [tilespmem:s12+$0x4460];
	v15 =	vshll.u32 v15, $0x4;
	v14 =	vor.u32 v1, v14  }
0x3e0: {  	v16 =	vshll.u32 v16, $0x4;
	v15 =	vor.u32 v1, v15;
	v10 =	vld.idx.msk [tilespmem:v10+s4+$0x0], $0xffff  }
0x3e1: {  	v17 =	vshll.u32 v17, $0x4;
	v16 =	vor.u32 v1, v16;
	v11 =	vld.idx.msk [tilespmem:v11+s4+$0x0], $0xffff  }
0x3e2: {  	v18 =	vshll.u32 v18, $0x4;
	v17 =	vor.u32 v1, v17;
	v12 =	vld.idx.msk [tilespmem:v12+s4+$0x0], $0xffff  }
0x3e3: {  	v26 =	vor.u32 v1, v18;
	v18 =	vshll.u32 v19, $0x4;
	v19 =	vld.idx.msk [tilespmem:v13+s4+$0x0], $0xffff  }
0x3e4: {  	v27 =	vor.u32 v1, v18;
	v13 =	vshll.u32 v20, $0x4;
	v20 =	vld.idx.msk [tilespmem:v14+s4+$0x0], $0xffff  }
0x3e5: {  	v18 =	vld.idx.msk [tilespmem:v15+s4+$0x0], $0xffff;
	v28 =	vor.u32 v1, v13;
	[tilespmem:s12+$0xC470] =	vst v10;
	v10 =	vshll.u32 v21, $0x4  }
0x3e6: {  	v16 =	vld.idx.msk [tilespmem:v16+s4+$0x0], $0xffff;
	v14 =	vshll.u32 v22, $0x4;
	v13 =	vor.u32 v1, v10  }
0x3e7: {  	v15 =	vld.idx.msk [tilespmem:v17+s4+$0x0], $0xffff;
	[tilespmem:s12+$0xC000] =	vst v11;
	v11 =	vor.u32 v1, v14;
	v10 =	vshll.u32 v23, $0x4  }
0x3e8: {  	v17 =	vld.idx.msk [tilespmem:v26+s4+$0x0], $0xffff;
	[tilespmem:s12+$0xC010] =	vst v12;
	v12 =	vshll.u32 v24, $0x4;
	v10 =	vor.u32 v1, v10  }
0x3e9: {  	v21 =	vshll.u32 v25, $0x4;
	[tilespmem:s12+$0xC020] =	vst v19;
	v19 =	vld.idx.msk [tilespmem:v27+s4+$0x0], $0xffff;
	v14 =	vor.u32 v1, v12  }
0x3ea: {  	s8 =	simm.s32 $0x0;
	[tilespmem:s12+$0xC030] =	vst v20;
	v12 =	vor.u32 v1, v21;
	v20 =	vld.idx.msk [tilespmem:v28+s4+$0x0], $0xffff  }
.LBB2_35:
0x3eb: {  	s8 =	sadd.s32 $0x10, s8;
	[tilespmem:s12+$0xC040] =	vst v18;
	v13 =	vld.idx.msk [tilespmem:v13+s4+$0x0], $0xffff  }
0x3ec: {  	s15 =	sadd.s32 $0x800, s15;
	s0 =	sshll.u32 s8, $0x4;
	p1 =	slt.u32 s8, $0x3F0;
	[tilespmem:s12+$0xC050] =	vst v16;
	v11 =	vld.idx.msk [tilespmem:v11+s4+$0x0], $0xffff  }
0x3ed: {  	s10 =	sand.u32 $0x800, s15;
	s11 =	sshll.u32 s8, $0x2;
	s0 =	sand.u32 $0x3000, s0;
	[tilespmem:s12+$0xC060] =	vst v15;
	v10 =	vld.idx.msk [tilespmem:v10+s4+$0x0], $0xffff  }
0x3ee: {  	s0 =	sor.u32 s10, s0;
	s10 =	sand.u32 $0x380, s11;
	[tilespmem:s12+$0xC070] =	vst v17;
	v14 =	vld.idx.msk [tilespmem:v14+s4+$0x0], $0xffff  }
0x3ef: {  	s0 =	sor.u32 s10, s0;
	[tilespmem:s12+$0xC400] =	vst v19;
	v12 =	vld.idx.msk [tilespmem:v12+s4+$0x0], $0xffff  }
0x3f0: {  	v15 =	vld [tilespmem:s0+$0x4470];
	[tilespmem:s12+$0xC410] =	vst v20  }
0x3f1: {  	v16 =	vld [tilespmem:s0+$0x4000];
	[tilespmem:s12+$0xC420] =	vst v13  }
0x3f2: {  	v13 =	vld [tilespmem:s0+$0x4010];
	[tilespmem:s12+$0xC430] =	vst v11  }
0x3f3: {  	v11 =	vld [tilespmem:s0+$0x4020];
	[tilespmem:s12+$0xC440] =	vst v10  }
0x3f4: {  	v10 =	vld [tilespmem:s0+$0x4030];
	[tilespmem:s12+$0xC450] =	vst v14  }
0x3f5: {  	v14 =	vld [tilespmem:s0+$0x4040];
	v15 =	vshll.u32 v15, $0x4;
	[tilespmem:s12+$0xC460] =	vst v12;
	s12 =	smov.u32 s0  }
0x3f6: {  	v12 =	vshll.u32 v16, $0x4;
	v16 =	vld [tilespmem:s12+$0x4050];
	v15 =	vor.u32 v1, v15  }
0x3f7: {  	v12 =	vor.u32 v1, v12;
	v13 =	vshll.u32 v13, $0x4;
	v17 =	vld [tilespmem:s12+$0x4060]  }
0x3f8: {  	v13 =	vor.u32 v1, v13;
	v11 =	vshll.u32 v11, $0x4;
	v18 =	vld [tilespmem:s12+$0x4070]  }
0x3f9: {  	v11 =	vor.u32 v1, v11;
	v10 =	vshll.u32 v10, $0x4;
	v19 =	vld [tilespmem:s12+$0x4400]  }
0x3fa: {  	v10 =	vor.u32 v1, v10;
	v14 =	vshll.u32 v14, $0x4;
	v20 =	vld [tilespmem:s12+$0x4410]  }
0x3fb: {  	v14 =	vor.u32 v1, v14;
	v16 =	vshll.u32 v16, $0x4;
	v15 =	vld.idx.msk [tilespmem:v15+s4+$0x0], $0xffff  }
0x3fc: {  	v16 =	vor.u32 v1, v16;
	v17 =	vshll.u32 v17, $0x4;
	v21 =	vld [tilespmem:s12+$0x4420]  }
0x3fd: {  	v17 =	vor.u32 v1, v17;
	v18 =	vshll.u32 v18, $0x4;
	v22 =	vld [tilespmem:s12+$0x4430]  }
0x3fe: {  	v23 =	vor.u32 v1, v18;
	v18 =	vshll.u32 v19, $0x4;
	v19 =	vld [tilespmem:s12+$0x4440]  }
0x3ff: {  	v24 =	vor.u32 v1, v18;
	v18 =	vshll.u32 v20, $0x4;
	v20 =	vld [tilespmem:s12+$0x4450]  }
0x400: {  	v25 =	vor.u32 v1, v18;
	v26 =	vld [tilespmem:s12+$0x4460]  }
0x401: {  	v27 =	vld.idx.msk [tilespmem:v12+s4+$0x0], $0xffff;
	v12 =	vshll.u32 v21, $0x4;
	[tilespmem:s12+$0xC470] =	vst v15  }
0x402: {  	v21 =	vld.idx.msk [tilespmem:v13+s4+$0x0], $0xffff;
	v13 =	vor.u32 v1, v12;
	v12 =	vshll.u32 v22, $0x4  }
0x403: {  	v22 =	vld.idx.msk [tilespmem:v11+s4+$0x0], $0xffff;
	v11 =	vor.u32 v1, v12;
	v12 =	vshll.u32 v19, $0x4  }
0x404: {  	v28 =	vld.idx.msk [tilespmem:v10+s4+$0x0], $0xffff;
	v10 =	vor.u32 v1, v12;
	v12 =	vshll.u32 v20, $0x4  }
0x405: {  	v18 =	vld.idx.msk [tilespmem:v14+s4+$0x0], $0xffff;
	v14 =	vor.u32 v1, v12;
	v12 =	vshll.u32 v26, $0x4  }
.Ltmp16:
0x406: {  	v16 =	vld.idx.msk [tilespmem:v16+s4+$0x0], $0xffff;
	v12 =	vor.u32 v1, v12;
	(pc) =	sbr.rel @p1 .LBB2_35-.Ltmp16, $4  }
0x407: {  	[tilespmem:s12+$0xC000] =	vst v27;
	v15 =	vld.idx.msk [tilespmem:v17+s4+$0x0], $0xffff  }
0x408: {  	[tilespmem:s12+$0xC010] =	vst v21;
	v17 =	vld.idx.msk [tilespmem:v23+s4+$0x0], $0xffff  }
0x409: {  	[tilespmem:s12+$0xC020] =	vst v22;
	v19 =	vld.idx.msk [tilespmem:v24+s4+$0x0], $0xffff  }
0x40a: {  	[tilespmem:s12+$0xC030] =	vst v28;
	v20 =	vld.idx.msk [tilespmem:v25+s4+$0x0], $0xffff  }
0x40b: {  	_ =	sdelay $0x2  }
0x40c: {  	[tilespmem:s12+$0xC040] =	vst v18  }
0x40d: {  	v13 =	vld.idx.msk [tilespmem:v13+s4+$0x0], $0xffff;
	[tilespmem:s12+$0xC050] =	vst v16  }
0x40e: {  	v11 =	vld.idx.msk [tilespmem:v11+s4+$0x0], $0xffff;
	[tilespmem:s12+$0xC060] =	vst v15  }
0x40f: {  	v10 =	vld.idx.msk [tilespmem:v10+s4+$0x0], $0xffff;
	[tilespmem:s12+$0xC070] =	vst v17  }
0x410: {  	v14 =	vld.idx.msk [tilespmem:v14+s4+$0x0], $0xffff;
	[tilespmem:s12+$0xC400] =	vst v19  }
0x411: {  	v12 =	vld.idx.msk [tilespmem:v12+s4+$0x0], $0xffff;
	s21 =	sadd.s32 $0x1, s21;
	[tilespmem:s12+$0xC410] =	vst v20  }
0x412: {  	p1 =	sne.s32 s21, $0xC;
	[tilespmem:s12+$0xC420] =	vst v13  }
.Ltmp17:
0x413: {  	[tilespmem:s12+$0xC430] =	vst v11;
	(pc) =	sbr.rel @p1 .LBB2_32-.Ltmp17, $4  }
0x414: {  	[tilespmem:s12+$0xC440] =	vst v10  }
0x415: {  	[tilespmem:s12+$0xC450] =	vst v14  }
0x416: {  	s0 =	sadd.s32 s2, s14;
	[tilespmem:s12+$0xC460] =	vst v12  }
0x417: {  	[hbm4b:s0+s5] =	stream.linear.scatter [tilespmem:s31], [sflag:$0x4], $0x4000, $0x38;
	[tilespmem:$0x19200] =	vst v63  }
0x418: {  	s0 =	simm.s32 $0x3  }
0x419: {  	_ =	swait.ge [sflag:s0], $0x4000  }
0x41a: {  	[sflag:s0] =	ssyncset.done $0x0  }
0x41b: {  	s8 =	simm.s32 $0x4;
	[sflag:s0] =	ssyncadd.s32 $0xFFFFC000  }
0x41c: {  	_ =	swait.ge [sflag:s8], $0x4000  }
0x41d: {  	s10 =	rddreg [dreg:$0x14]  }
0x41e: {  	s31 =	rddreg [dreg:$0xd];
	s10 =	sadd.s32 $0x1, s10  }
0x41f: {  	p1 =	sne.s32 s10, s31  }
.Ltmp18:
0x420: {  	_ = 	snop;
	(pc) =	sbr.rel @p1 .LBB2_1-.Ltmp18, $3  }
0x421: {  	_ =	sdelay $0x1  }
0x422: {  	[sflag:s8] =	ssyncset.done $0x0  }
0x423: {  	[sflag:s8] =	ssyncadd.s32 $0xFFFFC000  }
0x424: {  	_ =	sfence.sel $0x180000  }
0x425: {  	[bflag:$0x0] =	sbarrier.arrive $0xFFFF  }
0x426: {  	_ =	strace $0x90000047  }
0x427: {  	s0 =	stileid.u32;
	[bflag:$0x2] =	sbarrier.arrive $0xFFFF  }
0x428: {  	p0 =	sne.s32 s0, $0x0;
	s0 =	rddreg [dreg:$0x4]  }
0x429: {  	s0 =	sadd.s32 @!p0 $0x100000, s0  }
0x42a: {  	[sflag:s0] =	ssyncadd.tile.s32 @!p0 $0x1;
	_ =	shalt  }
.Lfunc_end2:
_tile_overlayer_lowered:
.L_overlay_start_2:
0x42b: {  	(tag) =	ssettag $0x2  }
0x42c: {  	s0 =	rddreg [dreg:$0x0];
	s2 =	stileid.u32  }
0x42d: {  	s1 =	rddreg [dreg:$0x1];
	p0 =	sne.s32 s2, $0x0  }
0x42e: {  	s3 =	rddreg [dreg:$0x2];
	[bflag:$0x3] =	sbarrier.arrive $0xFFFF;
	s2 =	simm.s32 @!p0 $0x1C07  }
0x42f: {  	[timem:s3], [sflag:s2] =	dma.local @!p0 [hbm:s0], s1  }
0x430: {  	s0 =	simm.s32 @!p0 $0x7  }
0x431: {  	_ =	swait.ge @!p0 [sflag:s0], s1  }
0x432: {  	s1 =	ssub.s32 @!p0 $0x0, s1;
	[sflag:s0] =	ssyncset.done @!p0 $0x0  }
0x433: {  	[sflag:s0] =	ssyncadd.s32 @!p0 s1  }
0x434: {  	[bflag:$0x3] =	sbarrier.arrive $0xFFFF  }
0x435: {  	_ =	shalt  }

</sc_bundles>
